<compile_context>
chip_gen: v7x
topology: tpu7x:2x2x1
jax: 0.10.2.dev20260603
libtpu: 0.0.44.dev20260713+nightly
codegen_flags: <defaults>
</compile_context>

<pallas_src>
import jax
import jax.numpy as jnp
from jax import lax
from jax.experimental import pallas as pl
from jax.experimental.pallas import tpu as pltpu
from jax.experimental.pallas import tpu_sc as plsc

N_NODES = 100000
D = 128
N_POOL = 200000
NC, NS = 2, 16
NW = NC * NS

NCW = 8
XC = 400
XCPW = 31
XSPAN = XC * XCPW
XTAIL = (N_NODES - NCW * XSPAN) // XC

PC = 128
CPWC = 33
CPWP = 54
CSPAN = CPWC * PC
PSPAN = CPWP * PC
PBASE = NCW * CSPAN
PT = 80
NTAIL = (N_POOL - PBASE - (NW - NCW) * PSPAN) // PT


def _sc_body(x_hbm, i0_hbm, i1_hbm, out_hbm,
             i0v, i1v, a_v, b_v, xsh, gsem0, gsem1, ssem0, ssem1):
    w = lax.axis_index("s") * NC + lax.axis_index("c")
    gsem = [gsem0, gsem1]
    ssem = [ssem0, ssem1]
    av = [a_v.at[0], a_v.at[1]]
    bv = [b_v.at[0], b_v.at[1]]

    def run_pool(base, cpw):
        pltpu.async_copy(i0_hbm.at[pl.ds(base, cpw * PC)],
                         i0v.at[pl.ds(0, cpw * PC)], gsem[0])
        pltpu.async_copy(i1_hbm.at[pl.ds(base, cpw * PC)],
                         i1v.at[pl.ds(0, cpw * PC)], gsem[1])
        pltpu.make_async_copy(i0_hbm.at[pl.ds(base, cpw * PC)],
                              i0v.at[pl.ds(0, cpw * PC)], gsem[0]).wait()
        pltpu.make_async_copy(i1_hbm.at[pl.ds(base, cpw * PC)],
                              i1v.at[pl.ds(0, cpw * PC)], gsem[1]).wait()

        def gather_descs(k, p):
            off = k * PC
            return [
                pltpu.make_async_copy(x_hbm.at[i0v.at[pl.ds(off, PC)]],
                                      av[p], gsem[p]),
                pltpu.make_async_copy(x_hbm.at[i1v.at[pl.ds(off, PC)]],
                                      bv[p], gsem[p]),
            ]

        def fire(k, p):
            for d in gather_descs(k, p):
                d.start()

        def compute(p):
            def row(i, carry):
                for j in range(D // 16):
                    s = pl.ds(j * 16, 16)
                    a_v[p, i, s] = (a_v[p, i, s] + b_v[p, i, s]) * 0.5
                return carry

            lax.fori_loop(0, PC, row, 0)

        def consume(k, p):
            for d in gather_descs(k, p):
                d.wait()
            compute(p)
            pltpu.async_copy(av[p],
                             out_hbm.at[pl.ds(N_NODES + base + k * PC, PC), :],
                             ssem[p])

        def wait_store(k, p):
            pltpu.make_async_copy(av[p],
                                  out_hbm.at[pl.ds(N_NODES + base + k * PC, PC), :],
                                  ssem[p]).wait()

        fire(0, 0)

        def pipe(t, carry):
            k1 = 2 * t + 1

            @pl.when(t >= 1)
            def _():
                wait_store(k1 - 2, 1)

            fire(k1, 1)
            consume(k1 - 1, 0)

            k2 = 2 * t + 2
            wait_store(k2 - 2, 0)
            fire(k2, 0)
            consume(k2 - 1, 1)
            return carry

        if cpw % 2 == 0:
            lax.fori_loop(0, (cpw - 2) // 2, pipe, 0)
            wait_store(cpw - 3, 1)
            fire(cpw - 1, 1)
            consume(cpw - 2, 0)
            consume(cpw - 1, 1)
            wait_store(cpw - 2, 0)
            wait_store(cpw - 1, 1)
        else:
            lax.fori_loop(0, (cpw - 1) // 2, pipe, 0)
            consume(cpw - 1, 0)
            wait_store(cpw - 2, 1)
            wait_store(cpw - 1, 0)

    @pl.when(w < NCW)
    def _():
        base = w * XSPAN
        sidx = lax.axis_index("s")
        xb = [xsh.at[sidx, 0], xsh.at[sidx, 1]]

        def fire(k, p):
            pltpu.async_copy(x_hbm.at[pl.ds(base + k * XC, XC), :], xb[p],
                             gsem[p])

        def consume(k, p):
            pltpu.make_async_copy(x_hbm.at[pl.ds(base + k * XC, XC), :],
                                  xb[p], gsem[p]).wait()
            pltpu.async_copy(xb[p], out_hbm.at[pl.ds(base + k * XC, XC), :],
                             ssem[p])

        def wait_store(k, p):
            pltpu.make_async_copy(xb[p],
                                  out_hbm.at[pl.ds(base + k * XC, XC), :],
                                  ssem[p]).wait()

        fire(0, 0)

        def pipe(t, carry):
            k1 = 2 * t + 1

            @pl.when(t >= 1)
            def _():
                wait_store(k1 - 2, 1)

            fire(k1, 1)
            consume(k1 - 1, 0)

            k2 = 2 * t + 2
            wait_store(k2 - 2, 0)
            fire(k2, 0)
            consume(k2 - 1, 1)
            return carry

        lax.fori_loop(0, (XCPW - 1) // 2, pipe, 0)
        consume(XCPW - 1, 0)
        wait_store(XCPW - 2, 1)
        wait_store(XCPW - 1, 0)

        @pl.when(w < XTAIL)
        def _():
            tb = NCW * XSPAN + w * XC
            pltpu.sync_copy(x_hbm.at[pl.ds(tb, XC), :], xb[0])
            pltpu.sync_copy(xb[0], out_hbm.at[pl.ds(tb, XC), :])

        run_pool(w * CSPAN, CPWC)

    @pl.when(w >= NCW)
    def _():
        run_pool(PBASE + (w - NCW) * PSPAN, CPWP)

    @pl.when(w >= 4)
    def _():
        @pl.when(w - 4 < NTAIL)
        def _():
            wt = w - 4
            tbase = PBASE + (NW - NCW) * PSPAN + wt * PT
            av0 = a_v.at[0, pl.ds(0, PT), :]
            bv0 = b_v.at[0, pl.ds(0, PT), :]
            pltpu.sync_copy(i0_hbm.at[pl.ds(tbase, PT)], i0v.at[pl.ds(0, PT)])
            pltpu.sync_copy(i1_hbm.at[pl.ds(tbase, PT)], i1v.at[pl.ds(0, PT)])
            pltpu.async_copy(x_hbm.at[i0v.at[pl.ds(0, PT)]], av0, gsem[0])
            pltpu.async_copy(x_hbm.at[i1v.at[pl.ds(0, PT)]], bv0, gsem[0])
            pltpu.make_async_copy(x_hbm.at[i0v.at[pl.ds(0, PT)]], av0,
                                  gsem[0]).wait()
            pltpu.make_async_copy(x_hbm.at[i1v.at[pl.ds(0, PT)]], bv0,
                                  gsem[0]).wait()

            def trow(i, carry):
                for j in range(D // 16):
                    s = pl.ds(j * 16, 16)
                    a_v[0, i, s] = (a_v[0, i, s] + b_v[0, i, s]) * 0.5
                return carry

            lax.fori_loop(0, PT, trow, 0)
            pltpu.sync_copy(av0, out_hbm.at[pl.ds(N_NODES + tbase, PT), :])


def kernel(X, pool_idx):
    idx0 = pool_idx[:, 0]
    idx1 = pool_idx[:, 1]
    mesh = plsc.VectorSubcoreMesh(core_axis_name="c", subcore_axis_name="s")
    f = pl.kernel(
        _sc_body,
        out_type=jax.ShapeDtypeStruct((N_NODES + N_POOL, D), jnp.float32),
        mesh=mesh,
        scratch_types=[
            pltpu.VMEM((CPWP * PC,), jnp.int32),
            pltpu.VMEM((CPWP * PC,), jnp.int32),
            pltpu.VMEM((2, PC, D), jnp.float32),
            pltpu.VMEM((2, PC, D), jnp.float32),
            pltpu.VMEM_SHARED((NCW // NC, 2, XC, D), jnp.float32),
            pltpu.SemaphoreType.DMA,
            pltpu.SemaphoreType.DMA,
            pltpu.SemaphoreType.DMA,
            pltpu.SemaphoreType.DMA,
        ],
    )
    return f(X, idx0, idx1)

# --- scband reference (transcript-rebuilt; emitter-appended) ---
"""Pipeline reference for scband-graph-pooling-74071005986925 (READ-ONLY COPY).

The authoritative reference and input builder live on the scoring server;
editing this copy changes nothing except your own understanding.
"""

import jax, jax.numpy as jnp
import numpy as np

N_NODES = 100000
D_FEAT = 128
N_POOL = 200000

def setup_inputs(seed: int = 0) -> dict:
    key = jax.random.key(seed)
    k1, k2 = jax.random.split(key)
    X = jax.random.normal(k1, (N_NODES, D_FEAT), dtype=jnp.float32)
    pool_idx = jax.random.randint(k2, (N_POOL, 2), 0, N_ODES if False else N_NODES, dtype=jnp.int32)
    return {"X": X, "pool_idx": pool_idx}

def reference(X, pool_idx):
    # tf.gather(X, pool_idx) -> [N_POOL, 2, D]; reduce_sum over axis 1; scale by 1/2
    gathered = jnp.take(X, pool_idx, axis=0)
    add_feat = 0.5 * jnp.sum(gathered, axis=1)
    # tf.concat([X, add_feat], 0)
    outputs = jnp.concatenate([X, add_feat], axis=0)
    return outputs

if __name__ == "__main__":
    import jax
    _d = setup_inputs()
    print(jax.jit(kernel)(*tuple(_d.values())))

</pallas_src>

<mosaic_0001>
#map = affine_map<(d0, d1) -> (0, 0)>
#map1 = affine_map<(d0, d1) -> (0)>
module attributes {stable_mosaic.version = 14 : i64} {
  func.func @_sc_body(%arg0: i32, %arg1: i32, %arg2: memref<100000x128xf32, #tpu.memory_space<hbm>>, %arg3: memref<200000xi32, #tpu.memory_space<hbm>>, %arg4: memref<200000xi32, #tpu.memory_space<hbm>>, %arg5: memref<300000x128xf32, #tpu.memory_space<hbm>>, %arg6: memref<6912xi32, #tpu.memory_space<vmem>>, %arg7: memref<6912xi32, #tpu.memory_space<vmem>>, %arg8: memref<2x128x128xf32, #tpu.memory_space<vmem>>, %arg9: memref<2x128x128xf32, #tpu.memory_space<vmem>>, %arg10: memref<4x2x400x128xf32, #tpu.memory_space<vmem_shared>>, %arg11: memref<!tpu.dma_semaphore, #tpu.memory_space<semaphore_mem>>, %arg12: memref<!tpu.dma_semaphore, #tpu.memory_space<semaphore_mem>>, %arg13: memref<!tpu.dma_semaphore, #tpu.memory_space<semaphore_mem>>, %arg14: memref<!tpu.dma_semaphore, #tpu.memory_space<semaphore_mem>>) attributes {dimension_semantics = [#tpu.dimension_semantics<core_parallel>, #tpu.dimension_semantics<subcore_parallel>], iteration_bounds = array<i64: 2, 16>, scalar_prefetch = 0 : i64, scratch_operands = 9 : i64, tpu.core_type = #tpu.core_type<sc_vector_subcore>, window_params = [{transform_indices = #map}, {transform_indices = #map1}, {transform_indices = #map1}, {transform_indices = #map}]} {
    %mul3A = arith.constant 2 : i32
    %mul3A_0 = arith.muli %arg1, %mul3A : i32
    %add3A = arith.addi %mul3A_0, %arg0 : i32
    %lt3A = arith.constant 8 : i32
    %lt3A_1 = arith.cmpi slt, %add3A, %lt3A : i32
    %convert_element_type3A = arith.extui %lt3A_1 : i1 to i32
    %cond3A = arith.constant 0 : i32
    %cond3A_2 = arith.constant 0 : i32
    %cond3A_3 = arith.constant 1 : i32
    %cond3A_4 = arith.constant 1 : i32
    %cond3A_5 = arith.constant 0 : i32
    %cond3A_6 = arith.cmpi ne, %convert_element_type3A, %cond3A_5 : i32
    scf.if %cond3A_6 {
      %mul3A_20 = arith.constant 12400 : i32
      %mul3A_21 = arith.muli %add3A, %mul3A_20 : i32
      %add3A_22 = arith.constant 0 : i32
      %add3A_23 = arith.addi %mul3A_21, %add3A_22 : i32
      %dma_start3A = arith.constant 0 : i32
      %dma_start3A_24 = arith.constant 0 : i32
      %dma_start3A_25 = arith.constant 0 : i32
      %dma_start3A_26 = tpu.memref_slice %arg10[%arg1, %dma_start3A, %dma_start3A_24, %dma_start3A_25] : memref<4x2x400x128xf32, #tpu.memory_space<vmem_shared>> -> memref<1x1x400x128xf32, #tpu.memory_space<vmem_shared>>
      %dma_start3A_27 = tpu.memref_squeeze %dma_start3A_26 : memref<1x1x400x128xf32, #tpu.memory_space<vmem_shared>> -> memref<400x128xf32, #tpu.memory_space<vmem_shared>>
      %dma_start3A_28 = arith.constant 0 : i32
      %dma_start3A_29 = tpu.memref_slice %arg2[%add3A_23, %dma_start3A_28] : memref<100000x128xf32, #tpu.memory_space<hbm>> -> memref<400x128xf32, #tpu.memory_space<hbm>>
      tpu.enqueue_dma source(%dma_start3A_29 : memref<400x128xf32, #tpu.memory_space<hbm>>) target(%dma_start3A_27 : memref<400x128xf32, #tpu.memory_space<vmem_shared>>) target_semaphore(%arg11 : memref<!tpu.dma_semaphore, #tpu.memory_space<semaphore_mem>>)
      %scan3A = arith.constant 0 : i32
      %scan3A_30 = arith.constant 1 : i32
      %scan3A_31 = arith.constant 0 : i32
      %scan3A_32 = arith.constant 0 : i32
      %scan3A_33 = arith.constant 15 : i32
      %scan3A_34 = arith.addi %scan3A_32, %scan3A_33 : i32
      %scan3A_35 = arith.constant 1 : i32
      scf.for %scan3A_200 = %scan3A_32 to %scan3A_34 step %scan3A_35  : i32 {
        %mul3A_201 = arith.constant 2 : i32
        %mul3A_202 = arith.muli %mul3A_201, %scan3A_200 : i32
        %add3A_203 = arith.constant 1 : i32
        %add3A_204 = arith.addi %mul3A_202, %add3A_203 : i32
        %ge3A_205 = arith.constant 1 : i32
        %ge3A_206 = arith.cmpi sge, %scan3A_200, %ge3A_205 : i32
        %convert_element_type3A_207 = arith.extui %ge3A_206 : i1 to i32
        %cond3A_208 = arith.constant 0 : i32
        %cond3A_209 = arith.cmpi ne, %convert_element_type3A_207, %cond3A_208 : i32
        scf.if %cond3A_209 {
          %sub3A_282 = arith.constant 2 : i32
          %sub3A_283 = arith.subi %add3A_204, %sub3A_282 : i32
          %mul3A_284 = arith.constant 400 : i32
          %mul3A_285 = arith.muli %sub3A_283, %mul3A_284 : i32
          %add3A_286 = arith.addi %mul3A_21, %mul3A_285 : i32
          %dma_wait3A_287 = arith.constant 0 : i32
          %dma_wait3A_288 = tpu.memref_slice %arg5[%add3A_286, %dma_wait3A_287] : memref<300000x128xf32, #tpu.memory_space<hbm>> -> memref<400x128xf32, #tpu.memory_space<hbm>>
          %dma_wait3A_289 = arith.constant 0 : i32
          %dma_wait3A_290 = arith.constant 0 : i32
          %dma_wait3A_291 = tpu.memref_slice %arg10[%arg1, %scan3A_30, %dma_wait3A_289, %dma_wait3A_290] : memref<4x2x400x128xf32, #tpu.memory_space<vmem_shared>> -> memref<1x1x400x128xf32, #tpu.memory_space<vmem_shared>>
          %dma_wait3A_292 = tpu.memref_squeeze %dma_wait3A_291 : memref<1x1x400x128xf32, #tpu.memory_space<vmem_shared>> -> memref<400x128xf32, #tpu.memory_space<vmem_shared>>
          tpu.wait_dma2 semaphore(%arg14 : memref<!tpu.dma_semaphore, #tpu.memory_space<semaphore_mem>>) src(%dma_wait3A_292 : memref<400x128xf32, #tpu.memory_space<vmem_shared>>) dst(%dma_wait3A_288 : memref<400x128xf32, #tpu.memory_space<hbm>>)
        } else {
        }
        %mul3A_210 = arith.constant 400 : i32
        %mul3A_211 = arith.muli %add3A_204, %mul3A_210 : i32
        %add3A_212 = arith.addi %mul3A_21, %mul3A_211 : i32
        %dma_start3A_213 = arith.constant 0 : i32
        %dma_start3A_214 = arith.constant 0 : i32
        %dma_start3A_215 = tpu.memref_slice %arg10[%arg1, %scan3A_30, %dma_start3A_213, %dma_start3A_214] : memref<4x2x400x128xf32, #tpu.memory_space<vmem_shared>> -> memref<1x1x400x128xf32, #tpu.memory_space<vmem_shared>>
        %dma_start3A_216 = tpu.memref_squeeze %dma_start3A_215 : memref<1x1x400x128xf32, #tpu.memory_space<vmem_shared>> -> memref<400x128xf32, #tpu.memory_space<vmem_shared>>
        %dma_start3A_217 = arith.constant 0 : i32
        %dma_start3A_218 = tpu.memref_slice %arg2[%add3A_212, %dma_start3A_217] : memref<100000x128xf32, #tpu.memory_space<hbm>> -> memref<400x128xf32, #tpu.memory_space<hbm>>
        tpu.enqueue_dma source(%dma_start3A_218 : memref<400x128xf32, #tpu.memory_space<hbm>>) target(%dma_start3A_216 : memref<400x128xf32, #tpu.memory_space<vmem_shared>>) target_semaphore(%arg12 : memref<!tpu.dma_semaphore, #tpu.memory_space<semaphore_mem>>)
        %sub3A = arith.constant 1 : i32
        %sub3A_219 = arith.subi %add3A_204, %sub3A : i32
        %mul3A_220 = arith.constant 400 : i32
        %mul3A_221 = arith.muli %sub3A_219, %mul3A_220 : i32
        %add3A_222 = arith.addi %mul3A_21, %mul3A_221 : i32
        %dma_wait3A_223 = arith.constant 0 : i32
        %dma_wait3A_224 = arith.constant 0 : i32
        %dma_wait3A_225 = tpu.memref_slice %arg10[%arg1, %scan3A_31, %dma_wait3A_223, %dma_wait3A_224] : memref<4x2x400x128xf32, #tpu.memory_space<vmem_shared>> -> memref<1x1x400x128xf32, #tpu.memory_space<vmem_shared>>
        %dma_wait3A_226 = tpu.memref_squeeze %dma_wait3A_225 : memref<1x1x400x128xf32, #tpu.memory_space<vmem_shared>> -> memref<400x128xf32, #tpu.memory_space<vmem_shared>>
        %dma_wait3A_227 = arith.constant 0 : i32
        %dma_wait3A_228 = tpu.memref_slice %arg2[%add3A_222, %dma_wait3A_227] : memref<100000x128xf32, #tpu.memory_space<hbm>> -> memref<400x128xf32, #tpu.memory_space<hbm>>
        tpu.wait_dma2 semaphore(%arg11 : memref<!tpu.dma_semaphore, #tpu.memory_space<semaphore_mem>>) src(%dma_wait3A_228 : memref<400x128xf32, #tpu.memory_space<hbm>>) dst(%dma_wait3A_226 : memref<400x128xf32, #tpu.memory_space<vmem_shared>>)
        %mul3A_229 = arith.constant 400 : i32
        %mul3A_230 = arith.muli %sub3A_219, %mul3A_229 : i32
        %add3A_231 = arith.addi %mul3A_21, %mul3A_230 : i32
        %dma_start3A_232 = arith.constant 0 : i32
        %dma_start3A_233 = tpu.memref_slice %arg5[%add3A_231, %dma_start3A_232] : memref<300000x128xf32, #tpu.memory_space<hbm>> -> memref<400x128xf32, #tpu.memory_space<hbm>>
        %dma_start3A_234 = arith.constant 0 : i32
        %dma_start3A_235 = arith.constant 0 : i32
        %dma_start3A_236 = tpu.memref_slice %arg10[%arg1, %scan3A_31, %dma_start3A_234, %dma_start3A_235] : memref<4x2x400x128xf32, #tpu.memory_space<vmem_shared>> -> memref<1x1x400x128xf32, #tpu.memory_space<vmem_shared>>
        %dma_start3A_237 = tpu.memref_squeeze %dma_start3A_236 : memref<1x1x400x128xf32, #tpu.memory_space<vmem_shared>> -> memref<400x128xf32, #tpu.memory_space<vmem_shared>>
        tpu.enqueue_dma source(%dma_start3A_237 : memref<400x128xf32, #tpu.memory_space<vmem_shared>>) target(%dma_start3A_233 : memref<400x128xf32, #tpu.memory_space<hbm>>) target_semaphore(%arg13 : memref<!tpu.dma_semaphore, #tpu.memory_space<semaphore_mem>>)
        %mul3A_238 = arith.constant 2 : i32
        %mul3A_239 = arith.muli %mul3A_238, %scan3A_200 : i32
        %add3A_240 = arith.constant 2 : i32
        %add3A_241 = arith.addi %mul3A_239, %add3A_240 : i32
        %sub3A_242 = arith.constant 2 : i32
        %sub3A_243 = arith.subi %add3A_241, %sub3A_242 : i32
        %mul3A_244 = arith.constant 400 : i32
        %mul3A_245 = arith.muli %sub3A_243, %mul3A_244 : i32
        %add3A_246 = arith.addi %mul3A_21, %mul3A_245 : i32
        %dma_wait3A_247 = arith.constant 0 : i32
        %dma_wait3A_248 = tpu.memref_slice %arg5[%add3A_246, %dma_wait3A_247] : memref<300000x128xf32, #tpu.memory_space<hbm>> -> memref<400x128xf32, #tpu.memory_space<hbm>>
        %dma_wait3A_249 = arith.constant 0 : i32
        %dma_wait3A_250 = arith.constant 0 : i32
        %dma_wait3A_251 = tpu.memref_slice %arg10[%arg1, %scan3A_31, %dma_wait3A_249, %dma_wait3A_250] : memref<4x2x400x128xf32, #tpu.memory_space<vmem_shared>> -> memref<1x1x400x128xf32, #tpu.memory_space<vmem_shared>>
        %dma_wait3A_252 = tpu.memref_squeeze %dma_wait3A_251 : memref<1x1x400x128xf32, #tpu.memory_space<vmem_shared>> -> memref<400x128xf32, #tpu.memory_space<vmem_shared>>
        tpu.wait_dma2 semaphore(%arg13 : memref<!tpu.dma_semaphore, #tpu.memory_space<semaphore_mem>>) src(%dma_wait3A_252 : memref<400x128xf32, #tpu.memory_space<vmem_shared>>) dst(%dma_wait3A_248 : memref<400x128xf32, #tpu.memory_space<hbm>>)
        %mul3A_253 = arith.constant 400 : i32
        %mul3A_254 = arith.muli %add3A_241, %mul3A_253 : i32
        %add3A_255 = arith.addi %mul3A_21, %mul3A_254 : i32
        %dma_start3A_256 = arith.constant 0 : i32
        %dma_start3A_257 = arith.constant 0 : i32
        %dma_start3A_258 = tpu.memref_slice %arg10[%arg1, %scan3A_31, %dma_start3A_256, %dma_start3A_257] : memref<4x2x400x128xf32, #tpu.memory_space<vmem_shared>> -> memref<1x1x400x128xf32, #tpu.memory_space<vmem_shared>>
        %dma_start3A_259 = tpu.memref_squeeze %dma_start3A_258 : memref<1x1x400x128xf32, #tpu.memory_space<vmem_shared>> -> memref<400x128xf32, #tpu.memory_space<vmem_shared>>
        %dma_start3A_260 = arith.constant 0 : i32
        %dma_start3A_261 = tpu.memref_slice %arg2[%add3A_255, %dma_start3A_260] : memref<100000x128xf32, #tpu.memory_space<hbm>> -> memref<400x128xf32, #tpu.memory_space<hbm>>
        tpu.enqueue_dma source(%dma_start3A_261 : memref<400x128xf32, #tpu.memory_space<hbm>>) target(%dma_start3A_259 : memref<400x128xf32, #tpu.memory_space<vmem_shared>>) target_semaphore(%arg11 : memref<!tpu.dma_semaphore, #tpu.memory_space<semaphore_mem>>)
        %sub3A_262 = arith.constant 1 : i32
        %sub3A_263 = arith.subi %add3A_241, %sub3A_262 : i32
        %mul3A_264 = arith.constant 400 : i32
        %mul3A_265 = arith.muli %sub3A_263, %mul3A_264 : i32
        %add3A_266 = arith.addi %mul3A_21, %mul3A_265 : i32
        %dma_wait3A_267 = arith.constant 0 : i32
        %dma_wait3A_268 = arith.constant 0 : i32
        %dma_wait3A_269 = tpu.memref_slice %arg10[%arg1, %scan3A_30, %dma_wait3A_267, %dma_wait3A_268] : memref<4x2x400x128xf32, #tpu.memory_space<vmem_shared>> -> memref<1x1x400x128xf32, #tpu.memory_space<vmem_shared>>
        %dma_wait3A_270 = tpu.memref_squeeze %dma_wait3A_269 : memref<1x1x400x128xf32, #tpu.memory_space<vmem_shared>> -> memref<400x128xf32, #tpu.memory_space<vmem_shared>>
        %dma_wait3A_271 = arith.constant 0 : i32
        %dma_wait3A_272 = tpu.memref_slice %arg2[%add3A_266, %dma_wait3A_271] : memref<100000x128xf32, #tpu.memory_space<hbm>> -> memref<400x128xf32, #tpu.memory_space<hbm>>
        tpu.wait_dma2 semaphore(%arg12 : memref<!tpu.dma_semaphore, #tpu.memory_space<semaphore_mem>>) src(%dma_wait3A_272 : memref<400x128xf32, #tpu.memory_space<hbm>>) dst(%dma_wait3A_270 : memref<400x128xf32, #tpu.memory_space<vmem_shared>>)
        %mul3A_273 = arith.constant 400 : i32
        %mul3A_274 = arith.muli %sub3A_263, %mul3A_273 : i32
        %add3A_275 = arith.addi %mul3A_21, %mul3A_274 : i32
        %dma_start3A_276 = arith.constant 0 : i32
        %dma_start3A_277 = tpu.memref_slice %arg5[%add3A_275, %dma_start3A_276] : memref<300000x128xf32, #tpu.memory_space<hbm>> -> memref<400x128xf32, #tpu.memory_space<hbm>>
        %dma_start3A_278 = arith.constant 0 : i32
        %dma_start3A_279 = arith.constant 0 : i32
        %dma_start3A_280 = tpu.memref_slice %arg10[%arg1, %scan3A_30, %dma_start3A_278, %dma_start3A_279] : memref<4x2x400x128xf32, #tpu.memory_space<vmem_shared>> -> memref<1x1x400x128xf32, #tpu.memory_space<vmem_shared>>
        %dma_start3A_281 = tpu.memref_squeeze %dma_start3A_280 : memref<1x1x400x128xf32, #tpu.memory_space<vmem_shared>> -> memref<400x128xf32, #tpu.memory_space<vmem_shared>>
        tpu.enqueue_dma source(%dma_start3A_281 : memref<400x128xf32, #tpu.memory_space<vmem_shared>>) target(%dma_start3A_277 : memref<400x128xf32, #tpu.memory_space<hbm>>) target_semaphore(%arg14 : memref<!tpu.dma_semaphore, #tpu.memory_space<semaphore_mem>>)
      }
      %scan3A_36 = arith.constant 15 : i32
      %add3A_37 = arith.constant 12000 : i32
      %add3A_38 = arith.addi %mul3A_21, %add3A_37 : i32
      %dma_wait3A = arith.constant 0 : i32
      %dma_wait3A_39 = arith.constant 0 : i32
      %dma_wait3A_40 = arith.constant 0 : i32
      %dma_wait3A_41 = tpu.memref_slice %arg10[%arg1, %dma_wait3A, %dma_wait3A_39, %dma_wait3A_40] : memref<4x2x400x128xf32, #tpu.memory_space<vmem_shared>> -> memref<1x1x400x128xf32, #tpu.memory_space<vmem_shared>>
      %dma_wait3A_42 = tpu.memref_squeeze %dma_wait3A_41 : memref<1x1x400x128xf32, #tpu.memory_space<vmem_shared>> -> memref<400x128xf32, #tpu.memory_space<vmem_shared>>
      %dma_wait3A_43 = arith.constant 0 : i32
      %dma_wait3A_44 = tpu.memref_slice %arg2[%add3A_38, %dma_wait3A_43] : memref<100000x128xf32, #tpu.memory_space<hbm>> -> memref<400x128xf32, #tpu.memory_space<hbm>>
      tpu.wait_dma2 semaphore(%arg11 : memref<!tpu.dma_semaphore, #tpu.memory_space<semaphore_mem>>) src(%dma_wait3A_44 : memref<400x128xf32, #tpu.memory_space<hbm>>) dst(%dma_wait3A_42 : memref<400x128xf32, #tpu.memory_space<vmem_shared>>)
      %add3A_45 = arith.constant 12000 : i32
      %add3A_46 = arith.addi %mul3A_21, %add3A_45 : i32
      %dma_start3A_47 = arith.constant 0 : i32
      %dma_start3A_48 = arith.constant 0 : i32
      %dma_start3A_49 = tpu.memref_slice %arg5[%add3A_46, %dma_start3A_48] : memref<300000x128xf32, #tpu.memory_space<hbm>> -> memref<400x128xf32, #tpu.memory_space<hbm>>
      %dma_start3A_50 = arith.constant 0 : i32
      %dma_start3A_51 = arith.constant 0 : i32
      %dma_start3A_52 = tpu.memref_slice %arg10[%arg1, %dma_start3A_47, %dma_start3A_50, %dma_start3A_51] : memref<4x2x400x128xf32, #tpu.memory_space<vmem_shared>> -> memref<1x1x400x128xf32, #tpu.memory_space<vmem_shared>>
      %dma_start3A_53 = tpu.memref_squeeze %dma_start3A_52 : memref<1x1x400x128xf32, #tpu.memory_space<vmem_shared>> -> memref<400x128xf32, #tpu.memory_space<vmem_shared>>
      tpu.enqueue_dma source(%dma_start3A_53 : memref<400x128xf32, #tpu.memory_space<vmem_shared>>) target(%dma_start3A_49 : memref<400x128xf32, #tpu.memory_space<hbm>>) target_semaphore(%arg13 : memref<!tpu.dma_semaphore, #tpu.memory_space<semaphore_mem>>)
      %add3A_54 = arith.constant 11600 : i32
      %add3A_55 = arith.addi %mul3A_21, %add3A_54 : i32
      %dma_wait3A_56 = arith.constant 1 : i32
      %dma_wait3A_57 = arith.constant 0 : i32
      %dma_wait3A_58 = tpu.memref_slice %arg5[%add3A_55, %dma_wait3A_57] : memref<300000x128xf32, #tpu.memory_space<hbm>> -> memref<400x128xf32, #tpu.memory_space<hbm>>
      %dma_wait3A_59 = arith.constant 0 : i32
      %dma_wait3A_60 = arith.constant 0 : i32
      %dma_wait3A_61 = tpu.memref_slice %arg10[%arg1, %dma_wait3A_56, %dma_wait3A_59, %dma_wait3A_60] : memref<4x2x400x128xf32, #tpu.memory_space<vmem_shared>> -> memref<1x1x400x128xf32, #tpu.memory_space<vmem_shared>>
      %dma_wait3A_62 = tpu.memref_squeeze %dma_wait3A_61 : memref<1x1x400x128xf32, #tpu.memory_space<vmem_shared>> -> memref<400x128xf32, #tpu.memory_space<vmem_shared>>
      tpu.wait_dma2 semaphore(%arg14 : memref<!tpu.dma_semaphore, #tpu.memory_space<semaphore_mem>>) src(%dma_wait3A_62 : memref<400x128xf32, #tpu.memory_space<vmem_shared>>) dst(%dma_wait3A_58 : memref<400x128xf32, #tpu.memory_space<hbm>>)
      %add3A_63 = arith.constant 12000 : i32
      %add3A_64 = arith.addi %mul3A_21, %add3A_63 : i32
      %dma_wait3A_65 = arith.constant 0 : i32
      %dma_wait3A_66 = arith.constant 0 : i32
      %dma_wait3A_67 = tpu.memref_slice %arg5[%add3A_64, %dma_wait3A_66] : memref<300000x128xf32, #tpu.memory_space<hbm>> -> memref<400x128xf32, #tpu.memory_space<hbm>>
      %dma_wait3A_68 = arith.constant 0 : i32
      %dma_wait3A_69 = arith.constant 0 : i32
      %dma_wait3A_70 = tpu.memref_slice %arg10[%arg1, %dma_wait3A_65, %dma_wait3A_68, %dma_wait3A_69] : memref<4x2x400x128xf32, #tpu.memory_space<vmem_shared>> -> memref<1x1x400x128xf32, #tpu.memory_space<vmem_shared>>
      %dma_wait3A_71 = tpu.memref_squeeze %dma_wait3A_70 : memref<1x1x400x128xf32, #tpu.memory_space<vmem_shared>> -> memref<400x128xf32, #tpu.memory_space<vmem_shared>>
      tpu.wait_dma2 semaphore(%arg13 : memref<!tpu.dma_semaphore, #tpu.memory_space<semaphore_mem>>) src(%dma_wait3A_71 : memref<400x128xf32, #tpu.memory_space<vmem_shared>>) dst(%dma_wait3A_67 : memref<400x128xf32, #tpu.memory_space<hbm>>)
      %lt3A_72 = arith.constant 2 : i32
      %lt3A_73 = arith.cmpi slt, %add3A, %lt3A_72 : i32
      %convert_element_type3A_74 = arith.extui %lt3A_73 : i1 to i32
      %cond3A_75 = arith.constant 0 : i32
      %cond3A_76 = arith.constant 0 : i32
      %cond3A_77 = arith.cmpi ne, %convert_element_type3A_74, %cond3A_76 : i32
      scf.if %cond3A_77 {
        %mul3A_200 = arith.constant 400 : i32
        %mul3A_201 = arith.muli %add3A, %mul3A_200 : i32
        %add3A_202 = arith.constant 99200 : i32
        %add3A_203 = arith.addi %add3A_202, %mul3A_201 : i32
        "tpu.region"() ({
          %run_scoped3A = tpu.sem_alloc : memref<!tpu.dma_semaphore, #tpu.memory_space<semaphore_mem>>
          %dma_start3A_204 = arith.constant 0 : i32
          %dma_start3A_205 = arith.constant 0 : i32
          %dma_start3A_206 = tpu.memref_slice %arg10[%arg1, %cond3A_75, %dma_start3A_204, %dma_start3A_205] : memref<4x2x400x128xf32, #tpu.memory_space<vmem_shared>> -> memref<1x1x400x128xf32, #tpu.memory_space<vmem_shared>>
          %dma_start3A_207 = tpu.memref_squeeze %dma_start3A_206 : memref<1x1x400x128xf32, #tpu.memory_space<vmem_shared>> -> memref<400x128xf32, #tpu.memory_space<vmem_shared>>
          %dma_start3A_208 = arith.constant 0 : i32
          %dma_start3A_209 = tpu.memref_slice %arg2[%add3A_203, %dma_start3A_208] : memref<100000x128xf32, #tpu.memory_space<hbm>> -> memref<400x128xf32, #tpu.memory_space<hbm>>
          tpu.enqueue_dma source(%dma_start3A_209 : memref<400x128xf32, #tpu.memory_space<hbm>>) target(%dma_start3A_207 : memref<400x128xf32, #tpu.memory_space<vmem_shared>>) target_semaphore(%run_scoped3A : memref<!tpu.dma_semaphore, #tpu.memory_space<semaphore_mem>>)
          %dma_wait3A_210 = arith.constant 0 : i32
          %dma_wait3A_211 = arith.constant 0 : i32
          %dma_wait3A_212 = tpu.memref_slice %arg10[%arg1, %cond3A_75, %dma_wait3A_210, %dma_wait3A_211] : memref<4x2x400x128xf32, #tpu.memory_space<vmem_shared>> -> memref<1x1x400x128xf32, #tpu.memory_space<vmem_shared>>
          %dma_wait3A_213 = tpu.memref_squeeze %dma_wait3A_212 : memref<1x1x400x128xf32, #tpu.memory_space<vmem_shared>> -> memref<400x128xf32, #tpu.memory_space<vmem_shared>>
          %dma_wait3A_214 = arith.constant 0 : i32
          %dma_wait3A_215 = tpu.memref_slice %arg2[%add3A_203, %dma_wait3A_214] : memref<100000x128xf32, #tpu.memory_space<hbm>> -> memref<400x128xf32, #tpu.memory_space<hbm>>
          tpu.wait_dma2 semaphore(%run_scoped3A : memref<!tpu.dma_semaphore, #tpu.memory_space<semaphore_mem>>) src(%dma_wait3A_215 : memref<400x128xf32, #tpu.memory_space<hbm>>) dst(%dma_wait3A_213 : memref<400x128xf32, #tpu.memory_space<vmem_shared>>)
          tpu.yield
        }) : () -> ()
        "tpu.region"() ({
          %run_scoped3A = tpu.sem_alloc : memref<!tpu.dma_semaphore, #tpu.memory_space<semaphore_mem>>
          %dma_start3A_204 = arith.constant 0 : i32
          %dma_start3A_205 = tpu.memref_slice %arg5[%add3A_203, %dma_start3A_204] : memref<300000x128xf32, #tpu.memory_space<hbm>> -> memref<400x128xf32, #tpu.memory_space<hbm>>
          %dma_start3A_206 = arith.constant 0 : i32
          %dma_start3A_207 = arith.constant 0 : i32
          %dma_start3A_208 = tpu.memref_slice %arg10[%arg1, %cond3A_75, %dma_start3A_206, %dma_start3A_207] : memref<4x2x400x128xf32, #tpu.memory_space<vmem_shared>> -> memref<1x1x400x128xf32, #tpu.memory_space<vmem_shared>>
          %dma_start3A_209 = tpu.memref_squeeze %dma_start3A_208 : memref<1x1x400x128xf32, #tpu.memory_space<vmem_shared>> -> memref<400x128xf32, #tpu.memory_space<vmem_shared>>
          tpu.enqueue_dma source(%dma_start3A_209 : memref<400x128xf32, #tpu.memory_space<vmem_shared>>) target(%dma_start3A_205 : memref<400x128xf32, #tpu.memory_space<hbm>>) target_semaphore(%run_scoped3A : memref<!tpu.dma_semaphore, #tpu.memory_space<semaphore_mem>>)
          %dma_wait3A_210 = arith.constant 0 : i32
          %dma_wait3A_211 = tpu.memref_slice %arg5[%add3A_203, %dma_wait3A_210] : memref<300000x128xf32, #tpu.memory_space<hbm>> -> memref<400x128xf32, #tpu.memory_space<hbm>>
          %dma_wait3A_212 = arith.constant 0 : i32
          %dma_wait3A_213 = arith.constant 0 : i32
          %dma_wait3A_214 = tpu.memref_slice %arg10[%arg1, %cond3A_75, %dma_wait3A_212, %dma_wait3A_213] : memref<4x2x400x128xf32, #tpu.memory_space<vmem_shared>> -> memref<1x1x400x128xf32, #tpu.memory_space<vmem_shared>>
          %dma_wait3A_215 = tpu.memref_squeeze %dma_wait3A_214 : memref<1x1x400x128xf32, #tpu.memory_space<vmem_shared>> -> memref<400x128xf32, #tpu.memory_space<vmem_shared>>
          tpu.wait_dma2 semaphore(%run_scoped3A : memref<!tpu.dma_semaphore, #tpu.memory_space<semaphore_mem>>) src(%dma_wait3A_215 : memref<400x128xf32, #tpu.memory_space<vmem_shared>>) dst(%dma_wait3A_211 : memref<400x128xf32, #tpu.memory_space<hbm>>)
          tpu.yield
        }) : () -> ()
      } else {
      }
      %mul3A_78 = arith.constant 4224 : i32
      %mul3A_79 = arith.muli %add3A, %mul3A_78 : i32
      %dma_start3A_80 = arith.constant 0 : i32
      %dma_start3A_81 = tpu.memref_slice %arg6[%dma_start3A_80] : memref<6912xi32, #tpu.memory_space<vmem>> -> memref<4224xi32, #tpu.memory_space<vmem>>
      %dma_start3A_82 = tpu.memref_slice %arg3[%mul3A_79] : memref<200000xi32, #tpu.memory_space<hbm>> -> memref<4224xi32, #tpu.memory_space<hbm>>
      %dma_start3A_83 = arith.constant 0 : i32
      %dma_start3A_84 = tpu.memref_slice %arg6[%dma_start3A_83] : memref<6912xi32, #tpu.memory_space<vmem>> -> memref<4224xi32, #tpu.memory_space<vmem>>
      %dma_start3A_85 = tpu.memref_slice %arg3[%mul3A_79] : memref<200000xi32, #tpu.memory_space<hbm>> -> memref<4224xi32, #tpu.memory_space<hbm>>
      tpu.enqueue_dma source(%dma_start3A_85 : memref<4224xi32, #tpu.memory_space<hbm>>) target(%dma_start3A_84 : memref<4224xi32, #tpu.memory_space<vmem>>) target_semaphore(%arg11 : memref<!tpu.dma_semaphore, #tpu.memory_space<semaphore_mem>>)
      %dma_start3A_86 = arith.constant 0 : i32
      %dma_start3A_87 = tpu.memref_slice %arg7[%dma_start3A_86] : memref<6912xi32, #tpu.memory_space<vmem>> -> memref<4224xi32, #tpu.memory_space<vmem>>
      %dma_start3A_88 = tpu.memref_slice %arg4[%mul3A_79] : memref<200000xi32, #tpu.memory_space<hbm>> -> memref<4224xi32, #tpu.memory_space<hbm>>
      %dma_start3A_89 = arith.constant 0 : i32
      %dma_start3A_90 = tpu.memref_slice %arg7[%dma_start3A_89] : memref<6912xi32, #tpu.memory_space<vmem>> -> memref<4224xi32, #tpu.memory_space<vmem>>
      %dma_start3A_91 = tpu.memref_slice %arg4[%mul3A_79] : memref<200000xi32, #tpu.memory_space<hbm>> -> memref<4224xi32, #tpu.memory_space<hbm>>
      tpu.enqueue_dma source(%dma_start3A_91 : memref<4224xi32, #tpu.memory_space<hbm>>) target(%dma_start3A_90 : memref<4224xi32, #tpu.memory_space<vmem>>) target_semaphore(%arg12 : memref<!tpu.dma_semaphore, #tpu.memory_space<semaphore_mem>>)
      %dma_wait3A_92 = arith.constant 0 : i32
      %dma_wait3A_93 = tpu.memref_slice %arg6[%dma_wait3A_92] : memref<6912xi32, #tpu.memory_space<vmem>> -> memref<4224xi32, #tpu.memory_space<vmem>>
      %dma_wait3A_94 = tpu.memref_slice %arg3[%mul3A_79] : memref<200000xi32, #tpu.memory_space<hbm>> -> memref<4224xi32, #tpu.memory_space<hbm>>
      %dma_wait3A_95 = arith.constant 0 : i32
      %dma_wait3A_96 = tpu.memref_slice %arg6[%dma_wait3A_95] : memref<6912xi32, #tpu.memory_space<vmem>> -> memref<4224xi32, #tpu.memory_space<vmem>>
      %dma_wait3A_97 = tpu.memref_slice %arg3[%mul3A_79] : memref<200000xi32, #tpu.memory_space<hbm>> -> memref<4224xi32, #tpu.memory_space<hbm>>
      tpu.wait_dma2 semaphore(%arg11 : memref<!tpu.dma_semaphore, #tpu.memory_space<semaphore_mem>>) src(%dma_wait3A_97 : memref<4224xi32, #tpu.memory_space<hbm>>) dst(%dma_wait3A_96 : memref<4224xi32, #tpu.memory_space<vmem>>)
      %dma_wait3A_98 = arith.constant 0 : i32
      %dma_wait3A_99 = tpu.memref_slice %arg7[%dma_wait3A_98] : memref<6912xi32, #tpu.memory_space<vmem>> -> memref<4224xi32, #tpu.memory_space<vmem>>
      %dma_wait3A_100 = tpu.memref_slice %arg4[%mul3A_79] : memref<200000xi32, #tpu.memory_space<hbm>> -> memref<4224xi32, #tpu.memory_space<hbm>>
      %dma_wait3A_101 = arith.constant 0 : i32
      %dma_wait3A_102 = tpu.memref_slice %arg7[%dma_wait3A_101] : memref<6912xi32, #tpu.memory_space<vmem>> -> memref<4224xi32, #tpu.memory_space<vmem>>
      %dma_wait3A_103 = tpu.memref_slice %arg4[%mul3A_79] : memref<200000xi32, #tpu.memory_space<hbm>> -> memref<4224xi32, #tpu.memory_space<hbm>>
      tpu.wait_dma2 semaphore(%arg12 : memref<!tpu.dma_semaphore, #tpu.memory_space<semaphore_mem>>) src(%dma_wait3A_103 : memref<4224xi32, #tpu.memory_space<hbm>>) dst(%dma_wait3A_102 : memref<4224xi32, #tpu.memory_space<vmem>>)
      %dma_start3A_104 = arith.constant 0 : i32
      %dma_start3A_105 = arith.constant 0 : i32
      %dma_start3A_106 = tpu.memref_slice %arg8[%cond3A, %dma_start3A_104, %dma_start3A_105] : memref<2x128x128xf32, #tpu.memory_space<vmem>> -> memref<1x128x128xf32, #tpu.memory_space<vmem>>
      %dma_start3A_107 = tpu.memref_squeeze %dma_start3A_106 : memref<1x128x128xf32, #tpu.memory_space<vmem>> -> memref<128x128xf32, #tpu.memory_space<vmem>>
      %dma_start3A_108 = arith.constant 0 : i32
      %dma_start3A_109 = tpu.memref_slice %arg6[%dma_start3A_108] : memref<6912xi32, #tpu.memory_space<vmem>> -> memref<128xi32, #tpu.memory_space<vmem>>
      %dma_start3A_110 = arith.constant 0 : i32
      %dma_start3A_111 = arith.constant 0 : i32
      %dma_start3A_112 = tpu.memref_slice %arg2[%dma_start3A_110, %dma_start3A_111] : memref<100000x128xf32, #tpu.memory_space<hbm>> -> memref<100000x128xf32, #tpu.memory_space<hbm>>
      tpu.enqueue_indirect_dma source(%dma_start3A_112 : memref<100000x128xf32, #tpu.memory_space<hbm>>) target(%dma_start3A_107 : memref<128x128xf32, #tpu.memory_space<vmem>>) offsets(%dma_start3A_109 : memref<128xi32, #tpu.memory_space<vmem>>) semaphore(%arg11 : memref<!tpu.dma_semaphore, #tpu.memory_space<semaphore_mem>>)
      %dma_start3A_113 = arith.constant 0 : i32
      %dma_start3A_114 = arith.constant 0 : i32
      %dma_start3A_115 = tpu.memref_slice %arg9[%cond3A_2, %dma_start3A_113, %dma_start3A_114] : memref<2x128x128xf32, #tpu.memory_space<vmem>> -> memref<1x128x128xf32, #tpu.memory_space<vmem>>
      %dma_start3A_116 = tpu.memref_squeeze %dma_start3A_115 : memref<1x128x128xf32, #tpu.memory_space<vmem>> -> memref<128x128xf32, #tpu.memory_space<vmem>>
      %dma_start3A_117 = arith.constant 0 : i32
      %dma_start3A_118 = tpu.memref_slice %arg7[%dma_start3A_117] : memref<6912xi32, #tpu.memory_space<vmem>> -> memref<128xi32, #tpu.memory_space<vmem>>
      %dma_start3A_119 = arith.constant 0 : i32
      %dma_start3A_120 = arith.constant 0 : i32
      %dma_start3A_121 = tpu.memref_slice %arg2[%dma_start3A_119, %dma_start3A_120] : memref<100000x128xf32, #tpu.memory_space<hbm>> -> memref<100000x128xf32, #tpu.memory_space<hbm>>
      tpu.enqueue_indirect_dma source(%dma_start3A_121 : memref<100000x128xf32, #tpu.memory_space<hbm>>) target(%dma_start3A_116 : memref<128x128xf32, #tpu.memory_space<vmem>>) offsets(%dma_start3A_118 : memref<128xi32, #tpu.memory_space<vmem>>) semaphore(%arg11 : memref<!tpu.dma_semaphore, #tpu.memory_space<semaphore_mem>>)
      %scan3A_122 = arith.constant 0 : i32
      %scan3A_123 = arith.constant 0 : i32
      %scan3A_124 = arith.constant 16 : i32
      %scan3A_125 = arith.addi %scan3A_123, %scan3A_124 : i32
      %scan3A_126 = arith.constant 1 : i32
      scf.for %scan3A_200 = %scan3A_123 to %scan3A_125 step %scan3A_126  : i32 {
        %mul3A_201 = arith.constant 2 : i32
        %mul3A_202 = arith.muli %mul3A_201, %scan3A_200 : i32
        %add3A_203 = arith.constant 1 : i32
        %add3A_204 = arith.addi %mul3A_202, %add3A_203 : i32
        %ge3A_205 = arith.constant 1 : i32
        %ge3A_206 = arith.cmpi sge, %scan3A_200, %ge3A_205 : i32
        %convert_element_type3A_207 = arith.extui %ge3A_206 : i1 to i32
        %cond3A_208 = arith.constant 0 : i32
        %cond3A_209 = arith.cmpi ne, %convert_element_type3A_207, %cond3A_208 : i32
        scf.if %cond3A_209 {
          %sub3A_354 = arith.constant 2 : i32
          %sub3A_355 = arith.subi %add3A_204, %sub3A_354 : i32
          %add3A_356 = arith.constant 100000 : i32
          %add3A_357 = arith.addi %add3A_356, %mul3A_79 : i32
          %mul3A_358 = arith.constant 128 : i32
          %mul3A_359 = arith.muli %sub3A_355, %mul3A_358 : i32
          %add3A_360 = arith.addi %add3A_357, %mul3A_359 : i32
          %dma_wait3A_361 = arith.constant 0 : i32
          %dma_wait3A_362 = arith.constant 0 : i32
          %dma_wait3A_363 = tpu.memref_slice %arg8[%cond3A_3, %dma_wait3A_361, %dma_wait3A_362] : memref<2x128x128xf32, #tpu.memory_space<vmem>> -> memref<1x128x128xf32, #tpu.memory_space<vmem>>
          %dma_wait3A_364 = tpu.memref_squeeze %dma_wait3A_363 : memref<1x128x128xf32, #tpu.memory_space<vmem>> -> memref<128x128xf32, #tpu.memory_space<vmem>>
          %dma_wait3A_365 = arith.constant 0 : i32
          %dma_wait3A_366 = tpu.memref_slice %arg5[%add3A_360, %dma_wait3A_365] : memref<300000x128xf32, #tpu.memory_space<hbm>> -> memref<128x128xf32, #tpu.memory_space<hbm>>
          %dma_wait3A_367 = arith.constant 0 : i32
          %dma_wait3A_368 = tpu.memref_slice %arg5[%add3A_360, %dma_wait3A_367] : memref<300000x128xf32, #tpu.memory_space<hbm>> -> memref<128x128xf32, #tpu.memory_space<hbm>>
          %dma_wait3A_369 = arith.constant 0 : i32
          %dma_wait3A_370 = arith.constant 0 : i32
          %dma_wait3A_371 = tpu.memref_slice %arg8[%cond3A_3, %dma_wait3A_369, %dma_wait3A_370] : memref<2x128x128xf32, #tpu.memory_space<vmem>> -> memref<1x128x128xf32, #tpu.memory_space<vmem>>
          %dma_wait3A_372 = tpu.memref_squeeze %dma_wait3A_371 : memref<1x128x128xf32, #tpu.memory_space<vmem>> -> memref<128x128xf32, #tpu.memory_space<vmem>>
          tpu.wait_dma2 semaphore(%arg14 : memref<!tpu.dma_semaphore, #tpu.memory_space<semaphore_mem>>) src(%dma_wait3A_372 : memref<128x128xf32, #tpu.memory_space<vmem>>) dst(%dma_wait3A_368 : memref<128x128xf32, #tpu.memory_space<hbm>>)
        } else {
        }
        %mul3A_210 = arith.constant 128 : i32
        %mul3A_211 = arith.muli %add3A_204, %mul3A_210 : i32
        %dma_start3A_212 = arith.constant 0 : i32
        %dma_start3A_213 = arith.constant 0 : i32
        %dma_start3A_214 = tpu.memref_slice %arg8[%cond3A_3, %dma_start3A_212, %dma_start3A_213] : memref<2x128x128xf32, #tpu.memory_space<vmem>> -> memref<1x128x128xf32, #tpu.memory_space<vmem>>
        %dma_start3A_215 = tpu.memref_squeeze %dma_start3A_214 : memref<1x128x128xf32, #tpu.memory_space<vmem>> -> memref<128x128xf32, #tpu.memory_space<vmem>>
        %dma_start3A_216 = tpu.memref_slice %arg6[%mul3A_211] : memref<6912xi32, #tpu.memory_space<vmem>> -> memref<128xi32, #tpu.memory_space<vmem>>
        %dma_start3A_217 = arith.constant 0 : i32
        %dma_start3A_218 = arith.constant 0 : i32
        %dma_start3A_219 = tpu.memref_slice %arg2[%dma_start3A_217, %dma_start3A_218] : memref<100000x128xf32, #tpu.memory_space<hbm>> -> memref<100000x128xf32, #tpu.memory_space<hbm>>
        tpu.enqueue_indirect_dma source(%dma_start3A_219 : memref<100000x128xf32, #tpu.memory_space<hbm>>) target(%dma_start3A_215 : memref<128x128xf32, #tpu.memory_space<vmem>>) offsets(%dma_start3A_216 : memref<128xi32, #tpu.memory_space<vmem>>) semaphore(%arg12 : memref<!tpu.dma_semaphore, #tpu.memory_space<semaphore_mem>>)
        %dma_start3A_220 = arith.constant 0 : i32
        %dma_start3A_221 = arith.constant 0 : i32
        %dma_start3A_222 = tpu.memref_slice %arg9[%cond3A_4, %dma_start3A_220, %dma_start3A_221] : memref<2x128x128xf32, #tpu.memory_space<vmem>> -> memref<1x128x128xf32, #tpu.memory_space<vmem>>
        %dma_start3A_223 = tpu.memref_squeeze %dma_start3A_222 : memref<1x128x128xf32, #tpu.memory_space<vmem>> -> memref<128x128xf32, #tpu.memory_space<vmem>>
        %dma_start3A_224 = tpu.memref_slice %arg7[%mul3A_211] : memref<6912xi32, #tpu.memory_space<vmem>> -> memref<128xi32, #tpu.memory_space<vmem>>
        %dma_start3A_225 = arith.constant 0 : i32
        %dma_start3A_226 = arith.constant 0 : i32
        %dma_start3A_227 = tpu.memref_slice %arg2[%dma_start3A_225, %dma_start3A_226] : memref<100000x128xf32, #tpu.memory_space<hbm>> -> memref<100000x128xf32, #tpu.memory_space<hbm>>
        tpu.enqueue_indirect_dma source(%dma_start3A_227 : memref<100000x128xf32, #tpu.memory_space<hbm>>) target(%dma_start3A_223 : memref<128x128xf32, #tpu.memory_space<vmem>>) offsets(%dma_start3A_224 : memref<128xi32, #tpu.memory_space<vmem>>) semaphore(%arg12 : memref<!tpu.dma_semaphore, #tpu.memory_space<semaphore_mem>>)
        %sub3A = arith.constant 1 : i32
        %sub3A_228 = arith.subi %add3A_204, %sub3A : i32
        %mul3A_229 = arith.constant 128 : i32
        %mul3A_230 = arith.muli %sub3A_228, %mul3A_229 : i32
        %dma_wait3A_231 = arith.constant 0 : i32
        %dma_wait3A_232 = arith.constant 0 : i32
        %dma_wait3A_233 = tpu.memref_slice %arg8[%cond3A, %dma_wait3A_231, %dma_wait3A_232] : memref<2x128x128xf32, #tpu.memory_space<vmem>> -> memref<1x128x128xf32, #tpu.memory_space<vmem>>
        %dma_wait3A_234 = tpu.memref_squeeze %dma_wait3A_233 : memref<1x128x128xf32, #tpu.memory_space<vmem>> -> memref<128x128xf32, #tpu.memory_space<vmem>>
        %dma_wait3A_235 = tpu.memref_slice %arg6[%mul3A_230] : memref<6912xi32, #tpu.memory_space<vmem>> -> memref<128xi32, #tpu.memory_space<vmem>>
        %dma_wait3A_236 = arith.constant 0 : i32
        %dma_wait3A_237 = arith.constant 0 : i32
        %dma_wait3A_238 = tpu.memref_slice %arg2[%dma_wait3A_236, %dma_wait3A_237] : memref<100000x128xf32, #tpu.memory_space<hbm>> -> memref<100000x128xf32, #tpu.memory_space<hbm>>
        tpu.wait_indirect_dma semaphore(%arg11 : memref<!tpu.dma_semaphore, #tpu.memory_space<semaphore_mem>>) src(%dma_wait3A_238 : memref<100000x128xf32, #tpu.memory_space<hbm>>) dst(%dma_wait3A_234 : memref<128x128xf32, #tpu.memory_space<vmem>>)
        %dma_wait3A_239 = arith.constant 0 : i32
        %dma_wait3A_240 = arith.constant 0 : i32
        %dma_wait3A_241 = tpu.memref_slice %arg9[%cond3A_2, %dma_wait3A_239, %dma_wait3A_240] : memref<2x128x128xf32, #tpu.memory_space<vmem>> -> memref<1x128x128xf32, #tpu.memory_space<vmem>>
        %dma_wait3A_242 = tpu.memref_squeeze %dma_wait3A_241 : memref<1x128x128xf32, #tpu.memory_space<vmem>> -> memref<128x128xf32, #tpu.memory_space<vmem>>
        %dma_wait3A_243 = tpu.memref_slice %arg7[%mul3A_230] : memref<6912xi32, #tpu.memory_space<vmem>> -> memref<128xi32, #tpu.memory_space<vmem>>
        %dma_wait3A_244 = arith.constant 0 : i32
        %dma_wait3A_245 = arith.constant 0 : i32
        %dma_wait3A_246 = tpu.memref_slice %arg2[%dma_wait3A_244, %dma_wait3A_245] : memref<100000x128xf32, #tpu.memory_space<hbm>> -> memref<100000x128xf32, #tpu.memory_space<hbm>>
        tpu.wait_indirect_dma semaphore(%arg11 : memref<!tpu.dma_semaphore, #tpu.memory_space<semaphore_mem>>) src(%dma_wait3A_246 : memref<100000x128xf32, #tpu.memory_space<hbm>>) dst(%dma_wait3A_242 : memref<128x128xf32, #tpu.memory_space<vmem>>)
        %scan3A_247 = arith.constant 0 : i32
        %scan3A_248 = arith.constant 0 : i32
        %scan3A_249 = arith.constant 128 : i32
        %scan3A_250 = arith.addi %scan3A_248, %scan3A_249 : i32
        %scan3A_251 = arith.constant 1 : i32
        scf.for %scan3A_354 = %scan3A_248 to %scan3A_250 step %scan3A_251  : i32 {
          %get3A = arith.constant 0 : i32
          %get3A_355 = arith.index_cast %get3A : i32 to index
          %get3A_356 = arith.index_cast %scan3A_354 : i32 to index
          %get3A_357 = arith.constant 0 : index
          %get3A_358 = tpu.vector_load %arg8[%get3A_355, %get3A_356, %get3A_357] {strides = array<i32>} : memref<2x128x128xf32, #tpu.memory_space<vmem>>, vector<1x1x16xf32>,
          %get3A_359 = vector.shape_cast %get3A_358 : vector<1x1x16xf32> to vector<16xf32>
          %get3A_360 = arith.constant 0 : i32
          %get3A_361 = arith.index_cast %get3A_360 : i32 to index
          %get3A_362 = arith.index_cast %scan3A_354 : i32 to index
          %get3A_363 = arith.constant 0 : index
          %get3A_364 = tpu.vector_load %arg9[%get3A_361, %get3A_362, %get3A_363] {strides = array<i32>} : memref<2x128x128xf32, #tpu.memory_space<vmem>>, vector<1x1x16xf32>,
          %get3A_365 = vector.shape_cast %get3A_364 : vector<1x1x16xf32> to vector<16xf32>
          %add3A_366 = arith.addf %get3A_359, %get3A_365 : vector<16xf32>
          %mul3A_367 = arith.constant 5.000000e-01 : f32
          %mul3A_368 = vector.broadcast %mul3A_367 : f32 to vector<16xf32>
          %mul3A_369 = arith.mulf %add3A_366, %mul3A_368 : vector<16xf32>
          %swap3A = arith.constant 0 : i32
          %swap3A_370 = arith.index_cast %swap3A : i32 to index
          %swap3A_371 = arith.index_cast %scan3A_354 : i32 to index
          %swap3A_372 = arith.constant 0 : index
          %swap3A_373 = tpu.vector_load %arg8[%swap3A_370, %swap3A_371, %swap3A_372] {strides = array<i32>} : memref<2x128x128xf32, #tpu.memory_space<vmem>>, vector<1x1x16xf32>,
          %swap3A_374 = vector.shape_cast %swap3A_373 : vector<1x1x16xf32> to vector<16xf32>
          %swap3A_375 = vector.shape_cast %mul3A_369 : vector<16xf32> to vector<1x1x16xf32>
          tpu.vector_store %arg8[%swap3A_370, %swap3A_371, %swap3A_372], %swap3A_375 {strides = array<i32>} : memref<2x128x128xf32, #tpu.memory_space<vmem>>, vector<1x1x16xf32>,
          %get3A_376 = arith.constant 0 : i32
          %get3A_377 = arith.index_cast %get3A_376 : i32 to index
          %get3A_378 = arith.index_cast %scan3A_354 : i32 to index
          %get3A_379 = arith.constant 16 : index
          %get3A_380 = tpu.vector_load %arg8[%get3A_377, %get3A_378, %get3A_379] {strides = array<i32>} : memref<2x128x128xf32, #tpu.memory_space<vmem>>, vector<1x1x16xf32>,
          %get3A_381 = vector.shape_cast %get3A_380 : vector<1x1x16xf32> to vector<16xf32>
          %get3A_382 = arith.constant 0 : i32
          %get3A_383 = arith.index_cast %get3A_382 : i32 to index
          %get3A_384 = arith.index_cast %scan3A_354 : i32 to index
          %get3A_385 = arith.constant 16 : index
          %get3A_386 = tpu.vector_load %arg9[%get3A_383, %get3A_384, %get3A_385] {strides = array<i32>} : memref<2x128x128xf32, #tpu.memory_space<vmem>>, vector<1x1x16xf32>,
          %get3A_387 = vector.shape_cast %get3A_386 : vector<1x1x16xf32> to vector<16xf32>
          %add3A_388 = arith.addf %get3A_381, %get3A_387 : vector<16xf32>
          %mul3A_389 = arith.constant 5.000000e-01 : f32
          %mul3A_390 = vector.broadcast %mul3A_389 : f32 to vector<16xf32>
          %mul3A_391 = arith.mulf %add3A_388, %mul3A_390 : vector<16xf32>
          %swap3A_392 = arith.constant 0 : i32
          %swap3A_393 = arith.index_cast %swap3A_392 : i32 to index
          %swap3A_394 = arith.index_cast %scan3A_354 : i32 to index
          %swap3A_395 = arith.constant 16 : index
          %swap3A_396 = tpu.vector_load %arg8[%swap3A_393, %swap3A_394, %swap3A_395] {strides = array<i32>} : memref<2x128x128xf32, #tpu.memory_space<vmem>>, vector<1x1x16xf32>,
          %swap3A_397 = vector.shape_cast %swap3A_396 : vector<1x1x16xf32> to vector<16xf32>
          %swap3A_398 = vector.shape_cast %mul3A_391 : vector<16xf32> to vector<1x1x16xf32>
          tpu.vector_store %arg8[%swap3A_393, %swap3A_394, %swap3A_395], %swap3A_398 {strides = array<i32>} : memref<2x128x128xf32, #tpu.memory_space<vmem>>, vector<1x1x16xf32>,
          %get3A_399 = arith.constant 0 : i32
          %get3A_400 = arith.index_cast %get3A_399 : i32 to index
          %get3A_401 = arith.index_cast %scan3A_354 : i32 to index
          %get3A_402 = arith.constant 32 : index
          %get3A_403 = tpu.vector_load %arg8[%get3A_400, %get3A_401, %get3A_402] {strides = array<i32>} : memref<2x128x128xf32, #tpu.memory_space<vmem>>, vector<1x1x16xf32>,
          %get3A_404 = vector.shape_cast %get3A_403 : vector<1x1x16xf32> to vector<16xf32>
          %get3A_405 = arith.constant 0 : i32
          %get3A_406 = arith.index_cast %get3A_405 : i32 to index
          %get3A_407 = arith.index_cast %scan3A_354 : i32 to index
          %get3A_408 = arith.constant 32 : index
          %get3A_409 = tpu.vector_load %arg9[%get3A_406, %get3A_407, %get3A_408] {strides = array<i32>} : memref<2x128x128xf32, #tpu.memory_space<vmem>>, vector<1x1x16xf32>,
          %get3A_410 = vector.shape_cast %get3A_409 : vector<1x1x16xf32> to vector<16xf32>
          %add3A_411 = arith.addf %get3A_404, %get3A_410 : vector<16xf32>
          %mul3A_412 = arith.constant 5.000000e-01 : f32
          %mul3A_413 = vector.broadcast %mul3A_412 : f32 to vector<16xf32>
          %mul3A_414 = arith.mulf %add3A_411, %mul3A_413 : vector<16xf32>
          %swap3A_415 = arith.constant 0 : i32
          %swap3A_416 = arith.index_cast %swap3A_415 : i32 to index
          %swap3A_417 = arith.index_cast %scan3A_354 : i32 to index
          %swap3A_418 = arith.constant 32 : index
          %swap3A_419 = tpu.vector_load %arg8[%swap3A_416, %swap3A_417, %swap3A_418] {strides = array<i32>} : memref<2x128x128xf32, #tpu.memory_space<vmem>>, vector<1x1x16xf32>,
          %swap3A_420 = vector.shape_cast %swap3A_419 : vector<1x1x16xf32> to vector<16xf32>
          %swap3A_421 = vector.shape_cast %mul3A_414 : vector<16xf32> to vector<1x1x16xf32>
          tpu.vector_store %arg8[%swap3A_416, %swap3A_417, %swap3A_418], %swap3A_421 {strides = array<i32>} : memref<2x128x128xf32, #tpu.memory_space<vmem>>, vector<1x1x16xf32>,
          %get3A_422 = arith.constant 0 : i32
          %get3A_423 = arith.index_cast %get3A_422 : i32 to index
          %get3A_424 = arith.index_cast %scan3A_354 : i32 to index
          %get3A_425 = arith.constant 48 : index
          %get3A_426 = tpu.vector_load %arg8[%get3A_423, %get3A_424, %get3A_425] {strides = array<i32>} : memref<2x128x128xf32, #tpu.memory_space<vmem>>, vector<1x1x16xf32>,
          %get3A_427 = vector.shape_cast %get3A_426 : vector<1x1x16xf32> to vector<16xf32>
          %get3A_428 = arith.constant 0 : i32
          %get3A_429 = arith.index_cast %get3A_428 : i32 to index
          %get3A_430 = arith.index_cast %scan3A_354 : i32 to index
          %get3A_431 = arith.constant 48 : index
          %get3A_432 = tpu.vector_load %arg9[%get3A_429, %get3A_430, %get3A_431] {strides = array<i32>} : memref<2x128x128xf32, #tpu.memory_space<vmem>>, vector<1x1x16xf32>,
          %get3A_433 = vector.shape_cast %get3A_432 : vector<1x1x16xf32> to vector<16xf32>
          %add3A_434 = arith.addf %get3A_427, %get3A_433 : vector<16xf32>
          %mul3A_435 = arith.constant 5.000000e-01 : f32
          %mul3A_436 = vector.broadcast %mul3A_435 : f32 to vector<16xf32>
          %mul3A_437 = arith.mulf %add3A_434, %mul3A_436 : vector<16xf32>
          %swap3A_438 = arith.constant 0 : i32
          %swap3A_439 = arith.index_cast %swap3A_438 : i32 to index
          %swap3A_440 = arith.index_cast %scan3A_354 : i32 to index
          %swap3A_441 = arith.constant 48 : index
          %swap3A_442 = tpu.vector_load %arg8[%swap3A_439, %swap3A_440, %swap3A_441] {strides = array<i32>} : memref<2x128x128xf32, #tpu.memory_space<vmem>>, vector<1x1x16xf32>,
          %swap3A_443 = vector.shape_cast %swap3A_442 : vector<1x1x16xf32> to vector<16xf32>
          %swap3A_444 = vector.shape_cast %mul3A_437 : vector<16xf32> to vector<1x1x16xf32>
          tpu.vector_store %arg8[%swap3A_439, %swap3A_440, %swap3A_441], %swap3A_444 {strides = array<i32>} : memref<2x128x128xf32, #tpu.memory_space<vmem>>, vector<1x1x16xf32>,
          %get3A_445 = arith.constant 0 : i32
          %get3A_446 = arith.index_cast %get3A_445 : i32 to index
          %get3A_447 = arith.index_cast %scan3A_354 : i32 to index
          %get3A_448 = arith.constant 64 : index
          %get3A_449 = tpu.vector_load %arg8[%get3A_446, %get3A_447, %get3A_448] {strides = array<i32>} : memref<2x128x128xf32, #tpu.memory_space<vmem>>, vector<1x1x16xf32>,
          %get3A_450 = vector.shape_cast %get3A_449 : vector<1x1x16xf32> to vector<16xf32>
          %get3A_451 = arith.constant 0 : i32
          %get3A_452 = arith.index_cast %get3A_451 : i32 to index
          %get3A_453 = arith.index_cast %scan3A_354 : i32 to index
          %get3A_454 = arith.constant 64 : index
          %get3A_455 = tpu.vector_load %arg9[%get3A_452, %get3A_453, %get3A_454] {strides = array<i32>} : memref<2x128x128xf32, #tpu.memory_space<vmem>>, vector<1x1x16xf32>,
          %get3A_456 = vector.shape_cast %get3A_455 : vector<1x1x16xf32> to vector<16xf32>
          %add3A_457 = arith.addf %get3A_450, %get3A_456 : vector<16xf32>
          %mul3A_458 = arith.constant 5.000000e-01 : f32
          %mul3A_459 = vector.broadcast %mul3A_458 : f32 to vector<16xf32>
          %mul3A_460 = arith.mulf %add3A_457, %mul3A_459 : vector<16xf32>
          %swap3A_461 = arith.constant 0 : i32
          %swap3A_462 = arith.index_cast %swap3A_461 : i32 to index
          %swap3A_463 = arith.index_cast %scan3A_354 : i32 to index
          %swap3A_464 = arith.constant 64 : index
          %swap3A_465 = tpu.vector_load %arg8[%swap3A_462, %swap3A_463, %swap3A_464] {strides = array<i32>} : memref<2x128x128xf32, #tpu.memory_space<vmem>>, vector<1x1x16xf32>,
          %swap3A_466 = vector.shape_cast %swap3A_465 : vector<1x1x16xf32> to vector<16xf32>
          %swap3A_467 = vector.shape_cast %mul3A_460 : vector<16xf32> to vector<1x1x16xf32>
          tpu.vector_store %arg8[%swap3A_462, %swap3A_463, %swap3A_464], %swap3A_467 {strides = array<i32>} : memref<2x128x128xf32, #tpu.memory_space<vmem>>, vector<1x1x16xf32>,
          %get3A_468 = arith.constant 0 : i32
          %get3A_469 = arith.index_cast %get3A_468 : i32 to index
          %get3A_470 = arith.index_cast %scan3A_354 : i32 to index
          %get3A_471 = arith.constant 80 : index
          %get3A_472 = tpu.vector_load %arg8[%get3A_469, %get3A_470, %get3A_471] {strides = array<i32>} : memref<2x128x128xf32, #tpu.memory_space<vmem>>, vector<1x1x16xf32>,
          %get3A_473 = vector.shape_cast %get3A_472 : vector<1x1x16xf32> to vector<16xf32>
          %get3A_474 = arith.constant 0 : i32
          %get3A_475 = arith.index_cast %get3A_474 : i32 to index
          %get3A_476 = arith.index_cast %scan3A_354 : i32 to index
          %get3A_477 = arith.constant 80 : index
          %get3A_478 = tpu.vector_load %arg9[%get3A_475, %get3A_476, %get3A_477] {strides = array<i32>} : memref<2x128x128xf32, #tpu.memory_space<vmem>>, vector<1x1x16xf32>,
          %get3A_479 = vector.shape_cast %get3A_478 : vector<1x1x16xf32> to vector<16xf32>
          %add3A_480 = arith.addf %get3A_473, %get3A_479 : vector<16xf32>
          %mul3A_481 = arith.constant 5.000000e-01 : f32
          %mul3A_482 = vector.broadcast %mul3A_481 : f32 to vector<16xf32>
          %mul3A_483 = arith.mulf %add3A_480, %mul3A_482 : vector<16xf32>
          %swap3A_484 = arith.constant 0 : i32
          %swap3A_485 = arith.index_cast %swap3A_484 : i32 to index
          %swap3A_486 = arith.index_cast %scan3A_354 : i32 to index
          %swap3A_487 = arith.constant 80 : index
          %swap3A_488 = tpu.vector_load %arg8[%swap3A_485, %swap3A_486, %swap3A_487] {strides = array<i32>} : memref<2x128x128xf32, #tpu.memory_space<vmem>>, vector<1x1x16xf32>,
          %swap3A_489 = vector.shape_cast %swap3A_488 : vector<1x1x16xf32> to vector<16xf32>
          %swap3A_490 = vector.shape_cast %mul3A_483 : vector<16xf32> to vector<1x1x16xf32>
          tpu.vector_store %arg8[%swap3A_485, %swap3A_486, %swap3A_487], %swap3A_490 {strides = array<i32>} : memref<2x128x128xf32, #tpu.memory_space<vmem>>, vector<1x1x16xf32>,
          %get3A_491 = arith.constant 0 : i32
          %get3A_492 = arith.index_cast %get3A_491 : i32 to index
          %get3A_493 = arith.index_cast %scan3A_354 : i32 to index
          %get3A_494 = arith.constant 96 : index
          %get3A_495 = tpu.vector_load %arg8[%get3A_492, %get3A_493, %get3A_494] {strides = array<i32>} : memref<2x128x128xf32, #tpu.memory_space<vmem>>, vector<1x1x16xf32>,
          %get3A_496 = vector.shape_cast %get3A_495 : vector<1x1x16xf32> to vector<16xf32>
          %get3A_497 = arith.constant 0 : i32
          %get3A_498 = arith.index_cast %get3A_497 : i32 to index
          %get3A_499 = arith.index_cast %scan3A_354 : i32 to index
          %get3A_500 = arith.constant 96 : index
          %get3A_501 = tpu.vector_load %arg9[%get3A_498, %get3A_499, %get3A_500] {strides = array<i32>} : memref<2x128x128xf32, #tpu.memory_space<vmem>>, vector<1x1x16xf32>,
          %get3A_502 = vector.shape_cast %get3A_501 : vector<1x1x16xf32> to vector<16xf32>
          %add3A_503 = arith.addf %get3A_496, %get3A_502 : vector<16xf32>
          %mul3A_504 = arith.constant 5.000000e-01 : f32
          %mul3A_505 = vector.broadcast %mul3A_504 : f32 to vector<16xf32>
          %mul3A_506 = arith.mulf %add3A_503, %mul3A_505 : vector<16xf32>
          %swap3A_507 = arith.constant 0 : i32
          %swap3A_508 = arith.index_cast %swap3A_507 : i32 to index
          %swap3A_509 = arith.index_cast %scan3A_354 : i32 to index
          %swap3A_510 = arith.constant 96 : index
          %swap3A_511 = tpu.vector_load %arg8[%swap3A_508, %swap3A_509, %swap3A_510] {strides = array<i32>} : memref<2x128x128xf32, #tpu.memory_space<vmem>>, vector<1x1x16xf32>,
          %swap3A_512 = vector.shape_cast %swap3A_511 : vector<1x1x16xf32> to vector<16xf32>
          %swap3A_513 = vector.shape_cast %mul3A_506 : vector<16xf32> to vector<1x1x16xf32>
          tpu.vector_store %arg8[%swap3A_508, %swap3A_509, %swap3A_510], %swap3A_513 {strides = array<i32>} : memref<2x128x128xf32, #tpu.memory_space<vmem>>, vector<1x1x16xf32>,
          %get3A_514 = arith.constant 0 : i32
          %get3A_515 = arith.index_cast %get3A_514 : i32 to index
          %get3A_516 = arith.index_cast %scan3A_354 : i32 to index
          %get3A_517 = arith.constant 112 : index
          %get3A_518 = tpu.vector_load %arg8[%get3A_515, %get3A_516, %get3A_517] {strides = array<i32>} : memref<2x128x128xf32, #tpu.memory_space<vmem>>, vector<1x1x16xf32>,
          %get3A_519 = vector.shape_cast %get3A_518 : vector<1x1x16xf32> to vector<16xf32>
          %get3A_520 = arith.constant 0 : i32
          %get3A_521 = arith.index_cast %get3A_520 : i32 to index
          %get3A_522 = arith.index_cast %scan3A_354 : i32 to index
          %get3A_523 = arith.constant 112 : index
          %get3A_524 = tpu.vector_load %arg9[%get3A_521, %get3A_522, %get3A_523] {strides = array<i32>} : memref<2x128x128xf32, #tpu.memory_space<vmem>>, vector<1x1x16xf32>,
          %get3A_525 = vector.shape_cast %get3A_524 : vector<1x1x16xf32> to vector<16xf32>
          %add3A_526 = arith.addf %get3A_519, %get3A_525 : vector<16xf32>
          %mul3A_527 = arith.constant 5.000000e-01 : f32
          %mul3A_528 = vector.broadcast %mul3A_527 : f32 to vector<16xf32>
          %mul3A_529 = arith.mulf %add3A_526, %mul3A_528 : vector<16xf32>
          %swap3A_530 = arith.constant 0 : i32
          %swap3A_531 = arith.index_cast %swap3A_530 : i32 to index
          %swap3A_532 = arith.index_cast %scan3A_354 : i32 to index
          %swap3A_533 = arith.constant 112 : index
          %swap3A_534 = tpu.vector_load %arg8[%swap3A_531, %swap3A_532, %swap3A_533] {strides = array<i32>} : memref<2x128x128xf32, #tpu.memory_space<vmem>>, vector<1x1x16xf32>,
          %swap3A_535 = vector.shape_cast %swap3A_534 : vector<1x1x16xf32> to vector<16xf32>
          %swap3A_536 = vector.shape_cast %mul3A_529 : vector<16xf32> to vector<1x1x16xf32>
          tpu.vector_store %arg8[%swap3A_531, %swap3A_532, %swap3A_533], %swap3A_536 {strides = array<i32>} : memref<2x128x128xf32, #tpu.memory_space<vmem>>, vector<1x1x16xf32>,
        }
        %scan3A_252 = arith.constant 128 : i32
        %add3A_253 = arith.constant 100000 : i32
        %add3A_254 = arith.addi %add3A_253, %mul3A_79 : i32
        %mul3A_255 = arith.constant 128 : i32
        %mul3A_256 = arith.muli %sub3A_228, %mul3A_255 : i32
        %add3A_257 = arith.addi %add3A_254, %mul3A_256 : i32
        %dma_start3A_258 = arith.constant 0 : i32
        %dma_start3A_259 = arith.constant 0 : i32
        %dma_start3A_260 = tpu.memref_slice %arg8[%cond3A, %dma_start3A_258, %dma_start3A_259] : memref<2x128x128xf32, #tpu.memory_space<vmem>> -> memref<1x128x128xf32, #tpu.memory_space<vmem>>
        %dma_start3A_261 = tpu.memref_squeeze %dma_start3A_260 : memref<1x128x128xf32, #tpu.memory_space<vmem>> -> memref<128x128xf32, #tpu.memory_space<vmem>>
        %dma_start3A_262 = arith.constant 0 : i32
        %dma_start3A_263 = tpu.memref_slice %arg5[%add3A_257, %dma_start3A_262] : memref<300000x128xf32, #tpu.memory_space<hbm>> -> memref<128x128xf32, #tpu.memory_space<hbm>>
        %dma_start3A_264 = arith.constant 0 : i32
        %dma_start3A_265 = tpu.memref_slice %arg5[%add3A_257, %dma_start3A_264] : memref<300000x128xf32, #tpu.memory_space<hbm>> -> memref<128x128xf32, #tpu.memory_space<hbm>>
        %dma_start3A_266 = arith.constant 0 : i32
        %dma_start3A_267 = arith.constant 0 : i32
        %dma_start3A_268 = tpu.memref_slice %arg8[%cond3A, %dma_start3A_266, %dma_start3A_267] : memref<2x128x128xf32, #tpu.memory_space<vmem>> -> memref<1x128x128xf32, #tpu.memory_space<vmem>>
        %dma_start3A_269 = tpu.memref_squeeze %dma_start3A_268 : memref<1x128x128xf32, #tpu.memory_space<vmem>> -> memref<128x128xf32, #tpu.memory_space<vmem>>
        tpu.enqueue_dma source(%dma_start3A_269 : memref<128x128xf32, #tpu.memory_space<vmem>>) target(%dma_start3A_265 : memref<128x128xf32, #tpu.memory_space<hbm>>) target_semaphore(%arg13 : memref<!tpu.dma_semaphore, #tpu.memory_space<semaphore_mem>>)
        %mul3A_270 = arith.constant 2 : i32
        %mul3A_271 = arith.muli %mul3A_270, %scan3A_200 : i32
        %add3A_272 = arith.constant 2 : i32
        %add3A_273 = arith.addi %mul3A_271, %add3A_272 : i32
        %sub3A_274 = arith.constant 2 : i32
        %sub3A_275 = arith.subi %add3A_273, %sub3A_274 : i32
        %add3A_276 = arith.constant 100000 : i32
        %add3A_277 = arith.addi %add3A_276, %mul3A_79 : i32
        %mul3A_278 = arith.constant 128 : i32
        %mul3A_279 = arith.muli %sub3A_275, %mul3A_278 : i32
        %add3A_280 = arith.addi %add3A_277, %mul3A_279 : i32
        %dma_wait3A_281 = arith.constant 0 : i32
        %dma_wait3A_282 = arith.constant 0 : i32
        %dma_wait3A_283 = tpu.memref_slice %arg8[%cond3A, %dma_wait3A_281, %dma_wait3A_282] : memref<2x128x128xf32, #tpu.memory_space<vmem>> -> memref<1x128x128xf32, #tpu.memory_space<vmem>>
        %dma_wait3A_284 = tpu.memref_squeeze %dma_wait3A_283 : memref<1x128x128xf32, #tpu.memory_space<vmem>> -> memref<128x128xf32, #tpu.memory_space<vmem>>
        %dma_wait3A_285 = arith.constant 0 : i32
        %dma_wait3A_286 = tpu.memref_slice %arg5[%add3A_280, %dma_wait3A_285] : memref<300000x128xf32, #tpu.memory_space<hbm>> -> memref<128x128xf32, #tpu.memory_space<hbm>>
        %dma_wait3A_287 = arith.constant 0 : i32
        %dma_wait3A_288 = tpu.memref_slice %arg5[%add3A_280, %dma_wait3A_287] : memref<300000x128xf32, #tpu.memory_space<hbm>> -> memref<128x128xf32, #tpu.memory_space<hbm>>
        %dma_wait3A_289 = arith.constant 0 : i32
        %dma_wait3A_290 = arith.constant 0 : i32
        %dma_wait3A_291 = tpu.memref_slice %arg8[%cond3A, %dma_wait3A_289, %dma_wait3A_290] : memref<2x128x128xf32, #tpu.memory_space<vmem>> -> memref<1x128x128xf32, #tpu.memory_space<vmem>>
        %dma_wait3A_292 = tpu.memref_squeeze %dma_wait3A_291 : memref<1x128x128xf32, #tpu.memory_space<vmem>> -> memref<128x128xf32, #tpu.memory_space<vmem>>
        tpu.wait_dma2 semaphore(%arg13 : memref<!tpu.dma_semaphore, #tpu.memory_space<semaphore_mem>>) src(%dma_wait3A_292 : memref<128x128xf32, #tpu.memory_space<vmem>>) dst(%dma_wait3A_288 : memref<128x128xf32, #tpu.memory_space<hbm>>)
        %mul3A_293 = arith.constant 128 : i32
        %mul3A_294 = arith.muli %add3A_273, %mul3A_293 : i32
        %dma_start3A_295 = arith.constant 0 : i32
        %dma_start3A_296 = arith.constant 0 : i32
        %dma_start3A_297 = tpu.memref_slice %arg8[%cond3A, %dma_start3A_295, %dma_start3A_296] : memref<2x128x128xf32, #tpu.memory_space<vmem>> -> memref<1x128x128xf32, #tpu.memory_space<vmem>>
        %dma_start3A_298 = tpu.memref_squeeze %dma_start3A_297 : memref<1x128x128xf32, #tpu.memory_space<vmem>> -> memref<128x128xf32, #tpu.memory_space<vmem>>
        %dma_start3A_299 = tpu.memref_slice %arg6[%mul3A_294] : memref<6912xi32, #tpu.memory_space<vmem>> -> memref<128xi32, #tpu.memory_space<vmem>>
        %dma_start3A_300 = arith.constant 0 : i32
        %dma_start3A_301 = arith.constant 0 : i32
        %dma_start3A_302 = tpu.memref_slice %arg2[%dma_start3A_300, %dma_start3A_301] : memref<100000x128xf32, #tpu.memory_space<hbm>> -> memref<100000x128xf32, #tpu.memory_space<hbm>>
        tpu.enqueue_indirect_dma source(%dma_start3A_302 : memref<100000x128xf32, #tpu.memory_space<hbm>>) target(%dma_start3A_298 : memref<128x128xf32, #tpu.memory_space<vmem>>) offsets(%dma_start3A_299 : memref<128xi32, #tpu.memory_space<vmem>>) semaphore(%arg11 : memref<!tpu.dma_semaphore, #tpu.memory_space<semaphore_mem>>)
        %dma_start3A_303 = arith.constant 0 : i32
        %dma_start3A_304 = arith.constant 0 : i32
        %dma_start3A_305 = tpu.memref_slice %arg9[%cond3A_2, %dma_start3A_303, %dma_start3A_304] : memref<2x128x128xf32, #tpu.memory_space<vmem>> -> memref<1x128x128xf32, #tpu.memory_space<vmem>>
        %dma_start3A_306 = tpu.memref_squeeze %dma_start3A_305 : memref<1x128x128xf32, #tpu.memory_space<vmem>> -> memref<128x128xf32, #tpu.memory_space<vmem>>
        %dma_start3A_307 = tpu.memref_slice %arg7[%mul3A_294] : memref<6912xi32, #tpu.memory_space<vmem>> -> memref<128xi32, #tpu.memory_space<vmem>>
        %dma_start3A_308 = arith.constant 0 : i32
        %dma_start3A_309 = arith.constant 0 : i32
        %dma_start3A_310 = tpu.memref_slice %arg2[%dma_start3A_308, %dma_start3A_309] : memref<100000x128xf32, #tpu.memory_space<hbm>> -> memref<100000x128xf32, #tpu.memory_space<hbm>>
        tpu.enqueue_indirect_dma source(%dma_start3A_310 : memref<100000x128xf32, #tpu.memory_space<hbm>>) target(%dma_start3A_306 : memref<128x128xf32, #tpu.memory_space<vmem>>) offsets(%dma_start3A_307 : memref<128xi32, #tpu.memory_space<vmem>>) semaphore(%arg11 : memref<!tpu.dma_semaphore, #tpu.memory_space<semaphore_mem>>)
        %sub3A_311 = arith.constant 1 : i32
        %sub3A_312 = arith.subi %add3A_273, %sub3A_311 : i32
        %mul3A_313 = arith.constant 128 : i32
        %mul3A_314 = arith.muli %sub3A_312, %mul3A_313 : i32
        %dma_wait3A_315 = arith.constant 0 : i32
        %dma_wait3A_316 = arith.constant 0 : i32
        %dma_wait3A_317 = tpu.memref_slice %arg8[%cond3A_3, %dma_wait3A_315, %dma_wait3A_316] : memref<2x128x128xf32, #tpu.memory_space<vmem>> -> memref<1x128x128xf32, #tpu.memory_space<vmem>>
        %dma_wait3A_318 = tpu.memref_squeeze %dma_wait3A_317 : memref<1x128x128xf32, #tpu.memory_space<vmem>> -> memref<128x128xf32, #tpu.memory_space<vmem>>
        %dma_wait3A_319 = tpu.memref_slice %arg6[%mul3A_314] : memref<6912xi32, #tpu.memory_space<vmem>> -> memref<128xi32, #tpu.memory_space<vmem>>
        %dma_wait3A_320 = arith.constant 0 : i32
        %dma_wait3A_321 = arith.constant 0 : i32
        %dma_wait3A_322 = tpu.memref_slice %arg2[%dma_wait3A_320, %dma_wait3A_321] : memref<100000x128xf32, #tpu.memory_space<hbm>> -> memref<100000x128xf32, #tpu.memory_space<hbm>>
        tpu.wait_indirect_dma semaphore(%arg12 : memref<!tpu.dma_semaphore, #tpu.memory_space<semaphore_mem>>) src(%dma_wait3A_322 : memref<100000x128xf32, #tpu.memory_space<hbm>>) dst(%dma_wait3A_318 : memref<128x128xf32, #tpu.memory_space<vmem>>)
        %dma_wait3A_323 = arith.constant 0 : i32
        %dma_wait3A_324 = arith.constant 0 : i32
        %dma_wait3A_325 = tpu.memref_slice %arg9[%cond3A_4, %dma_wait3A_323, %dma_wait3A_324] : memref<2x128x128xf32, #tpu.memory_space<vmem>> -> memref<1x128x128xf32, #tpu.memory_space<vmem>>
        %dma_wait3A_326 = tpu.memref_squeeze %dma_wait3A_325 : memref<1x128x128xf32, #tpu.memory_space<vmem>> -> memref<128x128xf32, #tpu.memory_space<vmem>>
        %dma_wait3A_327 = tpu.memref_slice %arg7[%mul3A_314] : memref<6912xi32, #tpu.memory_space<vmem>> -> memref<128xi32, #tpu.memory_space<vmem>>
        %dma_wait3A_328 = arith.constant 0 : i32
        %dma_wait3A_329 = arith.constant 0 : i32
        %dma_wait3A_330 = tpu.memref_slice %arg2[%dma_wait3A_328, %dma_wait3A_329] : memref<100000x128xf32, #tpu.memory_space<hbm>> -> memref<100000x128xf32, #tpu.memory_space<hbm>>
        tpu.wait_indirect_dma semaphore(%arg12 : memref<!tpu.dma_semaphore, #tpu.memory_space<semaphore_mem>>) src(%dma_wait3A_330 : memref<100000x128xf32, #tpu.memory_space<hbm>>) dst(%dma_wait3A_326 : memref<128x128xf32, #tpu.memory_space<vmem>>)
        %scan3A_331 = arith.constant 0 : i32
        %scan3A_332 = arith.constant 0 : i32
        %scan3A_333 = arith.constant 128 : i32
        %scan3A_334 = arith.addi %scan3A_332, %scan3A_333 : i32
        %scan3A_335 = arith.constant 1 : i32
        scf.for %scan3A_354 = %scan3A_332 to %scan3A_334 step %scan3A_335  : i32 {
          %get3A = arith.constant 1 : i32
          %get3A_355 = arith.index_cast %get3A : i32 to index
          %get3A_356 = arith.index_cast %scan3A_354 : i32 to index
          %get3A_357 = arith.constant 0 : index
          %get3A_358 = tpu.vector_load %arg8[%get3A_355, %get3A_356, %get3A_357] {strides = array<i32>} : memref<2x128x128xf32, #tpu.memory_space<vmem>>, vector<1x1x16xf32>,
          %get3A_359 = vector.shape_cast %get3A_358 : vector<1x1x16xf32> to vector<16xf32>
          %get3A_360 = arith.constant 1 : i32
          %get3A_361 = arith.index_cast %get3A_360 : i32 to index
          %get3A_362 = arith.index_cast %scan3A_354 : i32 to index
          %get3A_363 = arith.constant 0 : index
          %get3A_364 = tpu.vector_load %arg9[%get3A_361, %get3A_362, %get3A_363] {strides = array<i32>} : memref<2x128x128xf32, #tpu.memory_space<vmem>>, vector<1x1x16xf32>,
          %get3A_365 = vector.shape_cast %get3A_364 : vector<1x1x16xf32> to vector<16xf32>
          %add3A_366 = arith.addf %get3A_359, %get3A_365 : vector<16xf32>
          %mul3A_367 = arith.constant 5.000000e-01 : f32
          %mul3A_368 = vector.broadcast %mul3A_367 : f32 to vector<16xf32>
          %mul3A_369 = arith.mulf %add3A_366, %mul3A_368 : vector<16xf32>
          %swap3A = arith.constant 1 : i32
          %swap3A_370 = arith.index_cast %swap3A : i32 to index
          %swap3A_371 = arith.index_cast %scan3A_354 : i32 to index
          %swap3A_372 = arith.constant 0 : index
          %swap3A_373 = tpu.vector_load %arg8[%swap3A_370, %swap3A_371, %swap3A_372] {strides = array<i32>} : memref<2x128x128xf32, #tpu.memory_space<vmem>>, vector<1x1x16xf32>,
          %swap3A_374 = vector.shape_cast %swap3A_373 : vector<1x1x16xf32> to vector<16xf32>
          %swap3A_375 = vector.shape_cast %mul3A_369 : vector<16xf32> to vector<1x1x16xf32>
          tpu.vector_store %arg8[%swap3A_370, %swap3A_371, %swap3A_372], %swap3A_375 {strides = array<i32>} : memref<2x128x128xf32, #tpu.memory_space<vmem>>, vector<1x1x16xf32>,
          %get3A_376 = arith.constant 1 : i32
          %get3A_377 = arith.index_cast %get3A_376 : i32 to index
          %get3A_378 = arith.index_cast %scan3A_354 : i32 to index
          %get3A_379 = arith.constant 16 : index
          %get3A_380 = tpu.vector_load %arg8[%get3A_377, %get3A_378, %get3A_379] {strides = array<i32>} : memref<2x128x128xf32, #tpu.memory_space<vmem>>, vector<1x1x16xf32>,
          %get3A_381 = vector.shape_cast %get3A_380 : vector<1x1x16xf32> to vector<16xf32>
          %get3A_382 = arith.constant 1 : i32
          %get3A_383 = arith.index_cast %get3A_382 : i32 to index
          %get3A_384 = arith.index_cast %scan3A_354 : i32 to index
          %get3A_385 = arith.constant 16 : index
          %get3A_386 = tpu.vector_load %arg9[%get3A_383, %get3A_384, %get3A_385] {strides = array<i32>} : memref<2x128x128xf32, #tpu.memory_space<vmem>>, vector<1x1x16xf32>,
          %get3A_387 = vector.shape_cast %get3A_386 : vector<1x1x16xf32> to vector<16xf32>
          %add3A_388 = arith.addf %get3A_381, %get3A_387 : vector<16xf32>
          %mul3A_389 = arith.constant 5.000000e-01 : f32
          %mul3A_390 = vector.broadcast %mul3A_389 : f32 to vector<16xf32>
          %mul3A_391 = arith.mulf %add3A_388, %mul3A_390 : vector<16xf32>
          %swap3A_392 = arith.constant 1 : i32
          %swap3A_393 = arith.index_cast %swap3A_392 : i32 to index
          %swap3A_394 = arith.index_cast %scan3A_354 : i32 to index
          %swap3A_395 = arith.constant 16 : index
          %swap3A_396 = tpu.vector_load %arg8[%swap3A_393, %swap3A_394, %swap3A_395] {strides = array<i32>} : memref<2x128x128xf32, #tpu.memory_space<vmem>>, vector<1x1x16xf32>,
          %swap3A_397 = vector.shape_cast %swap3A_396 : vector<1x1x16xf32> to vector<16xf32>
          %swap3A_398 = vector.shape_cast %mul3A_391 : vector<16xf32> to vector<1x1x16xf32>
          tpu.vector_store %arg8[%swap3A_393, %swap3A_394, %swap3A_395], %swap3A_398 {strides = array<i32>} : memref<2x128x128xf32, #tpu.memory_space<vmem>>, vector<1x1x16xf32>,
          %get3A_399 = arith.constant 1 : i32
          %get3A_400 = arith.index_cast %get3A_399 : i32 to index
          %get3A_401 = arith.index_cast %scan3A_354 : i32 to index
          %get3A_402 = arith.constant 32 : index
          %get3A_403 = tpu.vector_load %arg8[%get3A_400, %get3A_401, %get3A_402] {strides = array<i32>} : memref<2x128x128xf32, #tpu.memory_space<vmem>>, vector<1x1x16xf32>,
          %get3A_404 = vector.shape_cast %get3A_403 : vector<1x1x16xf32> to vector<16xf32>
          %get3A_405 = arith.constant 1 : i32
          %get3A_406 = arith.index_cast %get3A_405 : i32 to index
          %get3A_407 = arith.index_cast %scan3A_354 : i32 to index
          %get3A_408 = arith.constant 32 : index
          %get3A_409 = tpu.vector_load %arg9[%get3A_406, %get3A_407, %get3A_408] {strides = array<i32>} : memref<2x128x128xf32, #tpu.memory_space<vmem>>, vector<1x1x16xf32>,
          %get3A_410 = vector.shape_cast %get3A_409 : vector<1x1x16xf32> to vector<16xf32>
          %add3A_411 = arith.addf %get3A_404, %get3A_410 : vector<16xf32>
          %mul3A_412 = arith.constant 5.000000e-01 : f32
          %mul3A_413 = vector.broadcast %mul3A_412 : f32 to vector<16xf32>
          %mul3A_414 = arith.mulf %add3A_411, %mul3A_413 : vector<16xf32>
          %swap3A_415 = arith.constant 1 : i32
          %swap3A_416 = arith.index_cast %swap3A_415 : i32 to index
          %swap3A_417 = arith.index_cast %scan3A_354 : i32 to index
          %swap3A_418 = arith.constant 32 : index
          %swap3A_419 = tpu.vector_load %arg8[%swap3A_416, %swap3A_417, %swap3A_418] {strides = array<i32>} : memref<2x128x128xf32, #tpu.memory_space<vmem>>, vector<1x1x16xf32>,
          %swap3A_420 = vector.shape_cast %swap3A_419 : vector<1x1x16xf32> to vector<16xf32>
          %swap3A_421 = vector.shape_cast %mul3A_414 : vector<16xf32> to vector<1x1x16xf32>
          tpu.vector_store %arg8[%swap3A_416, %swap3A_417, %swap3A_418], %swap3A_421 {strides = array<i32>} : memref<2x128x128xf32, #tpu.memory_space<vmem>>, vector<1x1x16xf32>,
          %get3A_422 = arith.constant 1 : i32
          %get3A_423 = arith.index_cast %get3A_422 : i32 to index
          %get3A_424 = arith.index_cast %scan3A_354 : i32 to index
          %get3A_425 = arith.constant 48 : index
          %get3A_426 = tpu.vector_load %arg8[%get3A_423, %get3A_424, %get3A_425] {strides = array<i32>} : memref<2x128x128xf32, #tpu.memory_space<vmem>>, vector<1x1x16xf32>,
          %get3A_427 = vector.shape_cast %get3A_426 : vector<1x1x16xf32> to vector<16xf32>
          %get3A_428 = arith.constant 1 : i32
          %get3A_429 = arith.index_cast %get3A_428 : i32 to index
          %get3A_430 = arith.index_cast %scan3A_354 : i32 to index
          %get3A_431 = arith.constant 48 : index
          %get3A_432 = tpu.vector_load %arg9[%get3A_429, %get3A_430, %get3A_431] {strides = array<i32>} : memref<2x128x128xf32, #tpu.memory_space<vmem>>, vector<1x1x16xf32>,
          %get3A_433 = vector.shape_cast %get3A_432 : vector<1x1x16xf32> to vector<16xf32>
          %add3A_434 = arith.addf %get3A_427, %get3A_433 : vector<16xf32>
          %mul3A_435 = arith.constant 5.000000e-01 : f32
          %mul3A_436 = vector.broadcast %mul3A_435 : f32 to vector<16xf32>
          %mul3A_437 = arith.mulf %add3A_434, %mul3A_436 : vector<16xf32>
          %swap3A_438 = arith.constant 1 : i32
          %swap3A_439 = arith.index_cast %swap3A_438 : i32 to index
          %swap3A_440 = arith.index_cast %scan3A_354 : i32 to index
          %swap3A_441 = arith.constant 48 : index
          %swap3A_442 = tpu.vector_load %arg8[%swap3A_439, %swap3A_440, %swap3A_441] {strides = array<i32>} : memref<2x128x128xf32, #tpu.memory_space<vmem>>, vector<1x1x16xf32>,
          %swap3A_443 = vector.shape_cast %swap3A_442 : vector<1x1x16xf32> to vector<16xf32>
          %swap3A_444 = vector.shape_cast %mul3A_437 : vector<16xf32> to vector<1x1x16xf32>
          tpu.vector_store %arg8[%swap3A_439, %swap3A_440, %swap3A_441], %swap3A_444 {strides = array<i32>} : memref<2x128x128xf32, #tpu.memory_space<vmem>>, vector<1x1x16xf32>,
          %get3A_445 = arith.constant 1 : i32
          %get3A_446 = arith.index_cast %get3A_445 : i32 to index
          %get3A_447 = arith.index_cast %scan3A_354 : i32 to index
          %get3A_448 = arith.constant 64 : index
          %get3A_449 = tpu.vector_load %arg8[%get3A_446, %get3A_447, %get3A_448] {strides = array<i32>} : memref<2x128x128xf32, #tpu.memory_space<vmem>>, vector<1x1x16xf32>,
          %get3A_450 = vector.shape_cast %get3A_449 : vector<1x1x16xf32> to vector<16xf32>
          %get3A_451 = arith.constant 1 : i32
          %get3A_452 = arith.index_cast %get3A_451 : i32 to index
          %get3A_453 = arith.index_cast %scan3A_354 : i32 to index
          %get3A_454 = arith.constant 64 : index
          %get3A_455 = tpu.vector_load %arg9[%get3A_452, %get3A_453, %get3A_454] {strides = array<i32>} : memref<2x128x128xf32, #tpu.memory_space<vmem>>, vector<1x1x16xf32>,
          %get3A_456 = vector.shape_cast %get3A_455 : vector<1x1x16xf32> to vector<16xf32>
          %add3A_457 = arith.addf %get3A_450, %get3A_456 : vector<16xf32>
          %mul3A_458 = arith.constant 5.000000e-01 : f32
          %mul3A_459 = vector.broadcast %mul3A_458 : f32 to vector<16xf32>
          %mul3A_460 = arith.mulf %add3A_457, %mul3A_459 : vector<16xf32>
          %swap3A_461 = arith.constant 1 : i32
          %swap3A_462 = arith.index_cast %swap3A_461 : i32 to index
          %swap3A_463 = arith.index_cast %scan3A_354 : i32 to index
          %swap3A_464 = arith.constant 64 : index
          %swap3A_465 = tpu.vector_load %arg8[%swap3A_462, %swap3A_463, %swap3A_464] {strides = array<i32>} : memref<2x128x128xf32, #tpu.memory_space<vmem>>, vector<1x1x16xf32>,
          %swap3A_466 = vector.shape_cast %swap3A_465 : vector<1x1x16xf32> to vector<16xf32>
          %swap3A_467 = vector.shape_cast %mul3A_460 : vector<16xf32> to vector<1x1x16xf32>
          tpu.vector_store %arg8[%swap3A_462, %swap3A_463, %swap3A_464], %swap3A_467 {strides = array<i32>} : memref<2x128x128xf32, #tpu.memory_space<vmem>>, vector<1x1x16xf32>,
          %get3A_468 = arith.constant 1 : i32
          %get3A_469 = arith.index_cast %get3A_468 : i32 to index
          %get3A_470 = arith.index_cast %scan3A_354 : i32 to index
          %get3A_471 = arith.constant 80 : index
          %get3A_472 = tpu.vector_load %arg8[%get3A_469, %get3A_470, %get3A_471] {strides = array<i32>} : memref<2x128x128xf32, #tpu.memory_space<vmem>>, vector<1x1x16xf32>,
          %get3A_473 = vector.shape_cast %get3A_472 : vector<1x1x16xf32> to vector<16xf32>
          %get3A_474 = arith.constant 1 : i32
          %get3A_475 = arith.index_cast %get3A_474 : i32 to index
          %get3A_476 = arith.index_cast %scan3A_354 : i32 to index
          %get3A_477 = arith.constant 80 : index
          %get3A_478 = tpu.vector_load %arg9[%get3A_475, %get3A_476, %get3A_477] {strides = array<i32>} : memref<2x128x128xf32, #tpu.memory_space<vmem>>, vector<1x1x16xf32>,
          %get3A_479 = vector.shape_cast %get3A_478 : vector<1x1x16xf32> to vector<16xf32>
          %add3A_480 = arith.addf %get3A_473, %get3A_479 : vector<16xf32>
          %mul3A_481 = arith.constant 5.000000e-01 : f32
          %mul3A_482 = vector.broadcast %mul3A_481 : f32 to vector<16xf32>
          %mul3A_483 = arith.mulf %add3A_480, %mul3A_482 : vector<16xf32>
          %swap3A_484 = arith.constant 1 : i32
          %swap3A_485 = arith.index_cast %swap3A_484 : i32 to index
          %swap3A_486 = arith.index_cast %scan3A_354 : i32 to index
          %swap3A_487 = arith.constant 80 : index
          %swap3A_488 = tpu.vector_load %arg8[%swap3A_485, %swap3A_486, %swap3A_487] {strides = array<i32>} : memref<2x128x128xf32, #tpu.memory_space<vmem>>, vector<1x1x16xf32>,
          %swap3A_489 = vector.shape_cast %swap3A_488 : vector<1x1x16xf32> to vector<16xf32>
          %swap3A_490 = vector.shape_cast %mul3A_483 : vector<16xf32> to vector<1x1x16xf32>
          tpu.vector_store %arg8[%swap3A_485, %swap3A_486, %swap3A_487], %swap3A_490 {strides = array<i32>} : memref<2x128x128xf32, #tpu.memory_space<vmem>>, vector<1x1x16xf32>,
          %get3A_491 = arith.constant 1 : i32
          %get3A_492 = arith.index_cast %get3A_491 : i32 to index
          %get3A_493 = arith.index_cast %scan3A_354 : i32 to index
          %get3A_494 = arith.constant 96 : index
          %get3A_495 = tpu.vector_load %arg8[%get3A_492, %get3A_493, %get3A_494] {strides = array<i32>} : memref<2x128x128xf32, #tpu.memory_space<vmem>>, vector<1x1x16xf32>,
          %get3A_496 = vector.shape_cast %get3A_495 : vector<1x1x16xf32> to vector<16xf32>
          %get3A_497 = arith.constant 1 : i32
          %get3A_498 = arith.index_cast %get3A_497 : i32 to index
          %get3A_499 = arith.index_cast %scan3A_354 : i32 to index
          %get3A_500 = arith.constant 96 : index
          %get3A_501 = tpu.vector_load %arg9[%get3A_498, %get3A_499, %get3A_500] {strides = array<i32>} : memref<2x128x128xf32, #tpu.memory_space<vmem>>, vector<1x1x16xf32>,
          %get3A_502 = vector.shape_cast %get3A_501 : vector<1x1x16xf32> to vector<16xf32>
          %add3A_503 = arith.addf %get3A_496, %get3A_502 : vector<16xf32>
          %mul3A_504 = arith.constant 5.000000e-01 : f32
          %mul3A_505 = vector.broadcast %mul3A_504 : f32 to vector<16xf32>
          %mul3A_506 = arith.mulf %add3A_503, %mul3A_505 : vector<16xf32>
          %swap3A_507 = arith.constant 1 : i32
          %swap3A_508 = arith.index_cast %swap3A_507 : i32 to index
          %swap3A_509 = arith.index_cast %scan3A_354 : i32 to index
          %swap3A_510 = arith.constant 96 : index
          %swap3A_511 = tpu.vector_load %arg8[%swap3A_508, %swap3A_509, %swap3A_510] {strides = array<i32>} : memref<2x128x128xf32, #tpu.memory_space<vmem>>, vector<1x1x16xf32>,
          %swap3A_512 = vector.shape_cast %swap3A_511 : vector<1x1x16xf32> to vector<16xf32>
          %swap3A_513 = vector.shape_cast %mul3A_506 : vector<16xf32> to vector<1x1x16xf32>
          tpu.vector_store %arg8[%swap3A_508, %swap3A_509, %swap3A_510], %swap3A_513 {strides = array<i32>} : memref<2x128x128xf32, #tpu.memory_space<vmem>>, vector<1x1x16xf32>,
          %get3A_514 = arith.constant 1 : i32
          %get3A_515 = arith.index_cast %get3A_514 : i32 to index
          %get3A_516 = arith.index_cast %scan3A_354 : i32 to index
          %get3A_517 = arith.constant 112 : index
          %get3A_518 = tpu.vector_load %arg8[%get3A_515, %get3A_516, %get3A_517] {strides = array<i32>} : memref<2x128x128xf32, #tpu.memory_space<vmem>>, vector<1x1x16xf32>,
          %get3A_519 = vector.shape_cast %get3A_518 : vector<1x1x16xf32> to vector<16xf32>
          %get3A_520 = arith.constant 1 : i32
          %get3A_521 = arith.index_cast %get3A_520 : i32 to index
          %get3A_522 = arith.index_cast %scan3A_354 : i32 to index
          %get3A_523 = arith.constant 112 : index
          %get3A_524 = tpu.vector_load %arg9[%get3A_521, %get3A_522, %get3A_523] {strides = array<i32>} : memref<2x128x128xf32, #tpu.memory_space<vmem>>, vector<1x1x16xf32>,
          %get3A_525 = vector.shape_cast %get3A_524 : vector<1x1x16xf32> to vector<16xf32>
          %add3A_526 = arith.addf %get3A_519, %get3A_525 : vector<16xf32>
          %mul3A_527 = arith.constant 5.000000e-01 : f32
          %mul3A_528 = vector.broadcast %mul3A_527 : f32 to vector<16xf32>
          %mul3A_529 = arith.mulf %add3A_526, %mul3A_528 : vector<16xf32>
          %swap3A_530 = arith.constant 1 : i32
          %swap3A_531 = arith.index_cast %swap3A_530 : i32 to index
          %swap3A_532 = arith.index_cast %scan3A_354 : i32 to index
          %swap3A_533 = arith.constant 112 : index
          %swap3A_534 = tpu.vector_load %arg8[%swap3A_531, %swap3A_532, %swap3A_533] {strides = array<i32>} : memref<2x128x128xf32, #tpu.memory_space<vmem>>, vector<1x1x16xf32>,
          %swap3A_535 = vector.shape_cast %swap3A_534 : vector<1x1x16xf32> to vector<16xf32>
          %swap3A_536 = vector.shape_cast %mul3A_529 : vector<16xf32> to vector<1x1x16xf32>
          tpu.vector_store %arg8[%swap3A_531, %swap3A_532, %swap3A_533], %swap3A_536 {strides = array<i32>} : memref<2x128x128xf32, #tpu.memory_space<vmem>>, vector<1x1x16xf32>,
        }
        %scan3A_336 = arith.constant 128 : i32
        %add3A_337 = arith.constant 100000 : i32
        %add3A_338 = arith.addi %add3A_337, %mul3A_79 : i32
        %mul3A_339 = arith.constant 128 : i32
        %mul3A_340 = arith.muli %sub3A_312, %mul3A_339 : i32
        %add3A_341 = arith.addi %add3A_338, %mul3A_340 : i32
        %dma_start3A_342 = arith.constant 0 : i32
        %dma_start3A_343 = arith.constant 0 : i32
        %dma_start3A_344 = tpu.memref_slice %arg8[%cond3A_3, %dma_start3A_342, %dma_start3A_343] : memref<2x128x128xf32, #tpu.memory_space<vmem>> -> memref<1x128x128xf32, #tpu.memory_space<vmem>>
        %dma_start3A_345 = tpu.memref_squeeze %dma_start3A_344 : memref<1x128x128xf32, #tpu.memory_space<vmem>> -> memref<128x128xf32, #tpu.memory_space<vmem>>
        %dma_start3A_346 = arith.constant 0 : i32
        %dma_start3A_347 = tpu.memref_slice %arg5[%add3A_341, %dma_start3A_346] : memref<300000x128xf32, #tpu.memory_space<hbm>> -> memref<128x128xf32, #tpu.memory_space<hbm>>
        %dma_start3A_348 = arith.constant 0 : i32
        %dma_start3A_349 = tpu.memref_slice %arg5[%add3A_341, %dma_start3A_348] : memref<300000x128xf32, #tpu.memory_space<hbm>> -> memref<128x128xf32, #tpu.memory_space<hbm>>
        %dma_start3A_350 = arith.constant 0 : i32
        %dma_start3A_351 = arith.constant 0 : i32
        %dma_start3A_352 = tpu.memref_slice %arg8[%cond3A_3, %dma_start3A_350, %dma_start3A_351] : memref<2x128x128xf32, #tpu.memory_space<vmem>> -> memref<1x128x128xf32, #tpu.memory_space<vmem>>
        %dma_start3A_353 = tpu.memref_squeeze %dma_start3A_352 : memref<1x128x128xf32, #tpu.memory_space<vmem>> -> memref<128x128xf32, #tpu.memory_space<vmem>>
        tpu.enqueue_dma source(%dma_start3A_353 : memref<128x128xf32, #tpu.memory_space<vmem>>) target(%dma_start3A_349 : memref<128x128xf32, #tpu.memory_space<hbm>>) target_semaphore(%arg14 : memref<!tpu.dma_semaphore, #tpu.memory_space<semaphore_mem>>)
      }
      %scan3A_127 = arith.constant 16 : i32
      %dma_wait3A_128 = arith.constant 0 : i32
      %dma_wait3A_129 = arith.constant 0 : i32
      %dma_wait3A_130 = tpu.memref_slice %arg8[%cond3A, %dma_wait3A_128, %dma_wait3A_129] : memref<2x128x128xf32, #tpu.memory_space<vmem>> -> memref<1x128x128xf32, #tpu.memory_space<vmem>>
      %dma_wait3A_131 = tpu.memref_squeeze %dma_wait3A_130 : memref<1x128x128xf32, #tpu.memory_space<vmem>> -> memref<128x128xf32, #tpu.memory_space<vmem>>
      %dma_wait3A_132 = arith.constant 4096 : i32
      %dma_wait3A_133 = tpu.memref_slice %arg6[%dma_wait3A_132] : memref<6912xi32, #tpu.memory_space<vmem>> -> memref<128xi32, #tpu.memory_space<vmem>>
      %dma_wait3A_134 = arith.constant 0 : i32
      %dma_wait3A_135 = arith.constant 0 : i32
      %dma_wait3A_136 = tpu.memref_slice %arg2[%dma_wait3A_134, %dma_wait3A_135] : memref<100000x128xf32, #tpu.memory_space<hbm>> -> memref<100000x128xf32, #tpu.memory_space<hbm>>
      tpu.wait_indirect_dma semaphore(%arg11 : memref<!tpu.dma_semaphore, #tpu.memory_space<semaphore_mem>>) src(%dma_wait3A_136 : memref<100000x128xf32, #tpu.memory_space<hbm>>) dst(%dma_wait3A_131 : memref<128x128xf32, #tpu.memory_space<vmem>>)
      %dma_wait3A_137 = arith.constant 0 : i32
      %dma_wait3A_138 = arith.constant 0 : i32
      %dma_wait3A_139 = tpu.memref_slice %arg9[%cond3A_2, %dma_wait3A_137, %dma_wait3A_138] : memref<2x128x128xf32, #tpu.memory_space<vmem>> -> memref<1x128x128xf32, #tpu.memory_space<vmem>>
      %dma_wait3A_140 = tpu.memref_squeeze %dma_wait3A_139 : memref<1x128x128xf32, #tpu.memory_space<vmem>> -> memref<128x128xf32, #tpu.memory_space<vmem>>
      %dma_wait3A_141 = arith.constant 4096 : i32
      %dma_wait3A_142 = tpu.memref_slice %arg7[%dma_wait3A_141] : memref<6912xi32, #tpu.memory_space<vmem>> -> memref<128xi32, #tpu.memory_space<vmem>>
      %dma_wait3A_143 = arith.constant 0 : i32
      %dma_wait3A_144 = arith.constant 0 : i32
      %dma_wait3A_145 = tpu.memref_slice %arg2[%dma_wait3A_143, %dma_wait3A_144] : memref<100000x128xf32, #tpu.memory_space<hbm>> -> memref<100000x128xf32, #tpu.memory_space<hbm>>
      tpu.wait_indirect_dma semaphore(%arg11 : memref<!tpu.dma_semaphore, #tpu.memory_space<semaphore_mem>>) src(%dma_wait3A_145 : memref<100000x128xf32, #tpu.memory_space<hbm>>) dst(%dma_wait3A_140 : memref<128x128xf32, #tpu.memory_space<vmem>>)
      %scan3A_146 = arith.constant 0 : i32
      %scan3A_147 = arith.constant 0 : i32
      %scan3A_148 = arith.constant 128 : i32
      %scan3A_149 = arith.addi %scan3A_147, %scan3A_148 : i32
      %scan3A_150 = arith.constant 1 : i32
      scf.for %scan3A_200 = %scan3A_147 to %scan3A_149 step %scan3A_150  : i32 {
        %get3A = arith.constant 0 : i32
        %get3A_201 = arith.index_cast %get3A : i32 to index
        %get3A_202 = arith.index_cast %scan3A_200 : i32 to index
        %get3A_203 = arith.constant 0 : index
        %get3A_204 = tpu.vector_load %arg8[%get3A_201, %get3A_202, %get3A_203] {strides = array<i32>} : memref<2x128x128xf32, #tpu.memory_space<vmem>>, vector<1x1x16xf32>,
        %get3A_205 = vector.shape_cast %get3A_204 : vector<1x1x16xf32> to vector<16xf32>
        %get3A_206 = arith.constant 0 : i32
        %get3A_207 = arith.index_cast %get3A_206 : i32 to index
        %get3A_208 = arith.index_cast %scan3A_200 : i32 to index
        %get3A_209 = arith.constant 0 : index
        %get3A_210 = tpu.vector_load %arg9[%get3A_207, %get3A_208, %get3A_209] {strides = array<i32>} : memref<2x128x128xf32, #tpu.memory_space<vmem>>, vector<1x1x16xf32>,
        %get3A_211 = vector.shape_cast %get3A_210 : vector<1x1x16xf32> to vector<16xf32>
        %add3A_212 = arith.addf %get3A_205, %get3A_211 : vector<16xf32>
        %mul3A_213 = arith.constant 5.000000e-01 : f32
        %mul3A_214 = vector.broadcast %mul3A_213 : f32 to vector<16xf32>
        %mul3A_215 = arith.mulf %add3A_212, %mul3A_214 : vector<16xf32>
        %swap3A = arith.constant 0 : i32
        %swap3A_216 = arith.index_cast %swap3A : i32 to index
        %swap3A_217 = arith.index_cast %scan3A_200 : i32 to index
        %swap3A_218 = arith.constant 0 : index
        %swap3A_219 = tpu.vector_load %arg8[%swap3A_216, %swap3A_217, %swap3A_218] {strides = array<i32>} : memref<2x128x128xf32, #tpu.memory_space<vmem>>, vector<1x1x16xf32>,
        %swap3A_220 = vector.shape_cast %swap3A_219 : vector<1x1x16xf32> to vector<16xf32>
        %swap3A_221 = vector.shape_cast %mul3A_215 : vector<16xf32> to vector<1x1x16xf32>
        tpu.vector_store %arg8[%swap3A_216, %swap3A_217, %swap3A_218], %swap3A_221 {strides = array<i32>} : memref<2x128x128xf32, #tpu.memory_space<vmem>>, vector<1x1x16xf32>,
        %get3A_222 = arith.constant 0 : i32
        %get3A_223 = arith.index_cast %get3A_222 : i32 to index
        %get3A_224 = arith.index_cast %scan3A_200 : i32 to index
        %get3A_225 = arith.constant 16 : index
        %get3A_226 = tpu.vector_load %arg8[%get3A_223, %get3A_224, %get3A_225] {strides = array<i32>} : memref<2x128x128xf32, #tpu.memory_space<vmem>>, vector<1x1x16xf32>,
        %get3A_227 = vector.shape_cast %get3A_226 : vector<1x1x16xf32> to vector<16xf32>
        %get3A_228 = arith.constant 0 : i32
        %get3A_229 = arith.index_cast %get3A_228 : i32 to index
        %get3A_230 = arith.index_cast %scan3A_200 : i32 to index
        %get3A_231 = arith.constant 16 : index
        %get3A_232 = tpu.vector_load %arg9[%get3A_229, %get3A_230, %get3A_231] {strides = array<i32>} : memref<2x128x128xf32, #tpu.memory_space<vmem>>, vector<1x1x16xf32>,
        %get3A_233 = vector.shape_cast %get3A_232 : vector<1x1x16xf32> to vector<16xf32>
        %add3A_234 = arith.addf %get3A_227, %get3A_233 : vector<16xf32>
        %mul3A_235 = arith.constant 5.000000e-01 : f32
        %mul3A_236 = vector.broadcast %mul3A_235 : f32 to vector<16xf32>
        %mul3A_237 = arith.mulf %add3A_234, %mul3A_236 : vector<16xf32>
        %swap3A_238 = arith.constant 0 : i32
        %swap3A_239 = arith.index_cast %swap3A_238 : i32 to index
        %swap3A_240 = arith.index_cast %scan3A_200 : i32 to index
        %swap3A_241 = arith.constant 16 : index
        %swap3A_242 = tpu.vector_load %arg8[%swap3A_239, %swap3A_240, %swap3A_241] {strides = array<i32>} : memref<2x128x128xf32, #tpu.memory_space<vmem>>, vector<1x1x16xf32>,
        %swap3A_243 = vector.shape_cast %swap3A_242 : vector<1x1x16xf32> to vector<16xf32>
        %swap3A_244 = vector.shape_cast %mul3A_237 : vector<16xf32> to vector<1x1x16xf32>
        tpu.vector_store %arg8[%swap3A_239, %swap3A_240, %swap3A_241], %swap3A_244 {strides = array<i32>} : memref<2x128x128xf32, #tpu.memory_space<vmem>>, vector<1x1x16xf32>,
        %get3A_245 = arith.constant 0 : i32
        %get3A_246 = arith.index_cast %get3A_245 : i32 to index
        %get3A_247 = arith.index_cast %scan3A_200 : i32 to index
        %get3A_248 = arith.constant 32 : index
        %get3A_249 = tpu.vector_load %arg8[%get3A_246, %get3A_247, %get3A_248] {strides = array<i32>} : memref<2x128x128xf32, #tpu.memory_space<vmem>>, vector<1x1x16xf32>,
        %get3A_250 = vector.shape_cast %get3A_249 : vector<1x1x16xf32> to vector<16xf32>
        %get3A_251 = arith.constant 0 : i32
        %get3A_252 = arith.index_cast %get3A_251 : i32 to index
        %get3A_253 = arith.index_cast %scan3A_200 : i32 to index
        %get3A_254 = arith.constant 32 : index
        %get3A_255 = tpu.vector_load %arg9[%get3A_252, %get3A_253, %get3A_254] {strides = array<i32>} : memref<2x128x128xf32, #tpu.memory_space<vmem>>, vector<1x1x16xf32>,
        %get3A_256 = vector.shape_cast %get3A_255 : vector<1x1x16xf32> to vector<16xf32>
        %add3A_257 = arith.addf %get3A_250, %get3A_256 : vector<16xf32>
        %mul3A_258 = arith.constant 5.000000e-01 : f32
        %mul3A_259 = vector.broadcast %mul3A_258 : f32 to vector<16xf32>
        %mul3A_260 = arith.mulf %add3A_257, %mul3A_259 : vector<16xf32>
        %swap3A_261 = arith.constant 0 : i32
        %swap3A_262 = arith.index_cast %swap3A_261 : i32 to index
        %swap3A_263 = arith.index_cast %scan3A_200 : i32 to index
        %swap3A_264 = arith.constant 32 : index
        %swap3A_265 = tpu.vector_load %arg8[%swap3A_262, %swap3A_263, %swap3A_264] {strides = array<i32>} : memref<2x128x128xf32, #tpu.memory_space<vmem>>, vector<1x1x16xf32>,
        %swap3A_266 = vector.shape_cast %swap3A_265 : vector<1x1x16xf32> to vector<16xf32>
        %swap3A_267 = vector.shape_cast %mul3A_260 : vector<16xf32> to vector<1x1x16xf32>
        tpu.vector_store %arg8[%swap3A_262, %swap3A_263, %swap3A_264], %swap3A_267 {strides = array<i32>} : memref<2x128x128xf32, #tpu.memory_space<vmem>>, vector<1x1x16xf32>,
        %get3A_268 = arith.constant 0 : i32
        %get3A_269 = arith.index_cast %get3A_268 : i32 to index
        %get3A_270 = arith.index_cast %scan3A_200 : i32 to index
        %get3A_271 = arith.constant 48 : index
        %get3A_272 = tpu.vector_load %arg8[%get3A_269, %get3A_270, %get3A_271] {strides = array<i32>} : memref<2x128x128xf32, #tpu.memory_space<vmem>>, vector<1x1x16xf32>,
        %get3A_273 = vector.shape_cast %get3A_272 : vector<1x1x16xf32> to vector<16xf32>
        %get3A_274 = arith.constant 0 : i32
        %get3A_275 = arith.index_cast %get3A_274 : i32 to index
        %get3A_276 = arith.index_cast %scan3A_200 : i32 to index
        %get3A_277 = arith.constant 48 : index
        %get3A_278 = tpu.vector_load %arg9[%get3A_275, %get3A_276, %get3A_277] {strides = array<i32>} : memref<2x128x128xf32, #tpu.memory_space<vmem>>, vector<1x1x16xf32>,
        %get3A_279 = vector.shape_cast %get3A_278 : vector<1x1x16xf32> to vector<16xf32>
        %add3A_280 = arith.addf %get3A_273, %get3A_279 : vector<16xf32>
        %mul3A_281 = arith.constant 5.000000e-01 : f32
        %mul3A_282 = vector.broadcast %mul3A_281 : f32 to vector<16xf32>
        %mul3A_283 = arith.mulf %add3A_280, %mul3A_282 : vector<16xf32>
        %swap3A_284 = arith.constant 0 : i32
        %swap3A_285 = arith.index_cast %swap3A_284 : i32 to index
        %swap3A_286 = arith.index_cast %scan3A_200 : i32 to index
        %swap3A_287 = arith.constant 48 : index
        %swap3A_288 = tpu.vector_load %arg8[%swap3A_285, %swap3A_286, %swap3A_287] {strides = array<i32>} : memref<2x128x128xf32, #tpu.memory_space<vmem>>, vector<1x1x16xf32>,
        %swap3A_289 = vector.shape_cast %swap3A_288 : vector<1x1x16xf32> to vector<16xf32>
        %swap3A_290 = vector.shape_cast %mul3A_283 : vector<16xf32> to vector<1x1x16xf32>
        tpu.vector_store %arg8[%swap3A_285, %swap3A_286, %swap3A_287], %swap3A_290 {strides = array<i32>} : memref<2x128x128xf32, #tpu.memory_space<vmem>>, vector<1x1x16xf32>,
        %get3A_291 = arith.constant 0 : i32
        %get3A_292 = arith.index_cast %get3A_291 : i32 to index
        %get3A_293 = arith.index_cast %scan3A_200 : i32 to index
        %get3A_294 = arith.constant 64 : index
        %get3A_295 = tpu.vector_load %arg8[%get3A_292, %get3A_293, %get3A_294] {strides = array<i32>} : memref<2x128x128xf32, #tpu.memory_space<vmem>>, vector<1x1x16xf32>,
        %get3A_296 = vector.shape_cast %get3A_295 : vector<1x1x16xf32> to vector<16xf32>
        %get3A_297 = arith.constant 0 : i32
        %get3A_298 = arith.index_cast %get3A_297 : i32 to index
        %get3A_299 = arith.index_cast %scan3A_200 : i32 to index
        %get3A_300 = arith.constant 64 : index
        %get3A_301 = tpu.vector_load %arg9[%get3A_298, %get3A_299, %get3A_300] {strides = array<i32>} : memref<2x128x128xf32, #tpu.memory_space<vmem>>, vector<1x1x16xf32>,
        %get3A_302 = vector.shape_cast %get3A_301 : vector<1x1x16xf32> to vector<16xf32>
        %add3A_303 = arith.addf %get3A_296, %get3A_302 : vector<16xf32>
        %mul3A_304 = arith.constant 5.000000e-01 : f32
        %mul3A_305 = vector.broadcast %mul3A_304 : f32 to vector<16xf32>
        %mul3A_306 = arith.mulf %add3A_303, %mul3A_305 : vector<16xf32>
        %swap3A_307 = arith.constant 0 : i32
        %swap3A_308 = arith.index_cast %swap3A_307 : i32 to index
        %swap3A_309 = arith.index_cast %scan3A_200 : i32 to index
        %swap3A_310 = arith.constant 64 : index
        %swap3A_311 = tpu.vector_load %arg8[%swap3A_308, %swap3A_309, %swap3A_310] {strides = array<i32>} : memref<2x128x128xf32, #tpu.memory_space<vmem>>, vector<1x1x16xf32>,
        %swap3A_312 = vector.shape_cast %swap3A_311 : vector<1x1x16xf32> to vector<16xf32>
        %swap3A_313 = vector.shape_cast %mul3A_306 : vector<16xf32> to vector<1x1x16xf32>
        tpu.vector_store %arg8[%swap3A_308, %swap3A_309, %swap3A_310], %swap3A_313 {strides = array<i32>} : memref<2x128x128xf32, #tpu.memory_space<vmem>>, vector<1x1x16xf32>,
        %get3A_314 = arith.constant 0 : i32
        %get3A_315 = arith.index_cast %get3A_314 : i32 to index
        %get3A_316 = arith.index_cast %scan3A_200 : i32 to index
        %get3A_317 = arith.constant 80 : index
        %get3A_318 = tpu.vector_load %arg8[%get3A_315, %get3A_316, %get3A_317] {strides = array<i32>} : memref<2x128x128xf32, #tpu.memory_space<vmem>>, vector<1x1x16xf32>,
        %get3A_319 = vector.shape_cast %get3A_318 : vector<1x1x16xf32> to vector<16xf32>
        %get3A_320 = arith.constant 0 : i32
        %get3A_321 = arith.index_cast %get3A_320 : i32 to index
        %get3A_322 = arith.index_cast %scan3A_200 : i32 to index
        %get3A_323 = arith.constant 80 : index
        %get3A_324 = tpu.vector_load %arg9[%get3A_321, %get3A_322, %get3A_323] {strides = array<i32>} : memref<2x128x128xf32, #tpu.memory_space<vmem>>, vector<1x1x16xf32>,
        %get3A_325 = vector.shape_cast %get3A_324 : vector<1x1x16xf32> to vector<16xf32>
        %add3A_326 = arith.addf %get3A_319, %get3A_325 : vector<16xf32>
        %mul3A_327 = arith.constant 5.000000e-01 : f32
        %mul3A_328 = vector.broadcast %mul3A_327 : f32 to vector<16xf32>
        %mul3A_329 = arith.mulf %add3A_326, %mul3A_328 : vector<16xf32>
        %swap3A_330 = arith.constant 0 : i32
        %swap3A_331 = arith.index_cast %swap3A_330 : i32 to index
        %swap3A_332 = arith.index_cast %scan3A_200 : i32 to index
        %swap3A_333 = arith.constant 80 : index
        %swap3A_334 = tpu.vector_load %arg8[%swap3A_331, %swap3A_332, %swap3A_333] {strides = array<i32>} : memref<2x128x128xf32, #tpu.memory_space<vmem>>, vector<1x1x16xf32>,
        %swap3A_335 = vector.shape_cast %swap3A_334 : vector<1x1x16xf32> to vector<16xf32>
        %swap3A_336 = vector.shape_cast %mul3A_329 : vector<16xf32> to vector<1x1x16xf32>
        tpu.vector_store %arg8[%swap3A_331, %swap3A_332, %swap3A_333], %swap3A_336 {strides = array<i32>} : memref<2x128x128xf32, #tpu.memory_space<vmem>>, vector<1x1x16xf32>,
        %get3A_337 = arith.constant 0 : i32
        %get3A_338 = arith.index_cast %get3A_337 : i32 to index
        %get3A_339 = arith.index_cast %scan3A_200 : i32 to index
        %get3A_340 = arith.constant 96 : index
        %get3A_341 = tpu.vector_load %arg8[%get3A_338, %get3A_339, %get3A_340] {strides = array<i32>} : memref<2x128x128xf32, #tpu.memory_space<vmem>>, vector<1x1x16xf32>,
        %get3A_342 = vector.shape_cast %get3A_341 : vector<1x1x16xf32> to vector<16xf32>
        %get3A_343 = arith.constant 0 : i32
        %get3A_344 = arith.index_cast %get3A_343 : i32 to index
        %get3A_345 = arith.index_cast %scan3A_200 : i32 to index
        %get3A_346 = arith.constant 96 : index
        %get3A_347 = tpu.vector_load %arg9[%get3A_344, %get3A_345, %get3A_346] {strides = array<i32>} : memref<2x128x128xf32, #tpu.memory_space<vmem>>, vector<1x1x16xf32>,
        %get3A_348 = vector.shape_cast %get3A_347 : vector<1x1x16xf32> to vector<16xf32>
        %add3A_349 = arith.addf %get3A_342, %get3A_348 : vector<16xf32>
        %mul3A_350 = arith.constant 5.000000e-01 : f32
        %mul3A_351 = vector.broadcast %mul3A_350 : f32 to vector<16xf32>
        %mul3A_352 = arith.mulf %add3A_349, %mul3A_351 : vector<16xf32>
        %swap3A_353 = arith.constant 0 : i32
        %swap3A_354 = arith.index_cast %swap3A_353 : i32 to index
        %swap3A_355 = arith.index_cast %scan3A_200 : i32 to index
        %swap3A_356 = arith.constant 96 : index
        %swap3A_357 = tpu.vector_load %arg8[%swap3A_354, %swap3A_355, %swap3A_356] {strides = array<i32>} : memref<2x128x128xf32, #tpu.memory_space<vmem>>, vector<1x1x16xf32>,
        %swap3A_358 = vector.shape_cast %swap3A_357 : vector<1x1x16xf32> to vector<16xf32>
        %swap3A_359 = vector.shape_cast %mul3A_352 : vector<16xf32> to vector<1x1x16xf32>
        tpu.vector_store %arg8[%swap3A_354, %swap3A_355, %swap3A_356], %swap3A_359 {strides = array<i32>} : memref<2x128x128xf32, #tpu.memory_space<vmem>>, vector<1x1x16xf32>,
        %get3A_360 = arith.constant 0 : i32
        %get3A_361 = arith.index_cast %get3A_360 : i32 to index
        %get3A_362 = arith.index_cast %scan3A_200 : i32 to index
        %get3A_363 = arith.constant 112 : index
        %get3A_364 = tpu.vector_load %arg8[%get3A_361, %get3A_362, %get3A_363] {strides = array<i32>} : memref<2x128x128xf32, #tpu.memory_space<vmem>>, vector<1x1x16xf32>,
        %get3A_365 = vector.shape_cast %get3A_364 : vector<1x1x16xf32> to vector<16xf32>
        %get3A_366 = arith.constant 0 : i32
        %get3A_367 = arith.index_cast %get3A_366 : i32 to index
        %get3A_368 = arith.index_cast %scan3A_200 : i32 to index
        %get3A_369 = arith.constant 112 : index
        %get3A_370 = tpu.vector_load %arg9[%get3A_367, %get3A_368, %get3A_369] {strides = array<i32>} : memref<2x128x128xf32, #tpu.memory_space<vmem>>, vector<1x1x16xf32>,
        %get3A_371 = vector.shape_cast %get3A_370 : vector<1x1x16xf32> to vector<16xf32>
        %add3A_372 = arith.addf %get3A_365, %get3A_371 : vector<16xf32>
        %mul3A_373 = arith.constant 5.000000e-01 : f32
        %mul3A_374 = vector.broadcast %mul3A_373 : f32 to vector<16xf32>
        %mul3A_375 = arith.mulf %add3A_372, %mul3A_374 : vector<16xf32>
        %swap3A_376 = arith.constant 0 : i32
        %swap3A_377 = arith.index_cast %swap3A_376 : i32 to index
        %swap3A_378 = arith.index_cast %scan3A_200 : i32 to index
        %swap3A_379 = arith.constant 112 : index
        %swap3A_380 = tpu.vector_load %arg8[%swap3A_377, %swap3A_378, %swap3A_379] {strides = array<i32>} : memref<2x128x128xf32, #tpu.memory_space<vmem>>, vector<1x1x16xf32>,
        %swap3A_381 = vector.shape_cast %swap3A_380 : vector<1x1x16xf32> to vector<16xf32>
        %swap3A_382 = vector.shape_cast %mul3A_375 : vector<16xf32> to vector<1x1x16xf32>
        tpu.vector_store %arg8[%swap3A_377, %swap3A_378, %swap3A_379], %swap3A_382 {strides = array<i32>} : memref<2x128x128xf32, #tpu.memory_space<vmem>>, vector<1x1x16xf32>,
      }
      %scan3A_151 = arith.constant 128 : i32
      %add3A_152 = arith.constant 100000 : i32
      %add3A_153 = arith.addi %add3A_152, %mul3A_79 : i32
      %add3A_154 = arith.constant 4096 : i32
      %add3A_155 = arith.addi %add3A_153, %add3A_154 : i32
      %dma_start3A_156 = arith.constant 0 : i32
      %dma_start3A_157 = arith.constant 0 : i32
      %dma_start3A_158 = tpu.memref_slice %arg8[%cond3A, %dma_start3A_156, %dma_start3A_157] : memref<2x128x128xf32, #tpu.memory_space<vmem>> -> memref<1x128x128xf32, #tpu.memory_space<vmem>>
      %dma_start3A_159 = tpu.memref_squeeze %dma_start3A_158 : memref<1x128x128xf32, #tpu.memory_space<vmem>> -> memref<128x128xf32, #tpu.memory_space<vmem>>
      %dma_start3A_160 = arith.constant 0 : i32
      %dma_start3A_161 = tpu.memref_slice %arg5[%add3A_155, %dma_start3A_160] : memref<300000x128xf32, #tpu.memory_space<hbm>> -> memref<128x128xf32, #tpu.memory_space<hbm>>
      %dma_start3A_162 = arith.constant 0 : i32
      %dma_start3A_163 = tpu.memref_slice %arg5[%add3A_155, %dma_start3A_162] : memref<300000x128xf32, #tpu.memory_space<hbm>> -> memref<128x128xf32, #tpu.memory_space<hbm>>
      %dma_start3A_164 = arith.constant 0 : i32
      %dma_start3A_165 = arith.constant 0 : i32
      %dma_start3A_166 = tpu.memref_slice %arg8[%cond3A, %dma_start3A_164, %dma_start3A_165] : memref<2x128x128xf32, #tpu.memory_space<vmem>> -> memref<1x128x128xf32, #tpu.memory_space<vmem>>
      %dma_start3A_167 = tpu.memref_squeeze %dma_start3A_166 : memref<1x128x128xf32, #tpu.memory_space<vmem>> -> memref<128x128xf32, #tpu.memory_space<vmem>>
      tpu.enqueue_dma source(%dma_start3A_167 : memref<128x128xf32, #tpu.memory_space<vmem>>) target(%dma_start3A_163 : memref<128x128xf32, #tpu.memory_space<hbm>>) target_semaphore(%arg13 : memref<!tpu.dma_semaphore, #tpu.memory_space<semaphore_mem>>)
      %add3A_168 = arith.constant 100000 : i32
      %add3A_169 = arith.addi %add3A_168, %mul3A_79 : i32
      %add3A_170 = arith.constant 3968 : i32
      %add3A_171 = arith.addi %add3A_169, %add3A_170 : i32
      %dma_wait3A_172 = arith.constant 0 : i32
      %dma_wait3A_173 = arith.constant 0 : i32
      %dma_wait3A_174 = tpu.memref_slice %arg8[%cond3A_3, %dma_wait3A_172, %dma_wait3A_173] : memref<2x128x128xf32, #tpu.memory_space<vmem>> -> memref<1x128x128xf32, #tpu.memory_space<vmem>>
      %dma_wait3A_175 = tpu.memref_squeeze %dma_wait3A_174 : memref<1x128x128xf32, #tpu.memory_space<vmem>> -> memref<128x128xf32, #tpu.memory_space<vmem>>
      %dma_wait3A_176 = arith.constant 0 : i32
      %dma_wait3A_177 = tpu.memref_slice %arg5[%add3A_171, %dma_wait3A_176] : memref<300000x128xf32, #tpu.memory_space<hbm>> -> memref<128x128xf32, #tpu.memory_space<hbm>>
      %dma_wait3A_178 = arith.constant 0 : i32
      %dma_wait3A_179 = tpu.memref_slice %arg5[%add3A_171, %dma_wait3A_178] : memref<300000x128xf32, #tpu.memory_space<hbm>> -> memref<128x128xf32, #tpu.memory_space<hbm>>
      %dma_wait3A_180 = arith.constant 0 : i32
      %dma_wait3A_181 = arith.constant 0 : i32
      %dma_wait3A_182 = tpu.memref_slice %arg8[%cond3A_3, %dma_wait3A_180, %dma_wait3A_181] : memref<2x128x128xf32, #tpu.memory_space<vmem>> -> memref<1x128x128xf32, #tpu.memory_space<vmem>>
      %dma_wait3A_183 = tpu.memref_squeeze %dma_wait3A_182 : memref<1x128x128xf32, #tpu.memory_space<vmem>> -> memref<128x128xf32, #tpu.memory_space<vmem>>
      tpu.wait_dma2 semaphore(%arg14 : memref<!tpu.dma_semaphore, #tpu.memory_space<semaphore_mem>>) src(%dma_wait3A_183 : memref<128x128xf32, #tpu.memory_space<vmem>>) dst(%dma_wait3A_179 : memref<128x128xf32, #tpu.memory_space<hbm>>)
      %add3A_184 = arith.constant 100000 : i32
      %add3A_185 = arith.addi %add3A_184, %mul3A_79 : i32
      %add3A_186 = arith.constant 4096 : i32
      %add3A_187 = arith.addi %add3A_185, %add3A_186 : i32
      %dma_wait3A_188 = arith.constant 0 : i32
      %dma_wait3A_189 = arith.constant 0 : i32
      %dma_wait3A_190 = tpu.memref_slice %arg8[%cond3A, %dma_wait3A_188, %dma_wait3A_189] : memref<2x128x128xf32, #tpu.memory_space<vmem>> -> memref<1x128x128xf32, #tpu.memory_space<vmem>>
      %dma_wait3A_191 = tpu.memref_squeeze %dma_wait3A_190 : memref<1x128x128xf32, #tpu.memory_space<vmem>> -> memref<128x128xf32, #tpu.memory_space<vmem>>
      %dma_wait3A_192 = arith.constant 0 : i32
      %dma_wait3A_193 = tpu.memref_slice %arg5[%add3A_187, %dma_wait3A_192] : memref<300000x128xf32, #tpu.memory_space<hbm>> -> memref<128x128xf32, #tpu.memory_space<hbm>>
      %dma_wait3A_194 = arith.constant 0 : i32
      %dma_wait3A_195 = tpu.memref_slice %arg5[%add3A_187, %dma_wait3A_194] : memref<300000x128xf32, #tpu.memory_space<hbm>> -> memref<128x128xf32, #tpu.memory_space<hbm>>
      %dma_wait3A_196 = arith.constant 0 : i32
      %dma_wait3A_197 = arith.constant 0 : i32
      %dma_wait3A_198 = tpu.memref_slice %arg8[%cond3A, %dma_wait3A_196, %dma_wait3A_197] : memref<2x128x128xf32, #tpu.memory_space<vmem>> -> memref<1x128x128xf32, #tpu.memory_space<vmem>>
      %dma_wait3A_199 = tpu.memref_squeeze %dma_wait3A_198 : memref<1x128x128xf32, #tpu.memory_space<vmem>> -> memref<128x128xf32, #tpu.memory_space<vmem>>
      tpu.wait_dma2 semaphore(%arg13 : memref<!tpu.dma_semaphore, #tpu.memory_space<semaphore_mem>>) src(%dma_wait3A_199 : memref<128x128xf32, #tpu.memory_space<vmem>>) dst(%dma_wait3A_195 : memref<128x128xf32, #tpu.memory_space<hbm>>)
    } else {
    }
    %ge3A = arith.constant 8 : i32
    %ge3A_7 = arith.cmpi sge, %add3A, %ge3A : i32
    %convert_element_type3A_8 = arith.extui %ge3A_7 : i1 to i32
    %cond3A_9 = arith.constant 0 : i32
    %cond3A_10 = arith.constant 0 : i32
    %cond3A_11 = arith.constant 1 : i32
    %cond3A_12 = arith.constant 1 : i32
    %cond3A_13 = arith.constant 0 : i32
    %cond3A_14 = arith.cmpi ne, %convert_element_type3A_8, %cond3A_13 : i32
    scf.if %cond3A_14 {
      %sub3A = arith.constant 8 : i32
      %sub3A_20 = arith.subi %add3A, %sub3A : i32
      %mul3A_21 = arith.constant 6912 : i32
      %mul3A_22 = arith.muli %sub3A_20, %mul3A_21 : i32
      %add3A_23 = arith.constant 33792 : i32
      %add3A_24 = arith.addi %add3A_23, %mul3A_22 : i32
      %dma_start3A = arith.constant 0 : i32
      %dma_start3A_25 = tpu.memref_slice %arg6[%dma_start3A] : memref<6912xi32, #tpu.memory_space<vmem>> -> memref<6912xi32, #tpu.memory_space<vmem>>
      %dma_start3A_26 = tpu.memref_slice %arg3[%add3A_24] : memref<200000xi32, #tpu.memory_space<hbm>> -> memref<6912xi32, #tpu.memory_space<hbm>>
      %dma_start3A_27 = arith.constant 0 : i32
      %dma_start3A_28 = tpu.memref_slice %arg6[%dma_start3A_27] : memref<6912xi32, #tpu.memory_space<vmem>> -> memref<6912xi32, #tpu.memory_space<vmem>>
      %dma_start3A_29 = tpu.memref_slice %arg3[%add3A_24] : memref<200000xi32, #tpu.memory_space<hbm>> -> memref<6912xi32, #tpu.memory_space<hbm>>
      tpu.enqueue_dma source(%dma_start3A_29 : memref<6912xi32, #tpu.memory_space<hbm>>) target(%dma_start3A_28 : memref<6912xi32, #tpu.memory_space<vmem>>) target_semaphore(%arg11 : memref<!tpu.dma_semaphore, #tpu.memory_space<semaphore_mem>>)
      %dma_start3A_30 = arith.constant 0 : i32
      %dma_start3A_31 = tpu.memref_slice %arg7[%dma_start3A_30] : memref<6912xi32, #tpu.memory_space<vmem>> -> memref<6912xi32, #tpu.memory_space<vmem>>
      %dma_start3A_32 = tpu.memref_slice %arg4[%add3A_24] : memref<200000xi32, #tpu.memory_space<hbm>> -> memref<6912xi32, #tpu.memory_space<hbm>>
      %dma_start3A_33 = arith.constant 0 : i32
      %dma_start3A_34 = tpu.memref_slice %arg7[%dma_start3A_33] : memref<6912xi32, #tpu.memory_space<vmem>> -> memref<6912xi32, #tpu.memory_space<vmem>>
      %dma_start3A_35 = tpu.memref_slice %arg4[%add3A_24] : memref<200000xi32, #tpu.memory_space<hbm>> -> memref<6912xi32, #tpu.memory_space<hbm>>
      tpu.enqueue_dma source(%dma_start3A_35 : memref<6912xi32, #tpu.memory_space<hbm>>) target(%dma_start3A_34 : memref<6912xi32, #tpu.memory_space<vmem>>) target_semaphore(%arg12 : memref<!tpu.dma_semaphore, #tpu.memory_space<semaphore_mem>>)
      %dma_wait3A = arith.constant 0 : i32
      %dma_wait3A_36 = tpu.memref_slice %arg6[%dma_wait3A] : memref<6912xi32, #tpu.memory_space<vmem>> -> memref<6912xi32, #tpu.memory_space<vmem>>
      %dma_wait3A_37 = tpu.memref_slice %arg3[%add3A_24] : memref<200000xi32, #tpu.memory_space<hbm>> -> memref<6912xi32, #tpu.memory_space<hbm>>
      %dma_wait3A_38 = arith.constant 0 : i32
      %dma_wait3A_39 = tpu.memref_slice %arg6[%dma_wait3A_38] : memref<6912xi32, #tpu.memory_space<vmem>> -> memref<6912xi32, #tpu.memory_space<vmem>>
      %dma_wait3A_40 = tpu.memref_slice %arg3[%add3A_24] : memref<200000xi32, #tpu.memory_space<hbm>> -> memref<6912xi32, #tpu.memory_space<hbm>>
      tpu.wait_dma2 semaphore(%arg11 : memref<!tpu.dma_semaphore, #tpu.memory_space<semaphore_mem>>) src(%dma_wait3A_40 : memref<6912xi32, #tpu.memory_space<hbm>>) dst(%dma_wait3A_39 : memref<6912xi32, #tpu.memory_space<vmem>>)
      %dma_wait3A_41 = arith.constant 0 : i32
      %dma_wait3A_42 = tpu.memref_slice %arg7[%dma_wait3A_41] : memref<6912xi32, #tpu.memory_space<vmem>> -> memref<6912xi32, #tpu.memory_space<vmem>>
      %dma_wait3A_43 = tpu.memref_slice %arg4[%add3A_24] : memref<200000xi32, #tpu.memory_space<hbm>> -> memref<6912xi32, #tpu.memory_space<hbm>>
      %dma_wait3A_44 = arith.constant 0 : i32
      %dma_wait3A_45 = tpu.memref_slice %arg7[%dma_wait3A_44] : memref<6912xi32, #tpu.memory_space<vmem>> -> memref<6912xi32, #tpu.memory_space<vmem>>
      %dma_wait3A_46 = tpu.memref_slice %arg4[%add3A_24] : memref<200000xi32, #tpu.memory_space<hbm>> -> memref<6912xi32, #tpu.memory_space<hbm>>
      tpu.wait_dma2 semaphore(%arg12 : memref<!tpu.dma_semaphore, #tpu.memory_space<semaphore_mem>>) src(%dma_wait3A_46 : memref<6912xi32, #tpu.memory_space<hbm>>) dst(%dma_wait3A_45 : memref<6912xi32, #tpu.memory_space<vmem>>)
      %dma_start3A_47 = arith.constant 0 : i32
      %dma_start3A_48 = arith.constant 0 : i32
      %dma_start3A_49 = tpu.memref_slice %arg8[%cond3A_9, %dma_start3A_47, %dma_start3A_48] : memref<2x128x128xf32, #tpu.memory_space<vmem>> -> memref<1x128x128xf32, #tpu.memory_space<vmem>>
      %dma_start3A_50 = tpu.memref_squeeze %dma_start3A_49 : memref<1x128x128xf32, #tpu.memory_space<vmem>> -> memref<128x128xf32, #tpu.memory_space<vmem>>
      %dma_start3A_51 = arith.constant 0 : i32
      %dma_start3A_52 = tpu.memref_slice %arg6[%dma_start3A_51] : memref<6912xi32, #tpu.memory_space<vmem>> -> memref<128xi32, #tpu.memory_space<vmem>>
      %dma_start3A_53 = arith.constant 0 : i32
      %dma_start3A_54 = arith.constant 0 : i32
      %dma_start3A_55 = tpu.memref_slice %arg2[%dma_start3A_53, %dma_start3A_54] : memref<100000x128xf32, #tpu.memory_space<hbm>> -> memref<100000x128xf32, #tpu.memory_space<hbm>>
      tpu.enqueue_indirect_dma source(%dma_start3A_55 : memref<100000x128xf32, #tpu.memory_space<hbm>>) target(%dma_start3A_50 : memref<128x128xf32, #tpu.memory_space<vmem>>) offsets(%dma_start3A_52 : memref<128xi32, #tpu.memory_space<vmem>>) semaphore(%arg11 : memref<!tpu.dma_semaphore, #tpu.memory_space<semaphore_mem>>)
      %dma_start3A_56 = arith.constant 0 : i32
      %dma_start3A_57 = arith.constant 0 : i32
      %dma_start3A_58 = tpu.memref_slice %arg9[%cond3A_10, %dma_start3A_56, %dma_start3A_57] : memref<2x128x128xf32, #tpu.memory_space<vmem>> -> memref<1x128x128xf32, #tpu.memory_space<vmem>>
      %dma_start3A_59 = tpu.memref_squeeze %dma_start3A_58 : memref<1x128x128xf32, #tpu.memory_space<vmem>> -> memref<128x128xf32, #tpu.memory_space<vmem>>
      %dma_start3A_60 = arith.constant 0 : i32
      %dma_start3A_61 = tpu.memref_slice %arg7[%dma_start3A_60] : memref<6912xi32, #tpu.memory_space<vmem>> -> memref<128xi32, #tpu.memory_space<vmem>>
      %dma_start3A_62 = arith.constant 0 : i32
      %dma_start3A_63 = arith.constant 0 : i32
      %dma_start3A_64 = tpu.memref_slice %arg2[%dma_start3A_62, %dma_start3A_63] : memref<100000x128xf32, #tpu.memory_space<hbm>> -> memref<100000x128xf32, #tpu.memory_space<hbm>>
      tpu.enqueue_indirect_dma source(%dma_start3A_64 : memref<100000x128xf32, #tpu.memory_space<hbm>>) target(%dma_start3A_59 : memref<128x128xf32, #tpu.memory_space<vmem>>) offsets(%dma_start3A_61 : memref<128xi32, #tpu.memory_space<vmem>>) semaphore(%arg11 : memref<!tpu.dma_semaphore, #tpu.memory_space<semaphore_mem>>)
      %scan3A = arith.constant 0 : i32
      %scan3A_65 = arith.constant 0 : i32
      %scan3A_66 = arith.constant 26 : i32
      %scan3A_67 = arith.addi %scan3A_65, %scan3A_66 : i32
      %scan3A_68 = arith.constant 1 : i32
      scf.for %scan3A_216 = %scan3A_65 to %scan3A_67 step %scan3A_68  : i32 {
        %mul3A_217 = arith.constant 2 : i32
        %mul3A_218 = arith.muli %mul3A_217, %scan3A_216 : i32
        %add3A_219 = arith.constant 1 : i32
        %add3A_220 = arith.addi %mul3A_218, %add3A_219 : i32
        %ge3A_221 = arith.constant 1 : i32
        %ge3A_222 = arith.cmpi sge, %scan3A_216, %ge3A_221 : i32
        %convert_element_type3A_223 = arith.extui %ge3A_222 : i1 to i32
        %cond3A_224 = arith.constant 0 : i32
        %cond3A_225 = arith.cmpi ne, %convert_element_type3A_223, %cond3A_224 : i32
        scf.if %cond3A_225 {
          %sub3A_371 = arith.constant 2 : i32
          %sub3A_372 = arith.subi %add3A_220, %sub3A_371 : i32
          %add3A_373 = arith.constant 100000 : i32
          %add3A_374 = arith.addi %add3A_373, %add3A_24 : i32
          %mul3A_375 = arith.constant 128 : i32
          %mul3A_376 = arith.muli %sub3A_372, %mul3A_375 : i32
          %add3A_377 = arith.addi %add3A_374, %mul3A_376 : i32
          %dma_wait3A_378 = arith.constant 0 : i32
          %dma_wait3A_379 = arith.constant 0 : i32
          %dma_wait3A_380 = tpu.memref_slice %arg8[%cond3A_11, %dma_wait3A_378, %dma_wait3A_379] : memref<2x128x128xf32, #tpu.memory_space<vmem>> -> memref<1x128x128xf32, #tpu.memory_space<vmem>>
          %dma_wait3A_381 = tpu.memref_squeeze %dma_wait3A_380 : memref<1x128x128xf32, #tpu.memory_space<vmem>> -> memref<128x128xf32, #tpu.memory_space<vmem>>
          %dma_wait3A_382 = arith.constant 0 : i32
          %dma_wait3A_383 = tpu.memref_slice %arg5[%add3A_377, %dma_wait3A_382] : memref<300000x128xf32, #tpu.memory_space<hbm>> -> memref<128x128xf32, #tpu.memory_space<hbm>>
          %dma_wait3A_384 = arith.constant 0 : i32
          %dma_wait3A_385 = tpu.memref_slice %arg5[%add3A_377, %dma_wait3A_384] : memref<300000x128xf32, #tpu.memory_space<hbm>> -> memref<128x128xf32, #tpu.memory_space<hbm>>
          %dma_wait3A_386 = arith.constant 0 : i32
          %dma_wait3A_387 = arith.constant 0 : i32
          %dma_wait3A_388 = tpu.memref_slice %arg8[%cond3A_11, %dma_wait3A_386, %dma_wait3A_387] : memref<2x128x128xf32, #tpu.memory_space<vmem>> -> memref<1x128x128xf32, #tpu.memory_space<vmem>>
          %dma_wait3A_389 = tpu.memref_squeeze %dma_wait3A_388 : memref<1x128x128xf32, #tpu.memory_space<vmem>> -> memref<128x128xf32, #tpu.memory_space<vmem>>
          tpu.wait_dma2 semaphore(%arg14 : memref<!tpu.dma_semaphore, #tpu.memory_space<semaphore_mem>>) src(%dma_wait3A_389 : memref<128x128xf32, #tpu.memory_space<vmem>>) dst(%dma_wait3A_385 : memref<128x128xf32, #tpu.memory_space<hbm>>)
        } else {
        }
        %mul3A_226 = arith.constant 128 : i32
        %mul3A_227 = arith.muli %add3A_220, %mul3A_226 : i32
        %dma_start3A_228 = arith.constant 0 : i32
        %dma_start3A_229 = arith.constant 0 : i32
        %dma_start3A_230 = tpu.memref_slice %arg8[%cond3A_11, %dma_start3A_228, %dma_start3A_229] : memref<2x128x128xf32, #tpu.memory_space<vmem>> -> memref<1x128x128xf32, #tpu.memory_space<vmem>>
        %dma_start3A_231 = tpu.memref_squeeze %dma_start3A_230 : memref<1x128x128xf32, #tpu.memory_space<vmem>> -> memref<128x128xf32, #tpu.memory_space<vmem>>
        %dma_start3A_232 = tpu.memref_slice %arg6[%mul3A_227] : memref<6912xi32, #tpu.memory_space<vmem>> -> memref<128xi32, #tpu.memory_space<vmem>>
        %dma_start3A_233 = arith.constant 0 : i32
        %dma_start3A_234 = arith.constant 0 : i32
        %dma_start3A_235 = tpu.memref_slice %arg2[%dma_start3A_233, %dma_start3A_234] : memref<100000x128xf32, #tpu.memory_space<hbm>> -> memref<100000x128xf32, #tpu.memory_space<hbm>>
        tpu.enqueue_indirect_dma source(%dma_start3A_235 : memref<100000x128xf32, #tpu.memory_space<hbm>>) target(%dma_start3A_231 : memref<128x128xf32, #tpu.memory_space<vmem>>) offsets(%dma_start3A_232 : memref<128xi32, #tpu.memory_space<vmem>>) semaphore(%arg12 : memref<!tpu.dma_semaphore, #tpu.memory_space<semaphore_mem>>)
        %dma_start3A_236 = arith.constant 0 : i32
        %dma_start3A_237 = arith.constant 0 : i32
        %dma_start3A_238 = tpu.memref_slice %arg9[%cond3A_12, %dma_start3A_236, %dma_start3A_237] : memref<2x128x128xf32, #tpu.memory_space<vmem>> -> memref<1x128x128xf32, #tpu.memory_space<vmem>>
        %dma_start3A_239 = tpu.memref_squeeze %dma_start3A_238 : memref<1x128x128xf32, #tpu.memory_space<vmem>> -> memref<128x128xf32, #tpu.memory_space<vmem>>
        %dma_start3A_240 = tpu.memref_slice %arg7[%mul3A_227] : memref<6912xi32, #tpu.memory_space<vmem>> -> memref<128xi32, #tpu.memory_space<vmem>>
        %dma_start3A_241 = arith.constant 0 : i32
        %dma_start3A_242 = arith.constant 0 : i32
        %dma_start3A_243 = tpu.memref_slice %arg2[%dma_start3A_241, %dma_start3A_242] : memref<100000x128xf32, #tpu.memory_space<hbm>> -> memref<100000x128xf32, #tpu.memory_space<hbm>>
        tpu.enqueue_indirect_dma source(%dma_start3A_243 : memref<100000x128xf32, #tpu.memory_space<hbm>>) target(%dma_start3A_239 : memref<128x128xf32, #tpu.memory_space<vmem>>) offsets(%dma_start3A_240 : memref<128xi32, #tpu.memory_space<vmem>>) semaphore(%arg12 : memref<!tpu.dma_semaphore, #tpu.memory_space<semaphore_mem>>)
        %sub3A_244 = arith.constant 1 : i32
        %sub3A_245 = arith.subi %add3A_220, %sub3A_244 : i32
        %mul3A_246 = arith.constant 128 : i32
        %mul3A_247 = arith.muli %sub3A_245, %mul3A_246 : i32
        %dma_wait3A_248 = arith.constant 0 : i32
        %dma_wait3A_249 = arith.constant 0 : i32
        %dma_wait3A_250 = tpu.memref_slice %arg8[%cond3A_9, %dma_wait3A_248, %dma_wait3A_249] : memref<2x128x128xf32, #tpu.memory_space<vmem>> -> memref<1x128x128xf32, #tpu.memory_space<vmem>>
        %dma_wait3A_251 = tpu.memref_squeeze %dma_wait3A_250 : memref<1x128x128xf32, #tpu.memory_space<vmem>> -> memref<128x128xf32, #tpu.memory_space<vmem>>
        %dma_wait3A_252 = tpu.memref_slice %arg6[%mul3A_247] : memref<6912xi32, #tpu.memory_space<vmem>> -> memref<128xi32, #tpu.memory_space<vmem>>
        %dma_wait3A_253 = arith.constant 0 : i32
        %dma_wait3A_254 = arith.constant 0 : i32
        %dma_wait3A_255 = tpu.memref_slice %arg2[%dma_wait3A_253, %dma_wait3A_254] : memref<100000x128xf32, #tpu.memory_space<hbm>> -> memref<100000x128xf32, #tpu.memory_space<hbm>>
        tpu.wait_indirect_dma semaphore(%arg11 : memref<!tpu.dma_semaphore, #tpu.memory_space<semaphore_mem>>) src(%dma_wait3A_255 : memref<100000x128xf32, #tpu.memory_space<hbm>>) dst(%dma_wait3A_251 : memref<128x128xf32, #tpu.memory_space<vmem>>)
        %dma_wait3A_256 = arith.constant 0 : i32
        %dma_wait3A_257 = arith.constant 0 : i32
        %dma_wait3A_258 = tpu.memref_slice %arg9[%cond3A_10, %dma_wait3A_256, %dma_wait3A_257] : memref<2x128x128xf32, #tpu.memory_space<vmem>> -> memref<1x128x128xf32, #tpu.memory_space<vmem>>
        %dma_wait3A_259 = tpu.memref_squeeze %dma_wait3A_258 : memref<1x128x128xf32, #tpu.memory_space<vmem>> -> memref<128x128xf32, #tpu.memory_space<vmem>>
        %dma_wait3A_260 = tpu.memref_slice %arg7[%mul3A_247] : memref<6912xi32, #tpu.memory_space<vmem>> -> memref<128xi32, #tpu.memory_space<vmem>>
        %dma_wait3A_261 = arith.constant 0 : i32
        %dma_wait3A_262 = arith.constant 0 : i32
        %dma_wait3A_263 = tpu.memref_slice %arg2[%dma_wait3A_261, %dma_wait3A_262] : memref<100000x128xf32, #tpu.memory_space<hbm>> -> memref<100000x128xf32, #tpu.memory_space<hbm>>
        tpu.wait_indirect_dma semaphore(%arg11 : memref<!tpu.dma_semaphore, #tpu.memory_space<semaphore_mem>>) src(%dma_wait3A_263 : memref<100000x128xf32, #tpu.memory_space<hbm>>) dst(%dma_wait3A_259 : memref<128x128xf32, #tpu.memory_space<vmem>>)
        %scan3A_264 = arith.constant 0 : i32
        %scan3A_265 = arith.constant 0 : i32
        %scan3A_266 = arith.constant 128 : i32
        %scan3A_267 = arith.addi %scan3A_265, %scan3A_266 : i32
        %scan3A_268 = arith.constant 1 : i32
        scf.for %scan3A_371 = %scan3A_265 to %scan3A_267 step %scan3A_268  : i32 {
          %get3A = arith.constant 0 : i32
          %get3A_372 = arith.index_cast %get3A : i32 to index
          %get3A_373 = arith.index_cast %scan3A_371 : i32 to index
          %get3A_374 = arith.constant 0 : index
          %get3A_375 = tpu.vector_load %arg8[%get3A_372, %get3A_373, %get3A_374] {strides = array<i32>} : memref<2x128x128xf32, #tpu.memory_space<vmem>>, vector<1x1x16xf32>,
          %get3A_376 = vector.shape_cast %get3A_375 : vector<1x1x16xf32> to vector<16xf32>
          %get3A_377 = arith.constant 0 : i32
          %get3A_378 = arith.index_cast %get3A_377 : i32 to index
          %get3A_379 = arith.index_cast %scan3A_371 : i32 to index
          %get3A_380 = arith.constant 0 : index
          %get3A_381 = tpu.vector_load %arg9[%get3A_378, %get3A_379, %get3A_380] {strides = array<i32>} : memref<2x128x128xf32, #tpu.memory_space<vmem>>, vector<1x1x16xf32>,
          %get3A_382 = vector.shape_cast %get3A_381 : vector<1x1x16xf32> to vector<16xf32>
          %add3A_383 = arith.addf %get3A_376, %get3A_382 : vector<16xf32>
          %mul3A_384 = arith.constant 5.000000e-01 : f32
          %mul3A_385 = vector.broadcast %mul3A_384 : f32 to vector<16xf32>
          %mul3A_386 = arith.mulf %add3A_383, %mul3A_385 : vector<16xf32>
          %swap3A = arith.constant 0 : i32
          %swap3A_387 = arith.index_cast %swap3A : i32 to index
          %swap3A_388 = arith.index_cast %scan3A_371 : i32 to index
          %swap3A_389 = arith.constant 0 : index
          %swap3A_390 = tpu.vector_load %arg8[%swap3A_387, %swap3A_388, %swap3A_389] {strides = array<i32>} : memref<2x128x128xf32, #tpu.memory_space<vmem>>, vector<1x1x16xf32>,
          %swap3A_391 = vector.shape_cast %swap3A_390 : vector<1x1x16xf32> to vector<16xf32>
          %swap3A_392 = vector.shape_cast %mul3A_386 : vector<16xf32> to vector<1x1x16xf32>
          tpu.vector_store %arg8[%swap3A_387, %swap3A_388, %swap3A_389], %swap3A_392 {strides = array<i32>} : memref<2x128x128xf32, #tpu.memory_space<vmem>>, vector<1x1x16xf32>,
          %get3A_393 = arith.constant 0 : i32
          %get3A_394 = arith.index_cast %get3A_393 : i32 to index
          %get3A_395 = arith.index_cast %scan3A_371 : i32 to index
          %get3A_396 = arith.constant 16 : index
          %get3A_397 = tpu.vector_load %arg8[%get3A_394, %get3A_395, %get3A_396] {strides = array<i32>} : memref<2x128x128xf32, #tpu.memory_space<vmem>>, vector<1x1x16xf32>,
          %get3A_398 = vector.shape_cast %get3A_397 : vector<1x1x16xf32> to vector<16xf32>
          %get3A_399 = arith.constant 0 : i32
          %get3A_400 = arith.index_cast %get3A_399 : i32 to index
          %get3A_401 = arith.index_cast %scan3A_371 : i32 to index
          %get3A_402 = arith.constant 16 : index
          %get3A_403 = tpu.vector_load %arg9[%get3A_400, %get3A_401, %get3A_402] {strides = array<i32>} : memref<2x128x128xf32, #tpu.memory_space<vmem>>, vector<1x1x16xf32>,
          %get3A_404 = vector.shape_cast %get3A_403 : vector<1x1x16xf32> to vector<16xf32>
          %add3A_405 = arith.addf %get3A_398, %get3A_404 : vector<16xf32>
          %mul3A_406 = arith.constant 5.000000e-01 : f32
          %mul3A_407 = vector.broadcast %mul3A_406 : f32 to vector<16xf32>
          %mul3A_408 = arith.mulf %add3A_405, %mul3A_407 : vector<16xf32>
          %swap3A_409 = arith.constant 0 : i32
          %swap3A_410 = arith.index_cast %swap3A_409 : i32 to index
          %swap3A_411 = arith.index_cast %scan3A_371 : i32 to index
          %swap3A_412 = arith.constant 16 : index
          %swap3A_413 = tpu.vector_load %arg8[%swap3A_410, %swap3A_411, %swap3A_412] {strides = array<i32>} : memref<2x128x128xf32, #tpu.memory_space<vmem>>, vector<1x1x16xf32>,
          %swap3A_414 = vector.shape_cast %swap3A_413 : vector<1x1x16xf32> to vector<16xf32>
          %swap3A_415 = vector.shape_cast %mul3A_408 : vector<16xf32> to vector<1x1x16xf32>
          tpu.vector_store %arg8[%swap3A_410, %swap3A_411, %swap3A_412], %swap3A_415 {strides = array<i32>} : memref<2x128x128xf32, #tpu.memory_space<vmem>>, vector<1x1x16xf32>,
          %get3A_416 = arith.constant 0 : i32
          %get3A_417 = arith.index_cast %get3A_416 : i32 to index
          %get3A_418 = arith.index_cast %scan3A_371 : i32 to index
          %get3A_419 = arith.constant 32 : index
          %get3A_420 = tpu.vector_load %arg8[%get3A_417, %get3A_418, %get3A_419] {strides = array<i32>} : memref<2x128x128xf32, #tpu.memory_space<vmem>>, vector<1x1x16xf32>,
          %get3A_421 = vector.shape_cast %get3A_420 : vector<1x1x16xf32> to vector<16xf32>
          %get3A_422 = arith.constant 0 : i32
          %get3A_423 = arith.index_cast %get3A_422 : i32 to index
          %get3A_424 = arith.index_cast %scan3A_371 : i32 to index
          %get3A_425 = arith.constant 32 : index
          %get3A_426 = tpu.vector_load %arg9[%get3A_423, %get3A_424, %get3A_425] {strides = array<i32>} : memref<2x128x128xf32, #tpu.memory_space<vmem>>, vector<1x1x16xf32>,
          %get3A_427 = vector.shape_cast %get3A_426 : vector<1x1x16xf32> to vector<16xf32>
          %add3A_428 = arith.addf %get3A_421, %get3A_427 : vector<16xf32>
          %mul3A_429 = arith.constant 5.000000e-01 : f32
          %mul3A_430 = vector.broadcast %mul3A_429 : f32 to vector<16xf32>
          %mul3A_431 = arith.mulf %add3A_428, %mul3A_430 : vector<16xf32>
          %swap3A_432 = arith.constant 0 : i32
          %swap3A_433 = arith.index_cast %swap3A_432 : i32 to index
          %swap3A_434 = arith.index_cast %scan3A_371 : i32 to index
          %swap3A_435 = arith.constant 32 : index
          %swap3A_436 = tpu.vector_load %arg8[%swap3A_433, %swap3A_434, %swap3A_435] {strides = array<i32>} : memref<2x128x128xf32, #tpu.memory_space<vmem>>, vector<1x1x16xf32>,
          %swap3A_437 = vector.shape_cast %swap3A_436 : vector<1x1x16xf32> to vector<16xf32>
          %swap3A_438 = vector.shape_cast %mul3A_431 : vector<16xf32> to vector<1x1x16xf32>
          tpu.vector_store %arg8[%swap3A_433, %swap3A_434, %swap3A_435], %swap3A_438 {strides = array<i32>} : memref<2x128x128xf32, #tpu.memory_space<vmem>>, vector<1x1x16xf32>,
          %get3A_439 = arith.constant 0 : i32
          %get3A_440 = arith.index_cast %get3A_439 : i32 to index
          %get3A_441 = arith.index_cast %scan3A_371 : i32 to index
          %get3A_442 = arith.constant 48 : index
          %get3A_443 = tpu.vector_load %arg8[%get3A_440, %get3A_441, %get3A_442] {strides = array<i32>} : memref<2x128x128xf32, #tpu.memory_space<vmem>>, vector<1x1x16xf32>,
          %get3A_444 = vector.shape_cast %get3A_443 : vector<1x1x16xf32> to vector<16xf32>
          %get3A_445 = arith.constant 0 : i32
          %get3A_446 = arith.index_cast %get3A_445 : i32 to index
          %get3A_447 = arith.index_cast %scan3A_371 : i32 to index
          %get3A_448 = arith.constant 48 : index
          %get3A_449 = tpu.vector_load %arg9[%get3A_446, %get3A_447, %get3A_448] {strides = array<i32>} : memref<2x128x128xf32, #tpu.memory_space<vmem>>, vector<1x1x16xf32>,
          %get3A_450 = vector.shape_cast %get3A_449 : vector<1x1x16xf32> to vector<16xf32>
          %add3A_451 = arith.addf %get3A_444, %get3A_450 : vector<16xf32>
          %mul3A_452 = arith.constant 5.000000e-01 : f32
          %mul3A_453 = vector.broadcast %mul3A_452 : f32 to vector<16xf32>
          %mul3A_454 = arith.mulf %add3A_451, %mul3A_453 : vector<16xf32>
          %swap3A_455 = arith.constant 0 : i32
          %swap3A_456 = arith.index_cast %swap3A_455 : i32 to index
          %swap3A_457 = arith.index_cast %scan3A_371 : i32 to index
          %swap3A_458 = arith.constant 48 : index
          %swap3A_459 = tpu.vector_load %arg8[%swap3A_456, %swap3A_457, %swap3A_458] {strides = array<i32>} : memref<2x128x128xf32, #tpu.memory_space<vmem>>, vector<1x1x16xf32>,
          %swap3A_460 = vector.shape_cast %swap3A_459 : vector<1x1x16xf32> to vector<16xf32>
          %swap3A_461 = vector.shape_cast %mul3A_454 : vector<16xf32> to vector<1x1x16xf32>
          tpu.vector_store %arg8[%swap3A_456, %swap3A_457, %swap3A_458], %swap3A_461 {strides = array<i32>} : memref<2x128x128xf32, #tpu.memory_space<vmem>>, vector<1x1x16xf32>,
          %get3A_462 = arith.constant 0 : i32
          %get3A_463 = arith.index_cast %get3A_462 : i32 to index
          %get3A_464 = arith.index_cast %scan3A_371 : i32 to index
          %get3A_465 = arith.constant 64 : index
          %get3A_466 = tpu.vector_load %arg8[%get3A_463, %get3A_464, %get3A_465] {strides = array<i32>} : memref<2x128x128xf32, #tpu.memory_space<vmem>>, vector<1x1x16xf32>,
          %get3A_467 = vector.shape_cast %get3A_466 : vector<1x1x16xf32> to vector<16xf32>
          %get3A_468 = arith.constant 0 : i32
          %get3A_469 = arith.index_cast %get3A_468 : i32 to index
          %get3A_470 = arith.index_cast %scan3A_371 : i32 to index
          %get3A_471 = arith.constant 64 : index
          %get3A_472 = tpu.vector_load %arg9[%get3A_469, %get3A_470, %get3A_471] {strides = array<i32>} : memref<2x128x128xf32, #tpu.memory_space<vmem>>, vector<1x1x16xf32>,
          %get3A_473 = vector.shape_cast %get3A_472 : vector<1x1x16xf32> to vector<16xf32>
          %add3A_474 = arith.addf %get3A_467, %get3A_473 : vector<16xf32>
          %mul3A_475 = arith.constant 5.000000e-01 : f32
          %mul3A_476 = vector.broadcast %mul3A_475 : f32 to vector<16xf32>
          %mul3A_477 = arith.mulf %add3A_474, %mul3A_476 : vector<16xf32>
          %swap3A_478 = arith.constant 0 : i32
          %swap3A_479 = arith.index_cast %swap3A_478 : i32 to index
          %swap3A_480 = arith.index_cast %scan3A_371 : i32 to index
          %swap3A_481 = arith.constant 64 : index
          %swap3A_482 = tpu.vector_load %arg8[%swap3A_479, %swap3A_480, %swap3A_481] {strides = array<i32>} : memref<2x128x128xf32, #tpu.memory_space<vmem>>, vector<1x1x16xf32>,
          %swap3A_483 = vector.shape_cast %swap3A_482 : vector<1x1x16xf32> to vector<16xf32>
          %swap3A_484 = vector.shape_cast %mul3A_477 : vector<16xf32> to vector<1x1x16xf32>
          tpu.vector_store %arg8[%swap3A_479, %swap3A_480, %swap3A_481], %swap3A_484 {strides = array<i32>} : memref<2x128x128xf32, #tpu.memory_space<vmem>>, vector<1x1x16xf32>,
          %get3A_485 = arith.constant 0 : i32
          %get3A_486 = arith.index_cast %get3A_485 : i32 to index
          %get3A_487 = arith.index_cast %scan3A_371 : i32 to index
          %get3A_488 = arith.constant 80 : index
          %get3A_489 = tpu.vector_load %arg8[%get3A_486, %get3A_487, %get3A_488] {strides = array<i32>} : memref<2x128x128xf32, #tpu.memory_space<vmem>>, vector<1x1x16xf32>,
          %get3A_490 = vector.shape_cast %get3A_489 : vector<1x1x16xf32> to vector<16xf32>
          %get3A_491 = arith.constant 0 : i32
          %get3A_492 = arith.index_cast %get3A_491 : i32 to index
          %get3A_493 = arith.index_cast %scan3A_371 : i32 to index
          %get3A_494 = arith.constant 80 : index
          %get3A_495 = tpu.vector_load %arg9[%get3A_492, %get3A_493, %get3A_494] {strides = array<i32>} : memref<2x128x128xf32, #tpu.memory_space<vmem>>, vector<1x1x16xf32>,
          %get3A_496 = vector.shape_cast %get3A_495 : vector<1x1x16xf32> to vector<16xf32>
          %add3A_497 = arith.addf %get3A_490, %get3A_496 : vector<16xf32>
          %mul3A_498 = arith.constant 5.000000e-01 : f32
          %mul3A_499 = vector.broadcast %mul3A_498 : f32 to vector<16xf32>
          %mul3A_500 = arith.mulf %add3A_497, %mul3A_499 : vector<16xf32>
          %swap3A_501 = arith.constant 0 : i32
          %swap3A_502 = arith.index_cast %swap3A_501 : i32 to index
          %swap3A_503 = arith.index_cast %scan3A_371 : i32 to index
          %swap3A_504 = arith.constant 80 : index
          %swap3A_505 = tpu.vector_load %arg8[%swap3A_502, %swap3A_503, %swap3A_504] {strides = array<i32>} : memref<2x128x128xf32, #tpu.memory_space<vmem>>, vector<1x1x16xf32>,
          %swap3A_506 = vector.shape_cast %swap3A_505 : vector<1x1x16xf32> to vector<16xf32>
          %swap3A_507 = vector.shape_cast %mul3A_500 : vector<16xf32> to vector<1x1x16xf32>
          tpu.vector_store %arg8[%swap3A_502, %swap3A_503, %swap3A_504], %swap3A_507 {strides = array<i32>} : memref<2x128x128xf32, #tpu.memory_space<vmem>>, vector<1x1x16xf32>,
          %get3A_508 = arith.constant 0 : i32
          %get3A_509 = arith.index_cast %get3A_508 : i32 to index
          %get3A_510 = arith.index_cast %scan3A_371 : i32 to index
          %get3A_511 = arith.constant 96 : index
          %get3A_512 = tpu.vector_load %arg8[%get3A_509, %get3A_510, %get3A_511] {strides = array<i32>} : memref<2x128x128xf32, #tpu.memory_space<vmem>>, vector<1x1x16xf32>,
          %get3A_513 = vector.shape_cast %get3A_512 : vector<1x1x16xf32> to vector<16xf32>
          %get3A_514 = arith.constant 0 : i32
          %get3A_515 = arith.index_cast %get3A_514 : i32 to index
          %get3A_516 = arith.index_cast %scan3A_371 : i32 to index
          %get3A_517 = arith.constant 96 : index
          %get3A_518 = tpu.vector_load %arg9[%get3A_515, %get3A_516, %get3A_517] {strides = array<i32>} : memref<2x128x128xf32, #tpu.memory_space<vmem>>, vector<1x1x16xf32>,
          %get3A_519 = vector.shape_cast %get3A_518 : vector<1x1x16xf32> to vector<16xf32>
          %add3A_520 = arith.addf %get3A_513, %get3A_519 : vector<16xf32>
          %mul3A_521 = arith.constant 5.000000e-01 : f32
          %mul3A_522 = vector.broadcast %mul3A_521 : f32 to vector<16xf32>
          %mul3A_523 = arith.mulf %add3A_520, %mul3A_522 : vector<16xf32>
          %swap3A_524 = arith.constant 0 : i32
          %swap3A_525 = arith.index_cast %swap3A_524 : i32 to index
          %swap3A_526 = arith.index_cast %scan3A_371 : i32 to index
          %swap3A_527 = arith.constant 96 : index
          %swap3A_528 = tpu.vector_load %arg8[%swap3A_525, %swap3A_526, %swap3A_527] {strides = array<i32>} : memref<2x128x128xf32, #tpu.memory_space<vmem>>, vector<1x1x16xf32>,
          %swap3A_529 = vector.shape_cast %swap3A_528 : vector<1x1x16xf32> to vector<16xf32>
          %swap3A_530 = vector.shape_cast %mul3A_523 : vector<16xf32> to vector<1x1x16xf32>
          tpu.vector_store %arg8[%swap3A_525, %swap3A_526, %swap3A_527], %swap3A_530 {strides = array<i32>} : memref<2x128x128xf32, #tpu.memory_space<vmem>>, vector<1x1x16xf32>,
          %get3A_531 = arith.constant 0 : i32
          %get3A_532 = arith.index_cast %get3A_531 : i32 to index
          %get3A_533 = arith.index_cast %scan3A_371 : i32 to index
          %get3A_534 = arith.constant 112 : index
          %get3A_535 = tpu.vector_load %arg8[%get3A_532, %get3A_533, %get3A_534] {strides = array<i32>} : memref<2x128x128xf32, #tpu.memory_space<vmem>>, vector<1x1x16xf32>,
          %get3A_536 = vector.shape_cast %get3A_535 : vector<1x1x16xf32> to vector<16xf32>
          %get3A_537 = arith.constant 0 : i32
          %get3A_538 = arith.index_cast %get3A_537 : i32 to index
          %get3A_539 = arith.index_cast %scan3A_371 : i32 to index
          %get3A_540 = arith.constant 112 : index
          %get3A_541 = tpu.vector_load %arg9[%get3A_538, %get3A_539, %get3A_540] {strides = array<i32>} : memref<2x128x128xf32, #tpu.memory_space<vmem>>, vector<1x1x16xf32>,
          %get3A_542 = vector.shape_cast %get3A_541 : vector<1x1x16xf32> to vector<16xf32>
          %add3A_543 = arith.addf %get3A_536, %get3A_542 : vector<16xf32>
          %mul3A_544 = arith.constant 5.000000e-01 : f32
          %mul3A_545 = vector.broadcast %mul3A_544 : f32 to vector<16xf32>
          %mul3A_546 = arith.mulf %add3A_543, %mul3A_545 : vector<16xf32>
          %swap3A_547 = arith.constant 0 : i32
          %swap3A_548 = arith.index_cast %swap3A_547 : i32 to index
          %swap3A_549 = arith.index_cast %scan3A_371 : i32 to index
          %swap3A_550 = arith.constant 112 : index
          %swap3A_551 = tpu.vector_load %arg8[%swap3A_548, %swap3A_549, %swap3A_550] {strides = array<i32>} : memref<2x128x128xf32, #tpu.memory_space<vmem>>, vector<1x1x16xf32>,
          %swap3A_552 = vector.shape_cast %swap3A_551 : vector<1x1x16xf32> to vector<16xf32>
          %swap3A_553 = vector.shape_cast %mul3A_546 : vector<16xf32> to vector<1x1x16xf32>
          tpu.vector_store %arg8[%swap3A_548, %swap3A_549, %swap3A_550], %swap3A_553 {strides = array<i32>} : memref<2x128x128xf32, #tpu.memory_space<vmem>>, vector<1x1x16xf32>,
        }
        %scan3A_269 = arith.constant 128 : i32
        %add3A_270 = arith.constant 100000 : i32
        %add3A_271 = arith.addi %add3A_270, %add3A_24 : i32
        %mul3A_272 = arith.constant 128 : i32
        %mul3A_273 = arith.muli %sub3A_245, %mul3A_272 : i32
        %add3A_274 = arith.addi %add3A_271, %mul3A_273 : i32
        %dma_start3A_275 = arith.constant 0 : i32
        %dma_start3A_276 = arith.constant 0 : i32
        %dma_start3A_277 = tpu.memref_slice %arg8[%cond3A_9, %dma_start3A_275, %dma_start3A_276] : memref<2x128x128xf32, #tpu.memory_space<vmem>> -> memref<1x128x128xf32, #tpu.memory_space<vmem>>
        %dma_start3A_278 = tpu.memref_squeeze %dma_start3A_277 : memref<1x128x128xf32, #tpu.memory_space<vmem>> -> memref<128x128xf32, #tpu.memory_space<vmem>>
        %dma_start3A_279 = arith.constant 0 : i32
        %dma_start3A_280 = tpu.memref_slice %arg5[%add3A_274, %dma_start3A_279] : memref<300000x128xf32, #tpu.memory_space<hbm>> -> memref<128x128xf32, #tpu.memory_space<hbm>>
        %dma_start3A_281 = arith.constant 0 : i32
        %dma_start3A_282 = tpu.memref_slice %arg5[%add3A_274, %dma_start3A_281] : memref<300000x128xf32, #tpu.memory_space<hbm>> -> memref<128x128xf32, #tpu.memory_space<hbm>>
        %dma_start3A_283 = arith.constant 0 : i32
        %dma_start3A_284 = arith.constant 0 : i32
        %dma_start3A_285 = tpu.memref_slice %arg8[%cond3A_9, %dma_start3A_283, %dma_start3A_284] : memref<2x128x128xf32, #tpu.memory_space<vmem>> -> memref<1x128x128xf32, #tpu.memory_space<vmem>>
        %dma_start3A_286 = tpu.memref_squeeze %dma_start3A_285 : memref<1x128x128xf32, #tpu.memory_space<vmem>> -> memref<128x128xf32, #tpu.memory_space<vmem>>
        tpu.enqueue_dma source(%dma_start3A_286 : memref<128x128xf32, #tpu.memory_space<vmem>>) target(%dma_start3A_282 : memref<128x128xf32, #tpu.memory_space<hbm>>) target_semaphore(%arg13 : memref<!tpu.dma_semaphore, #tpu.memory_space<semaphore_mem>>)
        %mul3A_287 = arith.constant 2 : i32
        %mul3A_288 = arith.muli %mul3A_287, %scan3A_216 : i32
        %add3A_289 = arith.constant 2 : i32
        %add3A_290 = arith.addi %mul3A_288, %add3A_289 : i32
        %sub3A_291 = arith.constant 2 : i32
        %sub3A_292 = arith.subi %add3A_290, %sub3A_291 : i32
        %add3A_293 = arith.constant 100000 : i32
        %add3A_294 = arith.addi %add3A_293, %add3A_24 : i32
        %mul3A_295 = arith.constant 128 : i32
        %mul3A_296 = arith.muli %sub3A_292, %mul3A_295 : i32
        %add3A_297 = arith.addi %add3A_294, %mul3A_296 : i32
        %dma_wait3A_298 = arith.constant 0 : i32
        %dma_wait3A_299 = arith.constant 0 : i32
        %dma_wait3A_300 = tpu.memref_slice %arg8[%cond3A_9, %dma_wait3A_298, %dma_wait3A_299] : memref<2x128x128xf32, #tpu.memory_space<vmem>> -> memref<1x128x128xf32, #tpu.memory_space<vmem>>
        %dma_wait3A_301 = tpu.memref_squeeze %dma_wait3A_300 : memref<1x128x128xf32, #tpu.memory_space<vmem>> -> memref<128x128xf32, #tpu.memory_space<vmem>>
        %dma_wait3A_302 = arith.constant 0 : i32
        %dma_wait3A_303 = tpu.memref_slice %arg5[%add3A_297, %dma_wait3A_302] : memref<300000x128xf32, #tpu.memory_space<hbm>> -> memref<128x128xf32, #tpu.memory_space<hbm>>
        %dma_wait3A_304 = arith.constant 0 : i32
        %dma_wait3A_305 = tpu.memref_slice %arg5[%add3A_297, %dma_wait3A_304] : memref<300000x128xf32, #tpu.memory_space<hbm>> -> memref<128x128xf32, #tpu.memory_space<hbm>>
        %dma_wait3A_306 = arith.constant 0 : i32
        %dma_wait3A_307 = arith.constant 0 : i32
        %dma_wait3A_308 = tpu.memref_slice %arg8[%cond3A_9, %dma_wait3A_306, %dma_wait3A_307] : memref<2x128x128xf32, #tpu.memory_space<vmem>> -> memref<1x128x128xf32, #tpu.memory_space<vmem>>
        %dma_wait3A_309 = tpu.memref_squeeze %dma_wait3A_308 : memref<1x128x128xf32, #tpu.memory_space<vmem>> -> memref<128x128xf32, #tpu.memory_space<vmem>>
        tpu.wait_dma2 semaphore(%arg13 : memref<!tpu.dma_semaphore, #tpu.memory_space<semaphore_mem>>) src(%dma_wait3A_309 : memref<128x128xf32, #tpu.memory_space<vmem>>) dst(%dma_wait3A_305 : memref<128x128xf32, #tpu.memory_space<hbm>>)
        %mul3A_310 = arith.constant 128 : i32
        %mul3A_311 = arith.muli %add3A_290, %mul3A_310 : i32
        %dma_start3A_312 = arith.constant 0 : i32
        %dma_start3A_313 = arith.constant 0 : i32
        %dma_start3A_314 = tpu.memref_slice %arg8[%cond3A_9, %dma_start3A_312, %dma_start3A_313] : memref<2x128x128xf32, #tpu.memory_space<vmem>> -> memref<1x128x128xf32, #tpu.memory_space<vmem>>
        %dma_start3A_315 = tpu.memref_squeeze %dma_start3A_314 : memref<1x128x128xf32, #tpu.memory_space<vmem>> -> memref<128x128xf32, #tpu.memory_space<vmem>>
        %dma_start3A_316 = tpu.memref_slice %arg6[%mul3A_311] : memref<6912xi32, #tpu.memory_space<vmem>> -> memref<128xi32, #tpu.memory_space<vmem>>
        %dma_start3A_317 = arith.constant 0 : i32
        %dma_start3A_318 = arith.constant 0 : i32
        %dma_start3A_319 = tpu.memref_slice %arg2[%dma_start3A_317, %dma_start3A_318] : memref<100000x128xf32, #tpu.memory_space<hbm>> -> memref<100000x128xf32, #tpu.memory_space<hbm>>
        tpu.enqueue_indirect_dma source(%dma_start3A_319 : memref<100000x128xf32, #tpu.memory_space<hbm>>) target(%dma_start3A_315 : memref<128x128xf32, #tpu.memory_space<vmem>>) offsets(%dma_start3A_316 : memref<128xi32, #tpu.memory_space<vmem>>) semaphore(%arg11 : memref<!tpu.dma_semaphore, #tpu.memory_space<semaphore_mem>>)
        %dma_start3A_320 = arith.constant 0 : i32
        %dma_start3A_321 = arith.constant 0 : i32
        %dma_start3A_322 = tpu.memref_slice %arg9[%cond3A_10, %dma_start3A_320, %dma_start3A_321] : memref<2x128x128xf32, #tpu.memory_space<vmem>> -> memref<1x128x128xf32, #tpu.memory_space<vmem>>
        %dma_start3A_323 = tpu.memref_squeeze %dma_start3A_322 : memref<1x128x128xf32, #tpu.memory_space<vmem>> -> memref<128x128xf32, #tpu.memory_space<vmem>>
        %dma_start3A_324 = tpu.memref_slice %arg7[%mul3A_311] : memref<6912xi32, #tpu.memory_space<vmem>> -> memref<128xi32, #tpu.memory_space<vmem>>
        %dma_start3A_325 = arith.constant 0 : i32
        %dma_start3A_326 = arith.constant 0 : i32
        %dma_start3A_327 = tpu.memref_slice %arg2[%dma_start3A_325, %dma_start3A_326] : memref<100000x128xf32, #tpu.memory_space<hbm>> -> memref<100000x128xf32, #tpu.memory_space<hbm>>
        tpu.enqueue_indirect_dma source(%dma_start3A_327 : memref<100000x128xf32, #tpu.memory_space<hbm>>) target(%dma_start3A_323 : memref<128x128xf32, #tpu.memory_space<vmem>>) offsets(%dma_start3A_324 : memref<128xi32, #tpu.memory_space<vmem>>) semaphore(%arg11 : memref<!tpu.dma_semaphore, #tpu.memory_space<semaphore_mem>>)
        %sub3A_328 = arith.constant 1 : i32
        %sub3A_329 = arith.subi %add3A_290, %sub3A_328 : i32
        %mul3A_330 = arith.constant 128 : i32
        %mul3A_331 = arith.muli %sub3A_329, %mul3A_330 : i32
        %dma_wait3A_332 = arith.constant 0 : i32
        %dma_wait3A_333 = arith.constant 0 : i32
        %dma_wait3A_334 = tpu.memref_slice %arg8[%cond3A_11, %dma_wait3A_332, %dma_wait3A_333] : memref<2x128x128xf32, #tpu.memory_space<vmem>> -> memref<1x128x128xf32, #tpu.memory_space<vmem>>
        %dma_wait3A_335 = tpu.memref_squeeze %dma_wait3A_334 : memref<1x128x128xf32, #tpu.memory_space<vmem>> -> memref<128x128xf32, #tpu.memory_space<vmem>>
        %dma_wait3A_336 = tpu.memref_slice %arg6[%mul3A_331] : memref<6912xi32, #tpu.memory_space<vmem>> -> memref<128xi32, #tpu.memory_space<vmem>>
        %dma_wait3A_337 = arith.constant 0 : i32
        %dma_wait3A_338 = arith.constant 0 : i32
        %dma_wait3A_339 = tpu.memref_slice %arg2[%dma_wait3A_337, %dma_wait3A_338] : memref<100000x128xf32, #tpu.memory_space<hbm>> -> memref<100000x128xf32, #tpu.memory_space<hbm>>
        tpu.wait_indirect_dma semaphore(%arg12 : memref<!tpu.dma_semaphore, #tpu.memory_space<semaphore_mem>>) src(%dma_wait3A_339 : memref<100000x128xf32, #tpu.memory_space<hbm>>) dst(%dma_wait3A_335 : memref<128x128xf32, #tpu.memory_space<vmem>>)
        %dma_wait3A_340 = arith.constant 0 : i32
        %dma_wait3A_341 = arith.constant 0 : i32
        %dma_wait3A_342 = tpu.memref_slice %arg9[%cond3A_12, %dma_wait3A_340, %dma_wait3A_341] : memref<2x128x128xf32, #tpu.memory_space<vmem>> -> memref<1x128x128xf32, #tpu.memory_space<vmem>>
        %dma_wait3A_343 = tpu.memref_squeeze %dma_wait3A_342 : memref<1x128x128xf32, #tpu.memory_space<vmem>> -> memref<128x128xf32, #tpu.memory_space<vmem>>
        %dma_wait3A_344 = tpu.memref_slice %arg7[%mul3A_331] : memref<6912xi32, #tpu.memory_space<vmem>> -> memref<128xi32, #tpu.memory_space<vmem>>
        %dma_wait3A_345 = arith.constant 0 : i32
        %dma_wait3A_346 = arith.constant 0 : i32
        %dma_wait3A_347 = tpu.memref_slice %arg2[%dma_wait3A_345, %dma_wait3A_346] : memref<100000x128xf32, #tpu.memory_space<hbm>> -> memref<100000x128xf32, #tpu.memory_space<hbm>>
        tpu.wait_indirect_dma semaphore(%arg12 : memref<!tpu.dma_semaphore, #tpu.memory_space<semaphore_mem>>) src(%dma_wait3A_347 : memref<100000x128xf32, #tpu.memory_space<hbm>>) dst(%dma_wait3A_343 : memref<128x128xf32, #tpu.memory_space<vmem>>)
        %scan3A_348 = arith.constant 0 : i32
        %scan3A_349 = arith.constant 0 : i32
        %scan3A_350 = arith.constant 128 : i32
        %scan3A_351 = arith.addi %scan3A_349, %scan3A_350 : i32
        %scan3A_352 = arith.constant 1 : i32
        scf.for %scan3A_371 = %scan3A_349 to %scan3A_351 step %scan3A_352  : i32 {
          %get3A = arith.constant 1 : i32
          %get3A_372 = arith.index_cast %get3A : i32 to index
          %get3A_373 = arith.index_cast %scan3A_371 : i32 to index
          %get3A_374 = arith.constant 0 : index
          %get3A_375 = tpu.vector_load %arg8[%get3A_372, %get3A_373, %get3A_374] {strides = array<i32>} : memref<2x128x128xf32, #tpu.memory_space<vmem>>, vector<1x1x16xf32>,
          %get3A_376 = vector.shape_cast %get3A_375 : vector<1x1x16xf32> to vector<16xf32>
          %get3A_377 = arith.constant 1 : i32
          %get3A_378 = arith.index_cast %get3A_377 : i32 to index
          %get3A_379 = arith.index_cast %scan3A_371 : i32 to index
          %get3A_380 = arith.constant 0 : index
          %get3A_381 = tpu.vector_load %arg9[%get3A_378, %get3A_379, %get3A_380] {strides = array<i32>} : memref<2x128x128xf32, #tpu.memory_space<vmem>>, vector<1x1x16xf32>,
          %get3A_382 = vector.shape_cast %get3A_381 : vector<1x1x16xf32> to vector<16xf32>
          %add3A_383 = arith.addf %get3A_376, %get3A_382 : vector<16xf32>
          %mul3A_384 = arith.constant 5.000000e-01 : f32
          %mul3A_385 = vector.broadcast %mul3A_384 : f32 to vector<16xf32>
          %mul3A_386 = arith.mulf %add3A_383, %mul3A_385 : vector<16xf32>
          %swap3A = arith.constant 1 : i32
          %swap3A_387 = arith.index_cast %swap3A : i32 to index
          %swap3A_388 = arith.index_cast %scan3A_371 : i32 to index
          %swap3A_389 = arith.constant 0 : index
          %swap3A_390 = tpu.vector_load %arg8[%swap3A_387, %swap3A_388, %swap3A_389] {strides = array<i32>} : memref<2x128x128xf32, #tpu.memory_space<vmem>>, vector<1x1x16xf32>,
          %swap3A_391 = vector.shape_cast %swap3A_390 : vector<1x1x16xf32> to vector<16xf32>
          %swap3A_392 = vector.shape_cast %mul3A_386 : vector<16xf32> to vector<1x1x16xf32>
          tpu.vector_store %arg8[%swap3A_387, %swap3A_388, %swap3A_389], %swap3A_392 {strides = array<i32>} : memref<2x128x128xf32, #tpu.memory_space<vmem>>, vector<1x1x16xf32>,
          %get3A_393 = arith.constant 1 : i32
          %get3A_394 = arith.index_cast %get3A_393 : i32 to index
          %get3A_395 = arith.index_cast %scan3A_371 : i32 to index
          %get3A_396 = arith.constant 16 : index
          %get3A_397 = tpu.vector_load %arg8[%get3A_394, %get3A_395, %get3A_396] {strides = array<i32>} : memref<2x128x128xf32, #tpu.memory_space<vmem>>, vector<1x1x16xf32>,
          %get3A_398 = vector.shape_cast %get3A_397 : vector<1x1x16xf32> to vector<16xf32>
          %get3A_399 = arith.constant 1 : i32
          %get3A_400 = arith.index_cast %get3A_399 : i32 to index
          %get3A_401 = arith.index_cast %scan3A_371 : i32 to index
          %get3A_402 = arith.constant 16 : index
          %get3A_403 = tpu.vector_load %arg9[%get3A_400, %get3A_401, %get3A_402] {strides = array<i32>} : memref<2x128x128xf32, #tpu.memory_space<vmem>>, vector<1x1x16xf32>,
          %get3A_404 = vector.shape_cast %get3A_403 : vector<1x1x16xf32> to vector<16xf32>
          %add3A_405 = arith.addf %get3A_398, %get3A_404 : vector<16xf32>
          %mul3A_406 = arith.constant 5.000000e-01 : f32
          %mul3A_407 = vector.broadcast %mul3A_406 : f32 to vector<16xf32>
          %mul3A_408 = arith.mulf %add3A_405, %mul3A_407 : vector<16xf32>
          %swap3A_409 = arith.constant 1 : i32
          %swap3A_410 = arith.index_cast %swap3A_409 : i32 to index
          %swap3A_411 = arith.index_cast %scan3A_371 : i32 to index
          %swap3A_412 = arith.constant 16 : index
          %swap3A_413 = tpu.vector_load %arg8[%swap3A_410, %swap3A_411, %swap3A_412] {strides = array<i32>} : memref<2x128x128xf32, #tpu.memory_space<vmem>>, vector<1x1x16xf32>,
          %swap3A_414 = vector.shape_cast %swap3A_413 : vector<1x1x16xf32> to vector<16xf32>
          %swap3A_415 = vector.shape_cast %mul3A_408 : vector<16xf32> to vector<1x1x16xf32>
          tpu.vector_store %arg8[%swap3A_410, %swap3A_411, %swap3A_412], %swap3A_415 {strides = array<i32>} : memref<2x128x128xf32, #tpu.memory_space<vmem>>, vector<1x1x16xf32>,
          %get3A_416 = arith.constant 1 : i32
          %get3A_417 = arith.index_cast %get3A_416 : i32 to index
          %get3A_418 = arith.index_cast %scan3A_371 : i32 to index
          %get3A_419 = arith.constant 32 : index
          %get3A_420 = tpu.vector_load %arg8[%get3A_417, %get3A_418, %get3A_419] {strides = array<i32>} : memref<2x128x128xf32, #tpu.memory_space<vmem>>, vector<1x1x16xf32>,
          %get3A_421 = vector.shape_cast %get3A_420 : vector<1x1x16xf32> to vector<16xf32>
          %get3A_422 = arith.constant 1 : i32
          %get3A_423 = arith.index_cast %get3A_422 : i32 to index
          %get3A_424 = arith.index_cast %scan3A_371 : i32 to index
          %get3A_425 = arith.constant 32 : index
          %get3A_426 = tpu.vector_load %arg9[%get3A_423, %get3A_424, %get3A_425] {strides = array<i32>} : memref<2x128x128xf32, #tpu.memory_space<vmem>>, vector<1x1x16xf32>,
          %get3A_427 = vector.shape_cast %get3A_426 : vector<1x1x16xf32> to vector<16xf32>
          %add3A_428 = arith.addf %get3A_421, %get3A_427 : vector<16xf32>
          %mul3A_429 = arith.constant 5.000000e-01 : f32
          %mul3A_430 = vector.broadcast %mul3A_429 : f32 to vector<16xf32>
          %mul3A_431 = arith.mulf %add3A_428, %mul3A_430 : vector<16xf32>
          %swap3A_432 = arith.constant 1 : i32
          %swap3A_433 = arith.index_cast %swap3A_432 : i32 to index
          %swap3A_434 = arith.index_cast %scan3A_371 : i32 to index
          %swap3A_435 = arith.constant 32 : index
          %swap3A_436 = tpu.vector_load %arg8[%swap3A_433, %swap3A_434, %swap3A_435] {strides = array<i32>} : memref<2x128x128xf32, #tpu.memory_space<vmem>>, vector<1x1x16xf32>,
          %swap3A_437 = vector.shape_cast %swap3A_436 : vector<1x1x16xf32> to vector<16xf32>
          %swap3A_438 = vector.shape_cast %mul3A_431 : vector<16xf32> to vector<1x1x16xf32>
          tpu.vector_store %arg8[%swap3A_433, %swap3A_434, %swap3A_435], %swap3A_438 {strides = array<i32>} : memref<2x128x128xf32, #tpu.memory_space<vmem>>, vector<1x1x16xf32>,
          %get3A_439 = arith.constant 1 : i32
          %get3A_440 = arith.index_cast %get3A_439 : i32 to index
          %get3A_441 = arith.index_cast %scan3A_371 : i32 to index
          %get3A_442 = arith.constant 48 : index
          %get3A_443 = tpu.vector_load %arg8[%get3A_440, %get3A_441, %get3A_442] {strides = array<i32>} : memref<2x128x128xf32, #tpu.memory_space<vmem>>, vector<1x1x16xf32>,
          %get3A_444 = vector.shape_cast %get3A_443 : vector<1x1x16xf32> to vector<16xf32>
          %get3A_445 = arith.constant 1 : i32
          %get3A_446 = arith.index_cast %get3A_445 : i32 to index
          %get3A_447 = arith.index_cast %scan3A_371 : i32 to index
          %get3A_448 = arith.constant 48 : index
          %get3A_449 = tpu.vector_load %arg9[%get3A_446, %get3A_447, %get3A_448] {strides = array<i32>} : memref<2x128x128xf32, #tpu.memory_space<vmem>>, vector<1x1x16xf32>,
          %get3A_450 = vector.shape_cast %get3A_449 : vector<1x1x16xf32> to vector<16xf32>
          %add3A_451 = arith.addf %get3A_444, %get3A_450 : vector<16xf32>
          %mul3A_452 = arith.constant 5.000000e-01 : f32
          %mul3A_453 = vector.broadcast %mul3A_452 : f32 to vector<16xf32>
          %mul3A_454 = arith.mulf %add3A_451, %mul3A_453 : vector<16xf32>
          %swap3A_455 = arith.constant 1 : i32
          %swap3A_456 = arith.index_cast %swap3A_455 : i32 to index
          %swap3A_457 = arith.index_cast %scan3A_371 : i32 to index
          %swap3A_458 = arith.constant 48 : index
          %swap3A_459 = tpu.vector_load %arg8[%swap3A_456, %swap3A_457, %swap3A_458] {strides = array<i32>} : memref<2x128x128xf32, #tpu.memory_space<vmem>>, vector<1x1x16xf32>,
          %swap3A_460 = vector.shape_cast %swap3A_459 : vector<1x1x16xf32> to vector<16xf32>
          %swap3A_461 = vector.shape_cast %mul3A_454 : vector<16xf32> to vector<1x1x16xf32>
          tpu.vector_store %arg8[%swap3A_456, %swap3A_457, %swap3A_458], %swap3A_461 {strides = array<i32>} : memref<2x128x128xf32, #tpu.memory_space<vmem>>, vector<1x1x16xf32>,
          %get3A_462 = arith.constant 1 : i32
          %get3A_463 = arith.index_cast %get3A_462 : i32 to index
          %get3A_464 = arith.index_cast %scan3A_371 : i32 to index
          %get3A_465 = arith.constant 64 : index
          %get3A_466 = tpu.vector_load %arg8[%get3A_463, %get3A_464, %get3A_465] {strides = array<i32>} : memref<2x128x128xf32, #tpu.memory_space<vmem>>, vector<1x1x16xf32>,
          %get3A_467 = vector.shape_cast %get3A_466 : vector<1x1x16xf32> to vector<16xf32>
          %get3A_468 = arith.constant 1 : i32
          %get3A_469 = arith.index_cast %get3A_468 : i32 to index
          %get3A_470 = arith.index_cast %scan3A_371 : i32 to index
          %get3A_471 = arith.constant 64 : index
          %get3A_472 = tpu.vector_load %arg9[%get3A_469, %get3A_470, %get3A_471] {strides = array<i32>} : memref<2x128x128xf32, #tpu.memory_space<vmem>>, vector<1x1x16xf32>,
          %get3A_473 = vector.shape_cast %get3A_472 : vector<1x1x16xf32> to vector<16xf32>
          %add3A_474 = arith.addf %get3A_467, %get3A_473 : vector<16xf32>
          %mul3A_475 = arith.constant 5.000000e-01 : f32
          %mul3A_476 = vector.broadcast %mul3A_475 : f32 to vector<16xf32>
          %mul3A_477 = arith.mulf %add3A_474, %mul3A_476 : vector<16xf32>
          %swap3A_478 = arith.constant 1 : i32
          %swap3A_479 = arith.index_cast %swap3A_478 : i32 to index
          %swap3A_480 = arith.index_cast %scan3A_371 : i32 to index
          %swap3A_481 = arith.constant 64 : index
          %swap3A_482 = tpu.vector_load %arg8[%swap3A_479, %swap3A_480, %swap3A_481] {strides = array<i32>} : memref<2x128x128xf32, #tpu.memory_space<vmem>>, vector<1x1x16xf32>,
          %swap3A_483 = vector.shape_cast %swap3A_482 : vector<1x1x16xf32> to vector<16xf32>
          %swap3A_484 = vector.shape_cast %mul3A_477 : vector<16xf32> to vector<1x1x16xf32>
          tpu.vector_store %arg8[%swap3A_479, %swap3A_480, %swap3A_481], %swap3A_484 {strides = array<i32>} : memref<2x128x128xf32, #tpu.memory_space<vmem>>, vector<1x1x16xf32>,
          %get3A_485 = arith.constant 1 : i32
          %get3A_486 = arith.index_cast %get3A_485 : i32 to index
          %get3A_487 = arith.index_cast %scan3A_371 : i32 to index
          %get3A_488 = arith.constant 80 : index
          %get3A_489 = tpu.vector_load %arg8[%get3A_486, %get3A_487, %get3A_488] {strides = array<i32>} : memref<2x128x128xf32, #tpu.memory_space<vmem>>, vector<1x1x16xf32>,
          %get3A_490 = vector.shape_cast %get3A_489 : vector<1x1x16xf32> to vector<16xf32>
          %get3A_491 = arith.constant 1 : i32
          %get3A_492 = arith.index_cast %get3A_491 : i32 to index
          %get3A_493 = arith.index_cast %scan3A_371 : i32 to index
          %get3A_494 = arith.constant 80 : index
          %get3A_495 = tpu.vector_load %arg9[%get3A_492, %get3A_493, %get3A_494] {strides = array<i32>} : memref<2x128x128xf32, #tpu.memory_space<vmem>>, vector<1x1x16xf32>,
          %get3A_496 = vector.shape_cast %get3A_495 : vector<1x1x16xf32> to vector<16xf32>
          %add3A_497 = arith.addf %get3A_490, %get3A_496 : vector<16xf32>
          %mul3A_498 = arith.constant 5.000000e-01 : f32
          %mul3A_499 = vector.broadcast %mul3A_498 : f32 to vector<16xf32>
          %mul3A_500 = arith.mulf %add3A_497, %mul3A_499 : vector<16xf32>
          %swap3A_501 = arith.constant 1 : i32
          %swap3A_502 = arith.index_cast %swap3A_501 : i32 to index
          %swap3A_503 = arith.index_cast %scan3A_371 : i32 to index
          %swap3A_504 = arith.constant 80 : index
          %swap3A_505 = tpu.vector_load %arg8[%swap3A_502, %swap3A_503, %swap3A_504] {strides = array<i32>} : memref<2x128x128xf32, #tpu.memory_space<vmem>>, vector<1x1x16xf32>,
          %swap3A_506 = vector.shape_cast %swap3A_505 : vector<1x1x16xf32> to vector<16xf32>
          %swap3A_507 = vector.shape_cast %mul3A_500 : vector<16xf32> to vector<1x1x16xf32>
          tpu.vector_store %arg8[%swap3A_502, %swap3A_503, %swap3A_504], %swap3A_507 {strides = array<i32>} : memref<2x128x128xf32, #tpu.memory_space<vmem>>, vector<1x1x16xf32>,
          %get3A_508 = arith.constant 1 : i32
          %get3A_509 = arith.index_cast %get3A_508 : i32 to index
          %get3A_510 = arith.index_cast %scan3A_371 : i32 to index
          %get3A_511 = arith.constant 96 : index
          %get3A_512 = tpu.vector_load %arg8[%get3A_509, %get3A_510, %get3A_511] {strides = array<i32>} : memref<2x128x128xf32, #tpu.memory_space<vmem>>, vector<1x1x16xf32>,
          %get3A_513 = vector.shape_cast %get3A_512 : vector<1x1x16xf32> to vector<16xf32>
          %get3A_514 = arith.constant 1 : i32
          %get3A_515 = arith.index_cast %get3A_514 : i32 to index
          %get3A_516 = arith.index_cast %scan3A_371 : i32 to index
          %get3A_517 = arith.constant 96 : index
          %get3A_518 = tpu.vector_load %arg9[%get3A_515, %get3A_516, %get3A_517] {strides = array<i32>} : memref<2x128x128xf32, #tpu.memory_space<vmem>>, vector<1x1x16xf32>,
          %get3A_519 = vector.shape_cast %get3A_518 : vector<1x1x16xf32> to vector<16xf32>
          %add3A_520 = arith.addf %get3A_513, %get3A_519 : vector<16xf32>
          %mul3A_521 = arith.constant 5.000000e-01 : f32
          %mul3A_522 = vector.broadcast %mul3A_521 : f32 to vector<16xf32>
          %mul3A_523 = arith.mulf %add3A_520, %mul3A_522 : vector<16xf32>
          %swap3A_524 = arith.constant 1 : i32
          %swap3A_525 = arith.index_cast %swap3A_524 : i32 to index
          %swap3A_526 = arith.index_cast %scan3A_371 : i32 to index
          %swap3A_527 = arith.constant 96 : index
          %swap3A_528 = tpu.vector_load %arg8[%swap3A_525, %swap3A_526, %swap3A_527] {strides = array<i32>} : memref<2x128x128xf32, #tpu.memory_space<vmem>>, vector<1x1x16xf32>,
          %swap3A_529 = vector.shape_cast %swap3A_528 : vector<1x1x16xf32> to vector<16xf32>
          %swap3A_530 = vector.shape_cast %mul3A_523 : vector<16xf32> to vector<1x1x16xf32>
          tpu.vector_store %arg8[%swap3A_525, %swap3A_526, %swap3A_527], %swap3A_530 {strides = array<i32>} : memref<2x128x128xf32, #tpu.memory_space<vmem>>, vector<1x1x16xf32>,
          %get3A_531 = arith.constant 1 : i32
          %get3A_532 = arith.index_cast %get3A_531 : i32 to index
          %get3A_533 = arith.index_cast %scan3A_371 : i32 to index
          %get3A_534 = arith.constant 112 : index
          %get3A_535 = tpu.vector_load %arg8[%get3A_532, %get3A_533, %get3A_534] {strides = array<i32>} : memref<2x128x128xf32, #tpu.memory_space<vmem>>, vector<1x1x16xf32>,
          %get3A_536 = vector.shape_cast %get3A_535 : vector<1x1x16xf32> to vector<16xf32>
          %get3A_537 = arith.constant 1 : i32
          %get3A_538 = arith.index_cast %get3A_537 : i32 to index
          %get3A_539 = arith.index_cast %scan3A_371 : i32 to index
          %get3A_540 = arith.constant 112 : index
          %get3A_541 = tpu.vector_load %arg9[%get3A_538, %get3A_539, %get3A_540] {strides = array<i32>} : memref<2x128x128xf32, #tpu.memory_space<vmem>>, vector<1x1x16xf32>,
          %get3A_542 = vector.shape_cast %get3A_541 : vector<1x1x16xf32> to vector<16xf32>
          %add3A_543 = arith.addf %get3A_536, %get3A_542 : vector<16xf32>
          %mul3A_544 = arith.constant 5.000000e-01 : f32
          %mul3A_545 = vector.broadcast %mul3A_544 : f32 to vector<16xf32>
          %mul3A_546 = arith.mulf %add3A_543, %mul3A_545 : vector<16xf32>
          %swap3A_547 = arith.constant 1 : i32
          %swap3A_548 = arith.index_cast %swap3A_547 : i32 to index
          %swap3A_549 = arith.index_cast %scan3A_371 : i32 to index
          %swap3A_550 = arith.constant 112 : index
          %swap3A_551 = tpu.vector_load %arg8[%swap3A_548, %swap3A_549, %swap3A_550] {strides = array<i32>} : memref<2x128x128xf32, #tpu.memory_space<vmem>>, vector<1x1x16xf32>,
          %swap3A_552 = vector.shape_cast %swap3A_551 : vector<1x1x16xf32> to vector<16xf32>
          %swap3A_553 = vector.shape_cast %mul3A_546 : vector<16xf32> to vector<1x1x16xf32>
          tpu.vector_store %arg8[%swap3A_548, %swap3A_549, %swap3A_550], %swap3A_553 {strides = array<i32>} : memref<2x128x128xf32, #tpu.memory_space<vmem>>, vector<1x1x16xf32>,
        }
        %scan3A_353 = arith.constant 128 : i32
        %add3A_354 = arith.constant 100000 : i32
        %add3A_355 = arith.addi %add3A_354, %add3A_24 : i32
        %mul3A_356 = arith.constant 128 : i32
        %mul3A_357 = arith.muli %sub3A_329, %mul3A_356 : i32
        %add3A_358 = arith.addi %add3A_355, %mul3A_357 : i32
        %dma_start3A_359 = arith.constant 0 : i32
        %dma_start3A_360 = arith.constant 0 : i32
        %dma_start3A_361 = tpu.memref_slice %arg8[%cond3A_11, %dma_start3A_359, %dma_start3A_360] : memref<2x128x128xf32, #tpu.memory_space<vmem>> -> memref<1x128x128xf32, #tpu.memory_space<vmem>>
        %dma_start3A_362 = tpu.memref_squeeze %dma_start3A_361 : memref<1x128x128xf32, #tpu.memory_space<vmem>> -> memref<128x128xf32, #tpu.memory_space<vmem>>
        %dma_start3A_363 = arith.constant 0 : i32
        %dma_start3A_364 = tpu.memref_slice %arg5[%add3A_358, %dma_start3A_363] : memref<300000x128xf32, #tpu.memory_space<hbm>> -> memref<128x128xf32, #tpu.memory_space<hbm>>
        %dma_start3A_365 = arith.constant 0 : i32
        %dma_start3A_366 = tpu.memref_slice %arg5[%add3A_358, %dma_start3A_365] : memref<300000x128xf32, #tpu.memory_space<hbm>> -> memref<128x128xf32, #tpu.memory_space<hbm>>
        %dma_start3A_367 = arith.constant 0 : i32
        %dma_start3A_368 = arith.constant 0 : i32
        %dma_start3A_369 = tpu.memref_slice %arg8[%cond3A_11, %dma_start3A_367, %dma_start3A_368] : memref<2x128x128xf32, #tpu.memory_space<vmem>> -> memref<1x128x128xf32, #tpu.memory_space<vmem>>
        %dma_start3A_370 = tpu.memref_squeeze %dma_start3A_369 : memref<1x128x128xf32, #tpu.memory_space<vmem>> -> memref<128x128xf32, #tpu.memory_space<vmem>>
        tpu.enqueue_dma source(%dma_start3A_370 : memref<128x128xf32, #tpu.memory_space<vmem>>) target(%dma_start3A_366 : memref<128x128xf32, #tpu.memory_space<hbm>>) target_semaphore(%arg14 : memref<!tpu.dma_semaphore, #tpu.memory_space<semaphore_mem>>)
      }
      %scan3A_69 = arith.constant 26 : i32
      %add3A_70 = arith.constant 100000 : i32
      %add3A_71 = arith.addi %add3A_70, %add3A_24 : i32
      %add3A_72 = arith.constant 6528 : i32
      %add3A_73 = arith.addi %add3A_71, %add3A_72 : i32
      %dma_wait3A_74 = arith.constant 0 : i32
      %dma_wait3A_75 = arith.constant 0 : i32
      %dma_wait3A_76 = tpu.memref_slice %arg8[%cond3A_11, %dma_wait3A_74, %dma_wait3A_75] : memref<2x128x128xf32, #tpu.memory_space<vmem>> -> memref<1x128x128xf32, #tpu.memory_space<vmem>>
      %dma_wait3A_77 = tpu.memref_squeeze %dma_wait3A_76 : memref<1x128x128xf32, #tpu.memory_space<vmem>> -> memref<128x128xf32, #tpu.memory_space<vmem>>
      %dma_wait3A_78 = arith.constant 0 : i32
      %dma_wait3A_79 = tpu.memref_slice %arg5[%add3A_73, %dma_wait3A_78] : memref<300000x128xf32, #tpu.memory_space<hbm>> -> memref<128x128xf32, #tpu.memory_space<hbm>>
      %dma_wait3A_80 = arith.constant 0 : i32
      %dma_wait3A_81 = tpu.memref_slice %arg5[%add3A_73, %dma_wait3A_80] : memref<300000x128xf32, #tpu.memory_space<hbm>> -> memref<128x128xf32, #tpu.memory_space<hbm>>
      %dma_wait3A_82 = arith.constant 0 : i32
      %dma_wait3A_83 = arith.constant 0 : i32
      %dma_wait3A_84 = tpu.memref_slice %arg8[%cond3A_11, %dma_wait3A_82, %dma_wait3A_83] : memref<2x128x128xf32, #tpu.memory_space<vmem>> -> memref<1x128x128xf32, #tpu.memory_space<vmem>>
      %dma_wait3A_85 = tpu.memref_squeeze %dma_wait3A_84 : memref<1x128x128xf32, #tpu.memory_space<vmem>> -> memref<128x128xf32, #tpu.memory_space<vmem>>
      tpu.wait_dma2 semaphore(%arg14 : memref<!tpu.dma_semaphore, #tpu.memory_space<semaphore_mem>>) src(%dma_wait3A_85 : memref<128x128xf32, #tpu.memory_space<vmem>>) dst(%dma_wait3A_81 : memref<128x128xf32, #tpu.memory_space<hbm>>)
      %dma_start3A_86 = arith.constant 0 : i32
      %dma_start3A_87 = arith.constant 0 : i32
      %dma_start3A_88 = tpu.memref_slice %arg8[%cond3A_11, %dma_start3A_86, %dma_start3A_87] : memref<2x128x128xf32, #tpu.memory_space<vmem>> -> memref<1x128x128xf32, #tpu.memory_space<vmem>>
      %dma_start3A_89 = tpu.memref_squeeze %dma_start3A_88 : memref<1x128x128xf32, #tpu.memory_space<vmem>> -> memref<128x128xf32, #tpu.memory_space<vmem>>
      %dma_start3A_90 = arith.constant 6784 : i32
      %dma_start3A_91 = tpu.memref_slice %arg6[%dma_start3A_90] : memref<6912xi32, #tpu.memory_space<vmem>> -> memref<128xi32, #tpu.memory_space<vmem>>
      %dma_start3A_92 = arith.constant 0 : i32
      %dma_start3A_93 = arith.constant 0 : i32
      %dma_start3A_94 = tpu.memref_slice %arg2[%dma_start3A_92, %dma_start3A_93] : memref<100000x128xf32, #tpu.memory_space<hbm>> -> memref<100000x128xf32, #tpu.memory_space<hbm>>
      tpu.enqueue_indirect_dma source(%dma_start3A_94 : memref<100000x128xf32, #tpu.memory_space<hbm>>) target(%dma_start3A_89 : memref<128x128xf32, #tpu.memory_space<vmem>>) offsets(%dma_start3A_91 : memref<128xi32, #tpu.memory_space<vmem>>) semaphore(%arg12 : memref<!tpu.dma_semaphore, #tpu.memory_space<semaphore_mem>>)
      %dma_start3A_95 = arith.constant 0 : i32
      %dma_start3A_96 = arith.constant 0 : i32
      %dma_start3A_97 = tpu.memref_slice %arg9[%cond3A_12, %dma_start3A_95, %dma_start3A_96] : memref<2x128x128xf32, #tpu.memory_space<vmem>> -> memref<1x128x128xf32, #tpu.memory_space<vmem>>
      %dma_start3A_98 = tpu.memref_squeeze %dma_start3A_97 : memref<1x128x128xf32, #tpu.memory_space<vmem>> -> memref<128x128xf32, #tpu.memory_space<vmem>>
      %dma_start3A_99 = arith.constant 6784 : i32
      %dma_start3A_100 = tpu.memref_slice %arg7[%dma_start3A_99] : memref<6912xi32, #tpu.memory_space<vmem>> -> memref<128xi32, #tpu.memory_space<vmem>>
      %dma_start3A_101 = arith.constant 0 : i32
      %dma_start3A_102 = arith.constant 0 : i32
      %dma_start3A_103 = tpu.memref_slice %arg2[%dma_start3A_101, %dma_start3A_102] : memref<100000x128xf32, #tpu.memory_space<hbm>> -> memref<100000x128xf32, #tpu.memory_space<hbm>>
      tpu.enqueue_indirect_dma source(%dma_start3A_103 : memref<100000x128xf32, #tpu.memory_space<hbm>>) target(%dma_start3A_98 : memref<128x128xf32, #tpu.memory_space<vmem>>) offsets(%dma_start3A_100 : memref<128xi32, #tpu.memory_space<vmem>>) semaphore(%arg12 : memref<!tpu.dma_semaphore, #tpu.memory_space<semaphore_mem>>)
      %dma_wait3A_104 = arith.constant 0 : i32
      %dma_wait3A_105 = arith.constant 0 : i32
      %dma_wait3A_106 = tpu.memref_slice %arg8[%cond3A_9, %dma_wait3A_104, %dma_wait3A_105] : memref<2x128x128xf32, #tpu.memory_space<vmem>> -> memref<1x128x128xf32, #tpu.memory_space<vmem>>
      %dma_wait3A_107 = tpu.memref_squeeze %dma_wait3A_106 : memref<1x128x128xf32, #tpu.memory_space<vmem>> -> memref<128x128xf32, #tpu.memory_space<vmem>>
      %dma_wait3A_108 = arith.constant 6656 : i32
      %dma_wait3A_109 = tpu.memref_slice %arg6[%dma_wait3A_108] : memref<6912xi32, #tpu.memory_space<vmem>> -> memref<128xi32, #tpu.memory_space<vmem>>
      %dma_wait3A_110 = arith.constant 0 : i32
      %dma_wait3A_111 = arith.constant 0 : i32
      %dma_wait3A_112 = tpu.memref_slice %arg2[%dma_wait3A_110, %dma_wait3A_111] : memref<100000x128xf32, #tpu.memory_space<hbm>> -> memref<100000x128xf32, #tpu.memory_space<hbm>>
      tpu.wait_indirect_dma semaphore(%arg11 : memref<!tpu.dma_semaphore, #tpu.memory_space<semaphore_mem>>) src(%dma_wait3A_112 : memref<100000x128xf32, #tpu.memory_space<hbm>>) dst(%dma_wait3A_107 : memref<128x128xf32, #tpu.memory_space<vmem>>)
      %dma_wait3A_113 = arith.constant 0 : i32
      %dma_wait3A_114 = arith.constant 0 : i32
      %dma_wait3A_115 = tpu.memref_slice %arg9[%cond3A_10, %dma_wait3A_113, %dma_wait3A_114] : memref<2x128x128xf32, #tpu.memory_space<vmem>> -> memref<1x128x128xf32, #tpu.memory_space<vmem>>
      %dma_wait3A_116 = tpu.memref_squeeze %dma_wait3A_115 : memref<1x128x128xf32, #tpu.memory_space<vmem>> -> memref<128x128xf32, #tpu.memory_space<vmem>>
      %dma_wait3A_117 = arith.constant 6656 : i32
      %dma_wait3A_118 = tpu.memref_slice %arg7[%dma_wait3A_117] : memref<6912xi32, #tpu.memory_space<vmem>> -> memref<128xi32, #tpu.memory_space<vmem>>
      %dma_wait3A_119 = arith.constant 0 : i32
      %dma_wait3A_120 = arith.constant 0 : i32
      %dma_wait3A_121 = tpu.memref_slice %arg2[%dma_wait3A_119, %dma_wait3A_120] : memref<100000x128xf32, #tpu.memory_space<hbm>> -> memref<100000x128xf32, #tpu.memory_space<hbm>>
      tpu.wait_indirect_dma semaphore(%arg11 : memref<!tpu.dma_semaphore, #tpu.memory_space<semaphore_mem>>) src(%dma_wait3A_121 : memref<100000x128xf32, #tpu.memory_space<hbm>>) dst(%dma_wait3A_116 : memref<128x128xf32, #tpu.memory_space<vmem>>)
      %scan3A_122 = arith.constant 0 : i32
      %scan3A_123 = arith.constant 0 : i32
      %scan3A_124 = arith.constant 128 : i32
      %scan3A_125 = arith.addi %scan3A_123, %scan3A_124 : i32
      %scan3A_126 = arith.constant 1 : i32
      scf.for %scan3A_216 = %scan3A_123 to %scan3A_125 step %scan3A_126  : i32 {
        %get3A = arith.constant 0 : i32
        %get3A_217 = arith.index_cast %get3A : i32 to index
        %get3A_218 = arith.index_cast %scan3A_216 : i32 to index
        %get3A_219 = arith.constant 0 : index
        %get3A_220 = tpu.vector_load %arg8[%get3A_217, %get3A_218, %get3A_219] {strides = array<i32>} : memref<2x128x128xf32, #tpu.memory_space<vmem>>, vector<1x1x16xf32>,
        %get3A_221 = vector.shape_cast %get3A_220 : vector<1x1x16xf32> to vector<16xf32>
        %get3A_222 = arith.constant 0 : i32
        %get3A_223 = arith.index_cast %get3A_222 : i32 to index
        %get3A_224 = arith.index_cast %scan3A_216 : i32 to index
        %get3A_225 = arith.constant 0 : index
        %get3A_226 = tpu.vector_load %arg9[%get3A_223, %get3A_224, %get3A_225] {strides = array<i32>} : memref<2x128x128xf32, #tpu.memory_space<vmem>>, vector<1x1x16xf32>,
        %get3A_227 = vector.shape_cast %get3A_226 : vector<1x1x16xf32> to vector<16xf32>
        %add3A_228 = arith.addf %get3A_221, %get3A_227 : vector<16xf32>
        %mul3A_229 = arith.constant 5.000000e-01 : f32
        %mul3A_230 = vector.broadcast %mul3A_229 : f32 to vector<16xf32>
        %mul3A_231 = arith.mulf %add3A_228, %mul3A_230 : vector<16xf32>
        %swap3A = arith.constant 0 : i32
        %swap3A_232 = arith.index_cast %swap3A : i32 to index
        %swap3A_233 = arith.index_cast %scan3A_216 : i32 to index
        %swap3A_234 = arith.constant 0 : index
        %swap3A_235 = tpu.vector_load %arg8[%swap3A_232, %swap3A_233, %swap3A_234] {strides = array<i32>} : memref<2x128x128xf32, #tpu.memory_space<vmem>>, vector<1x1x16xf32>,
        %swap3A_236 = vector.shape_cast %swap3A_235 : vector<1x1x16xf32> to vector<16xf32>
        %swap3A_237 = vector.shape_cast %mul3A_231 : vector<16xf32> to vector<1x1x16xf32>
        tpu.vector_store %arg8[%swap3A_232, %swap3A_233, %swap3A_234], %swap3A_237 {strides = array<i32>} : memref<2x128x128xf32, #tpu.memory_space<vmem>>, vector<1x1x16xf32>,
        %get3A_238 = arith.constant 0 : i32
        %get3A_239 = arith.index_cast %get3A_238 : i32 to index
        %get3A_240 = arith.index_cast %scan3A_216 : i32 to index
        %get3A_241 = arith.constant 16 : index
        %get3A_242 = tpu.vector_load %arg8[%get3A_239, %get3A_240, %get3A_241] {strides = array<i32>} : memref<2x128x128xf32, #tpu.memory_space<vmem>>, vector<1x1x16xf32>,
        %get3A_243 = vector.shape_cast %get3A_242 : vector<1x1x16xf32> to vector<16xf32>
        %get3A_244 = arith.constant 0 : i32
        %get3A_245 = arith.index_cast %get3A_244 : i32 to index
        %get3A_246 = arith.index_cast %scan3A_216 : i32 to index
        %get3A_247 = arith.constant 16 : index
        %get3A_248 = tpu.vector_load %arg9[%get3A_245, %get3A_246, %get3A_247] {strides = array<i32>} : memref<2x128x128xf32, #tpu.memory_space<vmem>>, vector<1x1x16xf32>,
        %get3A_249 = vector.shape_cast %get3A_248 : vector<1x1x16xf32> to vector<16xf32>
        %add3A_250 = arith.addf %get3A_243, %get3A_249 : vector<16xf32>
        %mul3A_251 = arith.constant 5.000000e-01 : f32
        %mul3A_252 = vector.broadcast %mul3A_251 : f32 to vector<16xf32>
        %mul3A_253 = arith.mulf %add3A_250, %mul3A_252 : vector<16xf32>
        %swap3A_254 = arith.constant 0 : i32
        %swap3A_255 = arith.index_cast %swap3A_254 : i32 to index
        %swap3A_256 = arith.index_cast %scan3A_216 : i32 to index
        %swap3A_257 = arith.constant 16 : index
        %swap3A_258 = tpu.vector_load %arg8[%swap3A_255, %swap3A_256, %swap3A_257] {strides = array<i32>} : memref<2x128x128xf32, #tpu.memory_space<vmem>>, vector<1x1x16xf32>,
        %swap3A_259 = vector.shape_cast %swap3A_258 : vector<1x1x16xf32> to vector<16xf32>
        %swap3A_260 = vector.shape_cast %mul3A_253 : vector<16xf32> to vector<1x1x16xf32>
        tpu.vector_store %arg8[%swap3A_255, %swap3A_256, %swap3A_257], %swap3A_260 {strides = array<i32>} : memref<2x128x128xf32, #tpu.memory_space<vmem>>, vector<1x1x16xf32>,
        %get3A_261 = arith.constant 0 : i32
        %get3A_262 = arith.index_cast %get3A_261 : i32 to index
        %get3A_263 = arith.index_cast %scan3A_216 : i32 to index
        %get3A_264 = arith.constant 32 : index
        %get3A_265 = tpu.vector_load %arg8[%get3A_262, %get3A_263, %get3A_264] {strides = array<i32>} : memref<2x128x128xf32, #tpu.memory_space<vmem>>, vector<1x1x16xf32>,
        %get3A_266 = vector.shape_cast %get3A_265 : vector<1x1x16xf32> to vector<16xf32>
        %get3A_267 = arith.constant 0 : i32
        %get3A_268 = arith.index_cast %get3A_267 : i32 to index
        %get3A_269 = arith.index_cast %scan3A_216 : i32 to index
        %get3A_270 = arith.constant 32 : index
        %get3A_271 = tpu.vector_load %arg9[%get3A_268, %get3A_269, %get3A_270] {strides = array<i32>} : memref<2x128x128xf32, #tpu.memory_space<vmem>>, vector<1x1x16xf32>,
        %get3A_272 = vector.shape_cast %get3A_271 : vector<1x1x16xf32> to vector<16xf32>
        %add3A_273 = arith.addf %get3A_266, %get3A_272 : vector<16xf32>
        %mul3A_274 = arith.constant 5.000000e-01 : f32
        %mul3A_275 = vector.broadcast %mul3A_274 : f32 to vector<16xf32>
        %mul3A_276 = arith.mulf %add3A_273, %mul3A_275 : vector<16xf32>
        %swap3A_277 = arith.constant 0 : i32
        %swap3A_278 = arith.index_cast %swap3A_277 : i32 to index
        %swap3A_279 = arith.index_cast %scan3A_216 : i32 to index
        %swap3A_280 = arith.constant 32 : index
        %swap3A_281 = tpu.vector_load %arg8[%swap3A_278, %swap3A_279, %swap3A_280] {strides = array<i32>} : memref<2x128x128xf32, #tpu.memory_space<vmem>>, vector<1x1x16xf32>,
        %swap3A_282 = vector.shape_cast %swap3A_281 : vector<1x1x16xf32> to vector<16xf32>
        %swap3A_283 = vector.shape_cast %mul3A_276 : vector<16xf32> to vector<1x1x16xf32>
        tpu.vector_store %arg8[%swap3A_278, %swap3A_279, %swap3A_280], %swap3A_283 {strides = array<i32>} : memref<2x128x128xf32, #tpu.memory_space<vmem>>, vector<1x1x16xf32>,
        %get3A_284 = arith.constant 0 : i32
        %get3A_285 = arith.index_cast %get3A_284 : i32 to index
        %get3A_286 = arith.index_cast %scan3A_216 : i32 to index
        %get3A_287 = arith.constant 48 : index
        %get3A_288 = tpu.vector_load %arg8[%get3A_285, %get3A_286, %get3A_287] {strides = array<i32>} : memref<2x128x128xf32, #tpu.memory_space<vmem>>, vector<1x1x16xf32>,
        %get3A_289 = vector.shape_cast %get3A_288 : vector<1x1x16xf32> to vector<16xf32>
        %get3A_290 = arith.constant 0 : i32
        %get3A_291 = arith.index_cast %get3A_290 : i32 to index
        %get3A_292 = arith.index_cast %scan3A_216 : i32 to index
        %get3A_293 = arith.constant 48 : index
        %get3A_294 = tpu.vector_load %arg9[%get3A_291, %get3A_292, %get3A_293] {strides = array<i32>} : memref<2x128x128xf32, #tpu.memory_space<vmem>>, vector<1x1x16xf32>,
        %get3A_295 = vector.shape_cast %get3A_294 : vector<1x1x16xf32> to vector<16xf32>
        %add3A_296 = arith.addf %get3A_289, %get3A_295 : vector<16xf32>
        %mul3A_297 = arith.constant 5.000000e-01 : f32
        %mul3A_298 = vector.broadcast %mul3A_297 : f32 to vector<16xf32>
        %mul3A_299 = arith.mulf %add3A_296, %mul3A_298 : vector<16xf32>
        %swap3A_300 = arith.constant 0 : i32
        %swap3A_301 = arith.index_cast %swap3A_300 : i32 to index
        %swap3A_302 = arith.index_cast %scan3A_216 : i32 to index
        %swap3A_303 = arith.constant 48 : index
        %swap3A_304 = tpu.vector_load %arg8[%swap3A_301, %swap3A_302, %swap3A_303] {strides = array<i32>} : memref<2x128x128xf32, #tpu.memory_space<vmem>>, vector<1x1x16xf32>,
        %swap3A_305 = vector.shape_cast %swap3A_304 : vector<1x1x16xf32> to vector<16xf32>
        %swap3A_306 = vector.shape_cast %mul3A_299 : vector<16xf32> to vector<1x1x16xf32>
        tpu.vector_store %arg8[%swap3A_301, %swap3A_302, %swap3A_303], %swap3A_306 {strides = array<i32>} : memref<2x128x128xf32, #tpu.memory_space<vmem>>, vector<1x1x16xf32>,
        %get3A_307 = arith.constant 0 : i32
        %get3A_308 = arith.index_cast %get3A_307 : i32 to index
        %get3A_309 = arith.index_cast %scan3A_216 : i32 to index
        %get3A_310 = arith.constant 64 : index
        %get3A_311 = tpu.vector_load %arg8[%get3A_308, %get3A_309, %get3A_310] {strides = array<i32>} : memref<2x128x128xf32, #tpu.memory_space<vmem>>, vector<1x1x16xf32>,
        %get3A_312 = vector.shape_cast %get3A_311 : vector<1x1x16xf32> to vector<16xf32>
        %get3A_313 = arith.constant 0 : i32
        %get3A_314 = arith.index_cast %get3A_313 : i32 to index
        %get3A_315 = arith.index_cast %scan3A_216 : i32 to index
        %get3A_316 = arith.constant 64 : index
        %get3A_317 = tpu.vector_load %arg9[%get3A_314, %get3A_315, %get3A_316] {strides = array<i32>} : memref<2x128x128xf32, #tpu.memory_space<vmem>>, vector<1x1x16xf32>,
        %get3A_318 = vector.shape_cast %get3A_317 : vector<1x1x16xf32> to vector<16xf32>
        %add3A_319 = arith.addf %get3A_312, %get3A_318 : vector<16xf32>
        %mul3A_320 = arith.constant 5.000000e-01 : f32
        %mul3A_321 = vector.broadcast %mul3A_320 : f32 to vector<16xf32>
        %mul3A_322 = arith.mulf %add3A_319, %mul3A_321 : vector<16xf32>
        %swap3A_323 = arith.constant 0 : i32
        %swap3A_324 = arith.index_cast %swap3A_323 : i32 to index
        %swap3A_325 = arith.index_cast %scan3A_216 : i32 to index
        %swap3A_326 = arith.constant 64 : index
        %swap3A_327 = tpu.vector_load %arg8[%swap3A_324, %swap3A_325, %swap3A_326] {strides = array<i32>} : memref<2x128x128xf32, #tpu.memory_space<vmem>>, vector<1x1x16xf32>,
        %swap3A_328 = vector.shape_cast %swap3A_327 : vector<1x1x16xf32> to vector<16xf32>
        %swap3A_329 = vector.shape_cast %mul3A_322 : vector<16xf32> to vector<1x1x16xf32>
        tpu.vector_store %arg8[%swap3A_324, %swap3A_325, %swap3A_326], %swap3A_329 {strides = array<i32>} : memref<2x128x128xf32, #tpu.memory_space<vmem>>, vector<1x1x16xf32>,
        %get3A_330 = arith.constant 0 : i32
        %get3A_331 = arith.index_cast %get3A_330 : i32 to index
        %get3A_332 = arith.index_cast %scan3A_216 : i32 to index
        %get3A_333 = arith.constant 80 : index
        %get3A_334 = tpu.vector_load %arg8[%get3A_331, %get3A_332, %get3A_333] {strides = array<i32>} : memref<2x128x128xf32, #tpu.memory_space<vmem>>, vector<1x1x16xf32>,
        %get3A_335 = vector.shape_cast %get3A_334 : vector<1x1x16xf32> to vector<16xf32>
        %get3A_336 = arith.constant 0 : i32
        %get3A_337 = arith.index_cast %get3A_336 : i32 to index
        %get3A_338 = arith.index_cast %scan3A_216 : i32 to index
        %get3A_339 = arith.constant 80 : index
        %get3A_340 = tpu.vector_load %arg9[%get3A_337, %get3A_338, %get3A_339] {strides = array<i32>} : memref<2x128x128xf32, #tpu.memory_space<vmem>>, vector<1x1x16xf32>,
        %get3A_341 = vector.shape_cast %get3A_340 : vector<1x1x16xf32> to vector<16xf32>
        %add3A_342 = arith.addf %get3A_335, %get3A_341 : vector<16xf32>
        %mul3A_343 = arith.constant 5.000000e-01 : f32
        %mul3A_344 = vector.broadcast %mul3A_343 : f32 to vector<16xf32>
        %mul3A_345 = arith.mulf %add3A_342, %mul3A_344 : vector<16xf32>
        %swap3A_346 = arith.constant 0 : i32
        %swap3A_347 = arith.index_cast %swap3A_346 : i32 to index
        %swap3A_348 = arith.index_cast %scan3A_216 : i32 to index
        %swap3A_349 = arith.constant 80 : index
        %swap3A_350 = tpu.vector_load %arg8[%swap3A_347, %swap3A_348, %swap3A_349] {strides = array<i32>} : memref<2x128x128xf32, #tpu.memory_space<vmem>>, vector<1x1x16xf32>,
        %swap3A_351 = vector.shape_cast %swap3A_350 : vector<1x1x16xf32> to vector<16xf32>
        %swap3A_352 = vector.shape_cast %mul3A_345 : vector<16xf32> to vector<1x1x16xf32>
        tpu.vector_store %arg8[%swap3A_347, %swap3A_348, %swap3A_349], %swap3A_352 {strides = array<i32>} : memref<2x128x128xf32, #tpu.memory_space<vmem>>, vector<1x1x16xf32>,
        %get3A_353 = arith.constant 0 : i32
        %get3A_354 = arith.index_cast %get3A_353 : i32 to index
        %get3A_355 = arith.index_cast %scan3A_216 : i32 to index
        %get3A_356 = arith.constant 96 : index
        %get3A_357 = tpu.vector_load %arg8[%get3A_354, %get3A_355, %get3A_356] {strides = array<i32>} : memref<2x128x128xf32, #tpu.memory_space<vmem>>, vector<1x1x16xf32>,
        %get3A_358 = vector.shape_cast %get3A_357 : vector<1x1x16xf32> to vector<16xf32>
        %get3A_359 = arith.constant 0 : i32
        %get3A_360 = arith.index_cast %get3A_359 : i32 to index
        %get3A_361 = arith.index_cast %scan3A_216 : i32 to index
        %get3A_362 = arith.constant 96 : index
        %get3A_363 = tpu.vector_load %arg9[%get3A_360, %get3A_361, %get3A_362] {strides = array<i32>} : memref<2x128x128xf32, #tpu.memory_space<vmem>>, vector<1x1x16xf32>,
        %get3A_364 = vector.shape_cast %get3A_363 : vector<1x1x16xf32> to vector<16xf32>
        %add3A_365 = arith.addf %get3A_358, %get3A_364 : vector<16xf32>
        %mul3A_366 = arith.constant 5.000000e-01 : f32
        %mul3A_367 = vector.broadcast %mul3A_366 : f32 to vector<16xf32>
        %mul3A_368 = arith.mulf %add3A_365, %mul3A_367 : vector<16xf32>
        %swap3A_369 = arith.constant 0 : i32
        %swap3A_370 = arith.index_cast %swap3A_369 : i32 to index
        %swap3A_371 = arith.index_cast %scan3A_216 : i32 to index
        %swap3A_372 = arith.constant 96 : index
        %swap3A_373 = tpu.vector_load %arg8[%swap3A_370, %swap3A_371, %swap3A_372] {strides = array<i32>} : memref<2x128x128xf32, #tpu.memory_space<vmem>>, vector<1x1x16xf32>,
        %swap3A_374 = vector.shape_cast %swap3A_373 : vector<1x1x16xf32> to vector<16xf32>
        %swap3A_375 = vector.shape_cast %mul3A_368 : vector<16xf32> to vector<1x1x16xf32>
        tpu.vector_store %arg8[%swap3A_370, %swap3A_371, %swap3A_372], %swap3A_375 {strides = array<i32>} : memref<2x128x128xf32, #tpu.memory_space<vmem>>, vector<1x1x16xf32>,
        %get3A_376 = arith.constant 0 : i32
        %get3A_377 = arith.index_cast %get3A_376 : i32 to index
        %get3A_378 = arith.index_cast %scan3A_216 : i32 to index
        %get3A_379 = arith.constant 112 : index
        %get3A_380 = tpu.vector_load %arg8[%get3A_377, %get3A_378, %get3A_379] {strides = array<i32>} : memref<2x128x128xf32, #tpu.memory_space<vmem>>, vector<1x1x16xf32>,
        %get3A_381 = vector.shape_cast %get3A_380 : vector<1x1x16xf32> to vector<16xf32>
        %get3A_382 = arith.constant 0 : i32
        %get3A_383 = arith.index_cast %get3A_382 : i32 to index
        %get3A_384 = arith.index_cast %scan3A_216 : i32 to index
        %get3A_385 = arith.constant 112 : index
        %get3A_386 = tpu.vector_load %arg9[%get3A_383, %get3A_384, %get3A_385] {strides = array<i32>} : memref<2x128x128xf32, #tpu.memory_space<vmem>>, vector<1x1x16xf32>,
        %get3A_387 = vector.shape_cast %get3A_386 : vector<1x1x16xf32> to vector<16xf32>
        %add3A_388 = arith.addf %get3A_381, %get3A_387 : vector<16xf32>
        %mul3A_389 = arith.constant 5.000000e-01 : f32
        %mul3A_390 = vector.broadcast %mul3A_389 : f32 to vector<16xf32>
        %mul3A_391 = arith.mulf %add3A_388, %mul3A_390 : vector<16xf32>
        %swap3A_392 = arith.constant 0 : i32
        %swap3A_393 = arith.index_cast %swap3A_392 : i32 to index
        %swap3A_394 = arith.index_cast %scan3A_216 : i32 to index
        %swap3A_395 = arith.constant 112 : index
        %swap3A_396 = tpu.vector_load %arg8[%swap3A_393, %swap3A_394, %swap3A_395] {strides = array<i32>} : memref<2x128x128xf32, #tpu.memory_space<vmem>>, vector<1x1x16xf32>,
        %swap3A_397 = vector.shape_cast %swap3A_396 : vector<1x1x16xf32> to vector<16xf32>
        %swap3A_398 = vector.shape_cast %mul3A_391 : vector<16xf32> to vector<1x1x16xf32>
        tpu.vector_store %arg8[%swap3A_393, %swap3A_394, %swap3A_395], %swap3A_398 {strides = array<i32>} : memref<2x128x128xf32, #tpu.memory_space<vmem>>, vector<1x1x16xf32>,
      }
      %scan3A_127 = arith.constant 128 : i32
      %add3A_128 = arith.constant 100000 : i32
      %add3A_129 = arith.addi %add3A_128, %add3A_24 : i32
      %add3A_130 = arith.constant 6656 : i32
      %add3A_131 = arith.addi %add3A_129, %add3A_130 : i32
      %dma_start3A_132 = arith.constant 0 : i32
      %dma_start3A_133 = arith.constant 0 : i32
      %dma_start3A_134 = tpu.memref_slice %arg8[%cond3A_9, %dma_start3A_132, %dma_start3A_133] : memref<2x128x128xf32, #tpu.memory_space<vmem>> -> memref<1x128x128xf32, #tpu.memory_space<vmem>>
      %dma_start3A_135 = tpu.memref_squeeze %dma_start3A_134 : memref<1x128x128xf32, #tpu.memory_space<vmem>> -> memref<128x128xf32, #tpu.memory_space<vmem>>
      %dma_start3A_136 = arith.constant 0 : i32
      %dma_start3A_137 = tpu.memref_slice %arg5[%add3A_131, %dma_start3A_136] : memref<300000x128xf32, #tpu.memory_space<hbm>> -> memref<128x128xf32, #tpu.memory_space<hbm>>
      %dma_start3A_138 = arith.constant 0 : i32
      %dma_start3A_139 = tpu.memref_slice %arg5[%add3A_131, %dma_start3A_138] : memref<300000x128xf32, #tpu.memory_space<hbm>> -> memref<128x128xf32, #tpu.memory_space<hbm>>
      %dma_start3A_140 = arith.constant 0 : i32
      %dma_start3A_141 = arith.constant 0 : i32
      %dma_start3A_142 = tpu.memref_slice %arg8[%cond3A_9, %dma_start3A_140, %dma_start3A_141] : memref<2x128x128xf32, #tpu.memory_space<vmem>> -> memref<1x128x128xf32, #tpu.memory_space<vmem>>
      %dma_start3A_143 = tpu.memref_squeeze %dma_start3A_142 : memref<1x128x128xf32, #tpu.memory_space<vmem>> -> memref<128x128xf32, #tpu.memory_space<vmem>>
      tpu.enqueue_dma source(%dma_start3A_143 : memref<128x128xf32, #tpu.memory_space<vmem>>) target(%dma_start3A_139 : memref<128x128xf32, #tpu.memory_space<hbm>>) target_semaphore(%arg13 : memref<!tpu.dma_semaphore, #tpu.memory_space<semaphore_mem>>)
      %dma_wait3A_144 = arith.constant 0 : i32
      %dma_wait3A_145 = arith.constant 0 : i32
      %dma_wait3A_146 = tpu.memref_slice %arg8[%cond3A_11, %dma_wait3A_144, %dma_wait3A_145] : memref<2x128x128xf32, #tpu.memory_space<vmem>> -> memref<1x128x128xf32, #tpu.memory_space<vmem>>
      %dma_wait3A_147 = tpu.memref_squeeze %dma_wait3A_146 : memref<1x128x128xf32, #tpu.memory_space<vmem>> -> memref<128x128xf32, #tpu.memory_space<vmem>>
      %dma_wait3A_148 = arith.constant 6784 : i32
      %dma_wait3A_149 = tpu.memref_slice %arg6[%dma_wait3A_148] : memref<6912xi32, #tpu.memory_space<vmem>> -> memref<128xi32, #tpu.memory_space<vmem>>
      %dma_wait3A_150 = arith.constant 0 : i32
      %dma_wait3A_151 = arith.constant 0 : i32
      %dma_wait3A_152 = tpu.memref_slice %arg2[%dma_wait3A_150, %dma_wait3A_151] : memref<100000x128xf32, #tpu.memory_space<hbm>> -> memref<100000x128xf32, #tpu.memory_space<hbm>>
      tpu.wait_indirect_dma semaphore(%arg12 : memref<!tpu.dma_semaphore, #tpu.memory_space<semaphore_mem>>) src(%dma_wait3A_152 : memref<100000x128xf32, #tpu.memory_space<hbm>>) dst(%dma_wait3A_147 : memref<128x128xf32, #tpu.memory_space<vmem>>)
      %dma_wait3A_153 = arith.constant 0 : i32
      %dma_wait3A_154 = arith.constant 0 : i32
      %dma_wait3A_155 = tpu.memref_slice %arg9[%cond3A_12, %dma_wait3A_153, %dma_wait3A_154] : memref<2x128x128xf32, #tpu.memory_space<vmem>> -> memref<1x128x128xf32, #tpu.memory_space<vmem>>
      %dma_wait3A_156 = tpu.memref_squeeze %dma_wait3A_155 : memref<1x128x128xf32, #tpu.memory_space<vmem>> -> memref<128x128xf32, #tpu.memory_space<vmem>>
      %dma_wait3A_157 = arith.constant 6784 : i32
      %dma_wait3A_158 = tpu.memref_slice %arg7[%dma_wait3A_157] : memref<6912xi32, #tpu.memory_space<vmem>> -> memref<128xi32, #tpu.memory_space<vmem>>
      %dma_wait3A_159 = arith.constant 0 : i32
      %dma_wait3A_160 = arith.constant 0 : i32
      %dma_wait3A_161 = tpu.memref_slice %arg2[%dma_wait3A_159, %dma_wait3A_160] : memref<100000x128xf32, #tpu.memory_space<hbm>> -> memref<100000x128xf32, #tpu.memory_space<hbm>>
      tpu.wait_indirect_dma semaphore(%arg12 : memref<!tpu.dma_semaphore, #tpu.memory_space<semaphore_mem>>) src(%dma_wait3A_161 : memref<100000x128xf32, #tpu.memory_space<hbm>>) dst(%dma_wait3A_156 : memref<128x128xf32, #tpu.memory_space<vmem>>)
      %scan3A_162 = arith.constant 0 : i32
      %scan3A_163 = arith.constant 0 : i32
      %scan3A_164 = arith.constant 128 : i32
      %scan3A_165 = arith.addi %scan3A_163, %scan3A_164 : i32
      %scan3A_166 = arith.constant 1 : i32
      scf.for %scan3A_216 = %scan3A_163 to %scan3A_165 step %scan3A_166  : i32 {
        %get3A = arith.constant 1 : i32
        %get3A_217 = arith.index_cast %get3A : i32 to index
        %get3A_218 = arith.index_cast %scan3A_216 : i32 to index
        %get3A_219 = arith.constant 0 : index
        %get3A_220 = tpu.vector_load %arg8[%get3A_217, %get3A_218, %get3A_219] {strides = array<i32>} : memref<2x128x128xf32, #tpu.memory_space<vmem>>, vector<1x1x16xf32>,
        %get3A_221 = vector.shape_cast %get3A_220 : vector<1x1x16xf32> to vector<16xf32>
        %get3A_222 = arith.constant 1 : i32
        %get3A_223 = arith.index_cast %get3A_222 : i32 to index
        %get3A_224 = arith.index_cast %scan3A_216 : i32 to index
        %get3A_225 = arith.constant 0 : index
        %get3A_226 = tpu.vector_load %arg9[%get3A_223, %get3A_224, %get3A_225] {strides = array<i32>} : memref<2x128x128xf32, #tpu.memory_space<vmem>>, vector<1x1x16xf32>,
        %get3A_227 = vector.shape_cast %get3A_226 : vector<1x1x16xf32> to vector<16xf32>
        %add3A_228 = arith.addf %get3A_221, %get3A_227 : vector<16xf32>
        %mul3A_229 = arith.constant 5.000000e-01 : f32
        %mul3A_230 = vector.broadcast %mul3A_229 : f32 to vector<16xf32>
        %mul3A_231 = arith.mulf %add3A_228, %mul3A_230 : vector<16xf32>
        %swap3A = arith.constant 1 : i32
        %swap3A_232 = arith.index_cast %swap3A : i32 to index
        %swap3A_233 = arith.index_cast %scan3A_216 : i32 to index
        %swap3A_234 = arith.constant 0 : index
        %swap3A_235 = tpu.vector_load %arg8[%swap3A_232, %swap3A_233, %swap3A_234] {strides = array<i32>} : memref<2x128x128xf32, #tpu.memory_space<vmem>>, vector<1x1x16xf32>,
        %swap3A_236 = vector.shape_cast %swap3A_235 : vector<1x1x16xf32> to vector<16xf32>
        %swap3A_237 = vector.shape_cast %mul3A_231 : vector<16xf32> to vector<1x1x16xf32>
        tpu.vector_store %arg8[%swap3A_232, %swap3A_233, %swap3A_234], %swap3A_237 {strides = array<i32>} : memref<2x128x128xf32, #tpu.memory_space<vmem>>, vector<1x1x16xf32>,
        %get3A_238 = arith.constant 1 : i32
        %get3A_239 = arith.index_cast %get3A_238 : i32 to index
        %get3A_240 = arith.index_cast %scan3A_216 : i32 to index
        %get3A_241 = arith.constant 16 : index
        %get3A_242 = tpu.vector_load %arg8[%get3A_239, %get3A_240, %get3A_241] {strides = array<i32>} : memref<2x128x128xf32, #tpu.memory_space<vmem>>, vector<1x1x16xf32>,
        %get3A_243 = vector.shape_cast %get3A_242 : vector<1x1x16xf32> to vector<16xf32>
        %get3A_244 = arith.constant 1 : i32
        %get3A_245 = arith.index_cast %get3A_244 : i32 to index
        %get3A_246 = arith.index_cast %scan3A_216 : i32 to index
        %get3A_247 = arith.constant 16 : index
        %get3A_248 = tpu.vector_load %arg9[%get3A_245, %get3A_246, %get3A_247] {strides = array<i32>} : memref<2x128x128xf32, #tpu.memory_space<vmem>>, vector<1x1x16xf32>,
        %get3A_249 = vector.shape_cast %get3A_248 : vector<1x1x16xf32> to vector<16xf32>
        %add3A_250 = arith.addf %get3A_243, %get3A_249 : vector<16xf32>
        %mul3A_251 = arith.constant 5.000000e-01 : f32
        %mul3A_252 = vector.broadcast %mul3A_251 : f32 to vector<16xf32>
        %mul3A_253 = arith.mulf %add3A_250, %mul3A_252 : vector<16xf32>
        %swap3A_254 = arith.constant 1 : i32
        %swap3A_255 = arith.index_cast %swap3A_254 : i32 to index
        %swap3A_256 = arith.index_cast %scan3A_216 : i32 to index
        %swap3A_257 = arith.constant 16 : index
        %swap3A_258 = tpu.vector_load %arg8[%swap3A_255, %swap3A_256, %swap3A_257] {strides = array<i32>} : memref<2x128x128xf32, #tpu.memory_space<vmem>>, vector<1x1x16xf32>,
        %swap3A_259 = vector.shape_cast %swap3A_258 : vector<1x1x16xf32> to vector<16xf32>
        %swap3A_260 = vector.shape_cast %mul3A_253 : vector<16xf32> to vector<1x1x16xf32>
        tpu.vector_store %arg8[%swap3A_255, %swap3A_256, %swap3A_257], %swap3A_260 {strides = array<i32>} : memref<2x128x128xf32, #tpu.memory_space<vmem>>, vector<1x1x16xf32>,
        %get3A_261 = arith.constant 1 : i32
        %get3A_262 = arith.index_cast %get3A_261 : i32 to index
        %get3A_263 = arith.index_cast %scan3A_216 : i32 to index
        %get3A_264 = arith.constant 32 : index
        %get3A_265 = tpu.vector_load %arg8[%get3A_262, %get3A_263, %get3A_264] {strides = array<i32>} : memref<2x128x128xf32, #tpu.memory_space<vmem>>, vector<1x1x16xf32>,
        %get3A_266 = vector.shape_cast %get3A_265 : vector<1x1x16xf32> to vector<16xf32>
        %get3A_267 = arith.constant 1 : i32
        %get3A_268 = arith.index_cast %get3A_267 : i32 to index
        %get3A_269 = arith.index_cast %scan3A_216 : i32 to index
        %get3A_270 = arith.constant 32 : index
        %get3A_271 = tpu.vector_load %arg9[%get3A_268, %get3A_269, %get3A_270] {strides = array<i32>} : memref<2x128x128xf32, #tpu.memory_space<vmem>>, vector<1x1x16xf32>,
        %get3A_272 = vector.shape_cast %get3A_271 : vector<1x1x16xf32> to vector<16xf32>
        %add3A_273 = arith.addf %get3A_266, %get3A_272 : vector<16xf32>
        %mul3A_274 = arith.constant 5.000000e-01 : f32
        %mul3A_275 = vector.broadcast %mul3A_274 : f32 to vector<16xf32>
        %mul3A_276 = arith.mulf %add3A_273, %mul3A_275 : vector<16xf32>
        %swap3A_277 = arith.constant 1 : i32
        %swap3A_278 = arith.index_cast %swap3A_277 : i32 to index
        %swap3A_279 = arith.index_cast %scan3A_216 : i32 to index
        %swap3A_280 = arith.constant 32 : index
        %swap3A_281 = tpu.vector_load %arg8[%swap3A_278, %swap3A_279, %swap3A_280] {strides = array<i32>} : memref<2x128x128xf32, #tpu.memory_space<vmem>>, vector<1x1x16xf32>,
        %swap3A_282 = vector.shape_cast %swap3A_281 : vector<1x1x16xf32> to vector<16xf32>
        %swap3A_283 = vector.shape_cast %mul3A_276 : vector<16xf32> to vector<1x1x16xf32>
        tpu.vector_store %arg8[%swap3A_278, %swap3A_279, %swap3A_280], %swap3A_283 {strides = array<i32>} : memref<2x128x128xf32, #tpu.memory_space<vmem>>, vector<1x1x16xf32>,
        %get3A_284 = arith.constant 1 : i32
        %get3A_285 = arith.index_cast %get3A_284 : i32 to index
        %get3A_286 = arith.index_cast %scan3A_216 : i32 to index
        %get3A_287 = arith.constant 48 : index
        %get3A_288 = tpu.vector_load %arg8[%get3A_285, %get3A_286, %get3A_287] {strides = array<i32>} : memref<2x128x128xf32, #tpu.memory_space<vmem>>, vector<1x1x16xf32>,
        %get3A_289 = vector.shape_cast %get3A_288 : vector<1x1x16xf32> to vector<16xf32>
        %get3A_290 = arith.constant 1 : i32
        %get3A_291 = arith.index_cast %get3A_290 : i32 to index
        %get3A_292 = arith.index_cast %scan3A_216 : i32 to index
        %get3A_293 = arith.constant 48 : index
        %get3A_294 = tpu.vector_load %arg9[%get3A_291, %get3A_292, %get3A_293] {strides = array<i32>} : memref<2x128x128xf32, #tpu.memory_space<vmem>>, vector<1x1x16xf32>,
        %get3A_295 = vector.shape_cast %get3A_294 : vector<1x1x16xf32> to vector<16xf32>
        %add3A_296 = arith.addf %get3A_289, %get3A_295 : vector<16xf32>
        %mul3A_297 = arith.constant 5.000000e-01 : f32
        %mul3A_298 = vector.broadcast %mul3A_297 : f32 to vector<16xf32>
        %mul3A_299 = arith.mulf %add3A_296, %mul3A_298 : vector<16xf32>
        %swap3A_300 = arith.constant 1 : i32
        %swap3A_301 = arith.index_cast %swap3A_300 : i32 to index
        %swap3A_302 = arith.index_cast %scan3A_216 : i32 to index
        %swap3A_303 = arith.constant 48 : index
        %swap3A_304 = tpu.vector_load %arg8[%swap3A_301, %swap3A_302, %swap3A_303] {strides = array<i32>} : memref<2x128x128xf32, #tpu.memory_space<vmem>>, vector<1x1x16xf32>,
        %swap3A_305 = vector.shape_cast %swap3A_304 : vector<1x1x16xf32> to vector<16xf32>
        %swap3A_306 = vector.shape_cast %mul3A_299 : vector<16xf32> to vector<1x1x16xf32>
        tpu.vector_store %arg8[%swap3A_301, %swap3A_302, %swap3A_303], %swap3A_306 {strides = array<i32>} : memref<2x128x128xf32, #tpu.memory_space<vmem>>, vector<1x1x16xf32>,
        %get3A_307 = arith.constant 1 : i32
        %get3A_308 = arith.index_cast %get3A_307 : i32 to index
        %get3A_309 = arith.index_cast %scan3A_216 : i32 to index
        %get3A_310 = arith.constant 64 : index
        %get3A_311 = tpu.vector_load %arg8[%get3A_308, %get3A_309, %get3A_310] {strides = array<i32>} : memref<2x128x128xf32, #tpu.memory_space<vmem>>, vector<1x1x16xf32>,
        %get3A_312 = vector.shape_cast %get3A_311 : vector<1x1x16xf32> to vector<16xf32>
        %get3A_313 = arith.constant 1 : i32
        %get3A_314 = arith.index_cast %get3A_313 : i32 to index
        %get3A_315 = arith.index_cast %scan3A_216 : i32 to index
        %get3A_316 = arith.constant 64 : index
        %get3A_317 = tpu.vector_load %arg9[%get3A_314, %get3A_315, %get3A_316] {strides = array<i32>} : memref<2x128x128xf32, #tpu.memory_space<vmem>>, vector<1x1x16xf32>,
        %get3A_318 = vector.shape_cast %get3A_317 : vector<1x1x16xf32> to vector<16xf32>
        %add3A_319 = arith.addf %get3A_312, %get3A_318 : vector<16xf32>
        %mul3A_320 = arith.constant 5.000000e-01 : f32
        %mul3A_321 = vector.broadcast %mul3A_320 : f32 to vector<16xf32>
        %mul3A_322 = arith.mulf %add3A_319, %mul3A_321 : vector<16xf32>
        %swap3A_323 = arith.constant 1 : i32
        %swap3A_324 = arith.index_cast %swap3A_323 : i32 to index
        %swap3A_325 = arith.index_cast %scan3A_216 : i32 to index
        %swap3A_326 = arith.constant 64 : index
        %swap3A_327 = tpu.vector_load %arg8[%swap3A_324, %swap3A_325, %swap3A_326] {strides = array<i32>} : memref<2x128x128xf32, #tpu.memory_space<vmem>>, vector<1x1x16xf32>,
        %swap3A_328 = vector.shape_cast %swap3A_327 : vector<1x1x16xf32> to vector<16xf32>
        %swap3A_329 = vector.shape_cast %mul3A_322 : vector<16xf32> to vector<1x1x16xf32>
        tpu.vector_store %arg8[%swap3A_324, %swap3A_325, %swap3A_326], %swap3A_329 {strides = array<i32>} : memref<2x128x128xf32, #tpu.memory_space<vmem>>, vector<1x1x16xf32>,
        %get3A_330 = arith.constant 1 : i32
        %get3A_331 = arith.index_cast %get3A_330 : i32 to index
        %get3A_332 = arith.index_cast %scan3A_216 : i32 to index
        %get3A_333 = arith.constant 80 : index
        %get3A_334 = tpu.vector_load %arg8[%get3A_331, %get3A_332, %get3A_333] {strides = array<i32>} : memref<2x128x128xf32, #tpu.memory_space<vmem>>, vector<1x1x16xf32>,
        %get3A_335 = vector.shape_cast %get3A_334 : vector<1x1x16xf32> to vector<16xf32>
        %get3A_336 = arith.constant 1 : i32
        %get3A_337 = arith.index_cast %get3A_336 : i32 to index
        %get3A_338 = arith.index_cast %scan3A_216 : i32 to index
        %get3A_339 = arith.constant 80 : index
        %get3A_340 = tpu.vector_load %arg9[%get3A_337, %get3A_338, %get3A_339] {strides = array<i32>} : memref<2x128x128xf32, #tpu.memory_space<vmem>>, vector<1x1x16xf32>,
        %get3A_341 = vector.shape_cast %get3A_340 : vector<1x1x16xf32> to vector<16xf32>
        %add3A_342 = arith.addf %get3A_335, %get3A_341 : vector<16xf32>
        %mul3A_343 = arith.constant 5.000000e-01 : f32
        %mul3A_344 = vector.broadcast %mul3A_343 : f32 to vector<16xf32>
        %mul3A_345 = arith.mulf %add3A_342, %mul3A_344 : vector<16xf32>
        %swap3A_346 = arith.constant 1 : i32
        %swap3A_347 = arith.index_cast %swap3A_346 : i32 to index
        %swap3A_348 = arith.index_cast %scan3A_216 : i32 to index
        %swap3A_349 = arith.constant 80 : index
        %swap3A_350 = tpu.vector_load %arg8[%swap3A_347, %swap3A_348, %swap3A_349] {strides = array<i32>} : memref<2x128x128xf32, #tpu.memory_space<vmem>>, vector<1x1x16xf32>,
        %swap3A_351 = vector.shape_cast %swap3A_350 : vector<1x1x16xf32> to vector<16xf32>
        %swap3A_352 = vector.shape_cast %mul3A_345 : vector<16xf32> to vector<1x1x16xf32>
        tpu.vector_store %arg8[%swap3A_347, %swap3A_348, %swap3A_349], %swap3A_352 {strides = array<i32>} : memref<2x128x128xf32, #tpu.memory_space<vmem>>, vector<1x1x16xf32>,
        %get3A_353 = arith.constant 1 : i32
        %get3A_354 = arith.index_cast %get3A_353 : i32 to index
        %get3A_355 = arith.index_cast %scan3A_216 : i32 to index
        %get3A_356 = arith.constant 96 : index
        %get3A_357 = tpu.vector_load %arg8[%get3A_354, %get3A_355, %get3A_356] {strides = array<i32>} : memref<2x128x128xf32, #tpu.memory_space<vmem>>, vector<1x1x16xf32>,
        %get3A_358 = vector.shape_cast %get3A_357 : vector<1x1x16xf32> to vector<16xf32>
        %get3A_359 = arith.constant 1 : i32
        %get3A_360 = arith.index_cast %get3A_359 : i32 to index
        %get3A_361 = arith.index_cast %scan3A_216 : i32 to index
        %get3A_362 = arith.constant 96 : index
        %get3A_363 = tpu.vector_load %arg9[%get3A_360, %get3A_361, %get3A_362] {strides = array<i32>} : memref<2x128x128xf32, #tpu.memory_space<vmem>>, vector<1x1x16xf32>,
        %get3A_364 = vector.shape_cast %get3A_363 : vector<1x1x16xf32> to vector<16xf32>
        %add3A_365 = arith.addf %get3A_358, %get3A_364 : vector<16xf32>
        %mul3A_366 = arith.constant 5.000000e-01 : f32
        %mul3A_367 = vector.broadcast %mul3A_366 : f32 to vector<16xf32>
        %mul3A_368 = arith.mulf %add3A_365, %mul3A_367 : vector<16xf32>
        %swap3A_369 = arith.constant 1 : i32
        %swap3A_370 = arith.index_cast %swap3A_369 : i32 to index
        %swap3A_371 = arith.index_cast %scan3A_216 : i32 to index
        %swap3A_372 = arith.constant 96 : index
        %swap3A_373 = tpu.vector_load %arg8[%swap3A_370, %swap3A_371, %swap3A_372] {strides = array<i32>} : memref<2x128x128xf32, #tpu.memory_space<vmem>>, vector<1x1x16xf32>,
        %swap3A_374 = vector.shape_cast %swap3A_373 : vector<1x1x16xf32> to vector<16xf32>
        %swap3A_375 = vector.shape_cast %mul3A_368 : vector<16xf32> to vector<1x1x16xf32>
        tpu.vector_store %arg8[%swap3A_370, %swap3A_371, %swap3A_372], %swap3A_375 {strides = array<i32>} : memref<2x128x128xf32, #tpu.memory_space<vmem>>, vector<1x1x16xf32>,
        %get3A_376 = arith.constant 1 : i32
        %get3A_377 = arith.index_cast %get3A_376 : i32 to index
        %get3A_378 = arith.index_cast %scan3A_216 : i32 to index
        %get3A_379 = arith.constant 112 : index
        %get3A_380 = tpu.vector_load %arg8[%get3A_377, %get3A_378, %get3A_379] {strides = array<i32>} : memref<2x128x128xf32, #tpu.memory_space<vmem>>, vector<1x1x16xf32>,
        %get3A_381 = vector.shape_cast %get3A_380 : vector<1x1x16xf32> to vector<16xf32>
        %get3A_382 = arith.constant 1 : i32
        %get3A_383 = arith.index_cast %get3A_382 : i32 to index
        %get3A_384 = arith.index_cast %scan3A_216 : i32 to index
        %get3A_385 = arith.constant 112 : index
        %get3A_386 = tpu.vector_load %arg9[%get3A_383, %get3A_384, %get3A_385] {strides = array<i32>} : memref<2x128x128xf32, #tpu.memory_space<vmem>>, vector<1x1x16xf32>,
        %get3A_387 = vector.shape_cast %get3A_386 : vector<1x1x16xf32> to vector<16xf32>
        %add3A_388 = arith.addf %get3A_381, %get3A_387 : vector<16xf32>
        %mul3A_389 = arith.constant 5.000000e-01 : f32
        %mul3A_390 = vector.broadcast %mul3A_389 : f32 to vector<16xf32>
        %mul3A_391 = arith.mulf %add3A_388, %mul3A_390 : vector<16xf32>
        %swap3A_392 = arith.constant 1 : i32
        %swap3A_393 = arith.index_cast %swap3A_392 : i32 to index
        %swap3A_394 = arith.index_cast %scan3A_216 : i32 to index
        %swap3A_395 = arith.constant 112 : index
        %swap3A_396 = tpu.vector_load %arg8[%swap3A_393, %swap3A_394, %swap3A_395] {strides = array<i32>} : memref<2x128x128xf32, #tpu.memory_space<vmem>>, vector<1x1x16xf32>,
        %swap3A_397 = vector.shape_cast %swap3A_396 : vector<1x1x16xf32> to vector<16xf32>
        %swap3A_398 = vector.shape_cast %mul3A_391 : vector<16xf32> to vector<1x1x16xf32>
        tpu.vector_store %arg8[%swap3A_393, %swap3A_394, %swap3A_395], %swap3A_398 {strides = array<i32>} : memref<2x128x128xf32, #tpu.memory_space<vmem>>, vector<1x1x16xf32>,
      }
      %scan3A_167 = arith.constant 128 : i32
      %add3A_168 = arith.constant 100000 : i32
      %add3A_169 = arith.addi %add3A_168, %add3A_24 : i32
      %add3A_170 = arith.constant 6784 : i32
      %add3A_171 = arith.addi %add3A_169, %add3A_170 : i32
      %dma_start3A_172 = arith.constant 0 : i32
      %dma_start3A_173 = arith.constant 0 : i32
      %dma_start3A_174 = tpu.memref_slice %arg8[%cond3A_11, %dma_start3A_172, %dma_start3A_173] : memref<2x128x128xf32, #tpu.memory_space<vmem>> -> memref<1x128x128xf32, #tpu.memory_space<vmem>>
      %dma_start3A_175 = tpu.memref_squeeze %dma_start3A_174 : memref<1x128x128xf32, #tpu.memory_space<vmem>> -> memref<128x128xf32, #tpu.memory_space<vmem>>
      %dma_start3A_176 = arith.constant 0 : i32
      %dma_start3A_177 = tpu.memref_slice %arg5[%add3A_171, %dma_start3A_176] : memref<300000x128xf32, #tpu.memory_space<hbm>> -> memref<128x128xf32, #tpu.memory_space<hbm>>
      %dma_start3A_178 = arith.constant 0 : i32
      %dma_start3A_179 = tpu.memref_slice %arg5[%add3A_171, %dma_start3A_178] : memref<300000x128xf32, #tpu.memory_space<hbm>> -> memref<128x128xf32, #tpu.memory_space<hbm>>
      %dma_start3A_180 = arith.constant 0 : i32
      %dma_start3A_181 = arith.constant 0 : i32
      %dma_start3A_182 = tpu.memref_slice %arg8[%cond3A_11, %dma_start3A_180, %dma_start3A_181] : memref<2x128x128xf32, #tpu.memory_space<vmem>> -> memref<1x128x128xf32, #tpu.memory_space<vmem>>
      %dma_start3A_183 = tpu.memref_squeeze %dma_start3A_182 : memref<1x128x128xf32, #tpu.memory_space<vmem>> -> memref<128x128xf32, #tpu.memory_space<vmem>>
      tpu.enqueue_dma source(%dma_start3A_183 : memref<128x128xf32, #tpu.memory_space<vmem>>) target(%dma_start3A_179 : memref<128x128xf32, #tpu.memory_space<hbm>>) target_semaphore(%arg14 : memref<!tpu.dma_semaphore, #tpu.memory_space<semaphore_mem>>)
      %add3A_184 = arith.constant 100000 : i32
      %add3A_185 = arith.addi %add3A_184, %add3A_24 : i32
      %add3A_186 = arith.constant 6656 : i32
      %add3A_187 = arith.addi %add3A_185, %add3A_186 : i32
      %dma_wait3A_188 = arith.constant 0 : i32
      %dma_wait3A_189 = arith.constant 0 : i32
      %dma_wait3A_190 = tpu.memref_slice %arg8[%cond3A_9, %dma_wait3A_188, %dma_wait3A_189] : memref<2x128x128xf32, #tpu.memory_space<vmem>> -> memref<1x128x128xf32, #tpu.memory_space<vmem>>
      %dma_wait3A_191 = tpu.memref_squeeze %dma_wait3A_190 : memref<1x128x128xf32, #tpu.memory_space<vmem>> -> memref<128x128xf32, #tpu.memory_space<vmem>>
      %dma_wait3A_192 = arith.constant 0 : i32
      %dma_wait3A_193 = tpu.memref_slice %arg5[%add3A_187, %dma_wait3A_192] : memref<300000x128xf32, #tpu.memory_space<hbm>> -> memref<128x128xf32, #tpu.memory_space<hbm>>
      %dma_wait3A_194 = arith.constant 0 : i32
      %dma_wait3A_195 = tpu.memref_slice %arg5[%add3A_187, %dma_wait3A_194] : memref<300000x128xf32, #tpu.memory_space<hbm>> -> memref<128x128xf32, #tpu.memory_space<hbm>>
      %dma_wait3A_196 = arith.constant 0 : i32
      %dma_wait3A_197 = arith.constant 0 : i32
      %dma_wait3A_198 = tpu.memref_slice %arg8[%cond3A_9, %dma_wait3A_196, %dma_wait3A_197] : memref<2x128x128xf32, #tpu.memory_space<vmem>> -> memref<1x128x128xf32, #tpu.memory_space<vmem>>
      %dma_wait3A_199 = tpu.memref_squeeze %dma_wait3A_198 : memref<1x128x128xf32, #tpu.memory_space<vmem>> -> memref<128x128xf32, #tpu.memory_space<vmem>>
      tpu.wait_dma2 semaphore(%arg13 : memref<!tpu.dma_semaphore, #tpu.memory_space<semaphore_mem>>) src(%dma_wait3A_199 : memref<128x128xf32, #tpu.memory_space<vmem>>) dst(%dma_wait3A_195 : memref<128x128xf32, #tpu.memory_space<hbm>>)
      %add3A_200 = arith.constant 100000 : i32
      %add3A_201 = arith.addi %add3A_200, %add3A_24 : i32
      %add3A_202 = arith.constant 6784 : i32
      %add3A_203 = arith.addi %add3A_201, %add3A_202 : i32
      %dma_wait3A_204 = arith.constant 0 : i32
      %dma_wait3A_205 = arith.constant 0 : i32
      %dma_wait3A_206 = tpu.memref_slice %arg8[%cond3A_11, %dma_wait3A_204, %dma_wait3A_205] : memref<2x128x128xf32, #tpu.memory_space<vmem>> -> memref<1x128x128xf32, #tpu.memory_space<vmem>>
      %dma_wait3A_207 = tpu.memref_squeeze %dma_wait3A_206 : memref<1x128x128xf32, #tpu.memory_space<vmem>> -> memref<128x128xf32, #tpu.memory_space<vmem>>
      %dma_wait3A_208 = arith.constant 0 : i32
      %dma_wait3A_209 = tpu.memref_slice %arg5[%add3A_203, %dma_wait3A_208] : memref<300000x128xf32, #tpu.memory_space<hbm>> -> memref<128x128xf32, #tpu.memory_space<hbm>>
      %dma_wait3A_210 = arith.constant 0 : i32
      %dma_wait3A_211 = tpu.memref_slice %arg5[%add3A_203, %dma_wait3A_210] : memref<300000x128xf32, #tpu.memory_space<hbm>> -> memref<128x128xf32, #tpu.memory_space<hbm>>
      %dma_wait3A_212 = arith.constant 0 : i32
      %dma_wait3A_213 = arith.constant 0 : i32
      %dma_wait3A_214 = tpu.memref_slice %arg8[%cond3A_11, %dma_wait3A_212, %dma_wait3A_213] : memref<2x128x128xf32, #tpu.memory_space<vmem>> -> memref<1x128x128xf32, #tpu.memory_space<vmem>>
      %dma_wait3A_215 = tpu.memref_squeeze %dma_wait3A_214 : memref<1x128x128xf32, #tpu.memory_space<vmem>> -> memref<128x128xf32, #tpu.memory_space<vmem>>
      tpu.wait_dma2 semaphore(%arg14 : memref<!tpu.dma_semaphore, #tpu.memory_space<semaphore_mem>>) src(%dma_wait3A_215 : memref<128x128xf32, #tpu.memory_space<vmem>>) dst(%dma_wait3A_211 : memref<128x128xf32, #tpu.memory_space<hbm>>)
    } else {
    }
    %ge3A_15 = arith.constant 4 : i32
    %ge3A_16 = arith.cmpi sge, %add3A, %ge3A_15 : i32
    %convert_element_type3A_17 = arith.extui %ge3A_16 : i1 to i32
    %cond3A_18 = arith.constant 0 : i32
    %cond3A_19 = arith.cmpi ne, %convert_element_type3A_17, %cond3A_18 : i32
    scf.if %cond3A_19 {
      %sub3A = arith.constant 4 : i32
      %sub3A_20 = arith.subi %add3A, %sub3A : i32
      %lt3A_21 = arith.constant 4 : i32
      %lt3A_22 = arith.cmpi slt, %sub3A_20, %lt3A_21 : i32
      %convert_element_type3A_23 = arith.extui %lt3A_22 : i1 to i32
      %cond3A_24 = arith.constant 0 : i32
      %cond3A_25 = arith.cmpi ne, %convert_element_type3A_23, %cond3A_24 : i32
      scf.if %cond3A_25 {
        %sub3A_26 = arith.constant 4 : i32
        %sub3A_27 = arith.subi %add3A, %sub3A_26 : i32
        %mul3A_28 = arith.constant 80 : i32
        %mul3A_29 = arith.muli %sub3A_27, %mul3A_28 : i32
        %add3A_30 = arith.constant 199680 : i32
        %add3A_31 = arith.addi %add3A_30, %mul3A_29 : i32
        "tpu.region"() ({
          %run_scoped3A_77 = tpu.sem_alloc : memref<!tpu.dma_semaphore, #tpu.memory_space<semaphore_mem>>
          %dma_start3A_78 = arith.constant 0 : i32
          %dma_start3A_79 = tpu.memref_slice %arg6[%dma_start3A_78] : memref<6912xi32, #tpu.memory_space<vmem>> -> memref<80xi32, #tpu.memory_space<vmem>>
          %dma_start3A_80 = tpu.memref_slice %arg3[%add3A_31] : memref<200000xi32, #tpu.memory_space<hbm>> -> memref<80xi32, #tpu.memory_space<hbm>>
          %dma_start3A_81 = arith.constant 0 : i32
          %dma_start3A_82 = tpu.memref_slice %arg6[%dma_start3A_81] : memref<6912xi32, #tpu.memory_space<vmem>> -> memref<80xi32, #tpu.memory_space<vmem>>
          %dma_start3A_83 = tpu.memref_slice %arg3[%add3A_31] : memref<200000xi32, #tpu.memory_space<hbm>> -> memref<80xi32, #tpu.memory_space<hbm>>
          tpu.enqueue_dma source(%dma_start3A_83 : memref<80xi32, #tpu.memory_space<hbm>>) target(%dma_start3A_82 : memref<80xi32, #tpu.memory_space<vmem>>) target_semaphore(%run_scoped3A_77 : memref<!tpu.dma_semaphore, #tpu.memory_space<semaphore_mem>>)
          %dma_wait3A_84 = arith.constant 0 : i32
          %dma_wait3A_85 = tpu.memref_slice %arg6[%dma_wait3A_84] : memref<6912xi32, #tpu.memory_space<vmem>> -> memref<80xi32, #tpu.memory_space<vmem>>
          %dma_wait3A_86 = tpu.memref_slice %arg3[%add3A_31] : memref<200000xi32, #tpu.memory_space<hbm>> -> memref<80xi32, #tpu.memory_space<hbm>>
          %dma_wait3A_87 = arith.constant 0 : i32
          %dma_wait3A_88 = tpu.memref_slice %arg6[%dma_wait3A_87] : memref<6912xi32, #tpu.memory_space<vmem>> -> memref<80xi32, #tpu.memory_space<vmem>>
          %dma_wait3A_89 = tpu.memref_slice %arg3[%add3A_31] : memref<200000xi32, #tpu.memory_space<hbm>> -> memref<80xi32, #tpu.memory_space<hbm>>
          tpu.wait_dma2 semaphore(%run_scoped3A_77 : memref<!tpu.dma_semaphore, #tpu.memory_space<semaphore_mem>>) src(%dma_wait3A_89 : memref<80xi32, #tpu.memory_space<hbm>>) dst(%dma_wait3A_88 : memref<80xi32, #tpu.memory_space<vmem>>)
          tpu.yield
        }) : () -> ()
        "tpu.region"() ({
          %run_scoped3A_77 = tpu.sem_alloc : memref<!tpu.dma_semaphore, #tpu.memory_space<semaphore_mem>>
          %dma_start3A_78 = arith.constant 0 : i32
          %dma_start3A_79 = tpu.memref_slice %arg7[%dma_start3A_78] : memref<6912xi32, #tpu.memory_space<vmem>> -> memref<80xi32, #tpu.memory_space<vmem>>
          %dma_start3A_80 = tpu.memref_slice %arg4[%add3A_31] : memref<200000xi32, #tpu.memory_space<hbm>> -> memref<80xi32, #tpu.memory_space<hbm>>
          %dma_start3A_81 = arith.constant 0 : i32
          %dma_start3A_82 = tpu.memref_slice %arg7[%dma_start3A_81] : memref<6912xi32, #tpu.memory_space<vmem>> -> memref<80xi32, #tpu.memory_space<vmem>>
          %dma_start3A_83 = tpu.memref_slice %arg4[%add3A_31] : memref<200000xi32, #tpu.memory_space<hbm>> -> memref<80xi32, #tpu.memory_space<hbm>>
          tpu.enqueue_dma source(%dma_start3A_83 : memref<80xi32, #tpu.memory_space<hbm>>) target(%dma_start3A_82 : memref<80xi32, #tpu.memory_space<vmem>>) target_semaphore(%run_scoped3A_77 : memref<!tpu.dma_semaphore, #tpu.memory_space<semaphore_mem>>)
          %dma_wait3A_84 = arith.constant 0 : i32
          %dma_wait3A_85 = tpu.memref_slice %arg7[%dma_wait3A_84] : memref<6912xi32, #tpu.memory_space<vmem>> -> memref<80xi32, #tpu.memory_space<vmem>>
          %dma_wait3A_86 = tpu.memref_slice %arg4[%add3A_31] : memref<200000xi32, #tpu.memory_space<hbm>> -> memref<80xi32, #tpu.memory_space<hbm>>
          %dma_wait3A_87 = arith.constant 0 : i32
          %dma_wait3A_88 = tpu.memref_slice %arg7[%dma_wait3A_87] : memref<6912xi32, #tpu.memory_space<vmem>> -> memref<80xi32, #tpu.memory_space<vmem>>
          %dma_wait3A_89 = tpu.memref_slice %arg4[%add3A_31] : memref<200000xi32, #tpu.memory_space<hbm>> -> memref<80xi32, #tpu.memory_space<hbm>>
          tpu.wait_dma2 semaphore(%run_scoped3A_77 : memref<!tpu.dma_semaphore, #tpu.memory_space<semaphore_mem>>) src(%dma_wait3A_89 : memref<80xi32, #tpu.memory_space<hbm>>) dst(%dma_wait3A_88 : memref<80xi32, #tpu.memory_space<vmem>>)
          tpu.yield
        }) : () -> ()
        %dma_start3A = arith.constant 0 : i32
        %dma_start3A_32 = arith.constant 0 : i32
        %dma_start3A_33 = arith.constant 0 : i32
        %dma_start3A_34 = tpu.memref_slice %arg8[%dma_start3A, %dma_start3A_32, %dma_start3A_33] : memref<2x128x128xf32, #tpu.memory_space<vmem>> -> memref<1x80x128xf32, #tpu.memory_space<vmem>>
        %dma_start3A_35 = tpu.memref_squeeze %dma_start3A_34 : memref<1x80x128xf32, #tpu.memory_space<vmem>> -> memref<80x128xf32, #tpu.memory_space<vmem>>
        %dma_start3A_36 = arith.constant 0 : i32
        %dma_start3A_37 = tpu.memref_slice %arg6[%dma_start3A_36] : memref<6912xi32, #tpu.memory_space<vmem>> -> memref<80xi32, #tpu.memory_space<vmem>>
        %dma_start3A_38 = arith.constant 0 : i32
        %dma_start3A_39 = arith.constant 0 : i32
        %dma_start3A_40 = tpu.memref_slice %arg2[%dma_start3A_38, %dma_start3A_39] : memref<100000x128xf32, #tpu.memory_space<hbm>> -> memref<100000x128xf32, #tpu.memory_space<hbm>>
        tpu.enqueue_indirect_dma source(%dma_start3A_40 : memref<100000x128xf32, #tpu.memory_space<hbm>>) target(%dma_start3A_35 : memref<80x128xf32, #tpu.memory_space<vmem>>) offsets(%dma_start3A_37 : memref<80xi32, #tpu.memory_space<vmem>>) semaphore(%arg11 : memref<!tpu.dma_semaphore, #tpu.memory_space<semaphore_mem>>)
        %dma_start3A_41 = arith.constant 0 : i32
        %dma_start3A_42 = arith.constant 0 : i32
        %dma_start3A_43 = arith.constant 0 : i32
        %dma_start3A_44 = tpu.memref_slice %arg9[%dma_start3A_41, %dma_start3A_42, %dma_start3A_43] : memref<2x128x128xf32, #tpu.memory_space<vmem>> -> memref<1x80x128xf32, #tpu.memory_space<vmem>>
        %dma_start3A_45 = tpu.memref_squeeze %dma_start3A_44 : memref<1x80x128xf32, #tpu.memory_space<vmem>> -> memref<80x128xf32, #tpu.memory_space<vmem>>
        %dma_start3A_46 = arith.constant 0 : i32
        %dma_start3A_47 = tpu.memref_slice %arg7[%dma_start3A_46] : memref<6912xi32, #tpu.memory_space<vmem>> -> memref<80xi32, #tpu.memory_space<vmem>>
        %dma_start3A_48 = arith.constant 0 : i32
        %dma_start3A_49 = arith.constant 0 : i32
        %dma_start3A_50 = tpu.memref_slice %arg2[%dma_start3A_48, %dma_start3A_49] : memref<100000x128xf32, #tpu.memory_space<hbm>> -> memref<100000x128xf32, #tpu.memory_space<hbm>>
        tpu.enqueue_indirect_dma source(%dma_start3A_50 : memref<100000x128xf32, #tpu.memory_space<hbm>>) target(%dma_start3A_45 : memref<80x128xf32, #tpu.memory_space<vmem>>) offsets(%dma_start3A_47 : memref<80xi32, #tpu.memory_space<vmem>>) semaphore(%arg11 : memref<!tpu.dma_semaphore, #tpu.memory_space<semaphore_mem>>)
        %dma_wait3A = arith.constant 0 : i32
        %dma_wait3A_51 = arith.constant 0 : i32
        %dma_wait3A_52 = arith.constant 0 : i32
        %dma_wait3A_53 = tpu.memref_slice %arg8[%dma_wait3A, %dma_wait3A_51, %dma_wait3A_52] : memref<2x128x128xf32, #tpu.memory_space<vmem>> -> memref<1x80x128xf32, #tpu.memory_space<vmem>>
        %dma_wait3A_54 = tpu.memref_squeeze %dma_wait3A_53 : memref<1x80x128xf32, #tpu.memory_space<vmem>> -> memref<80x128xf32, #tpu.memory_space<vmem>>
        %dma_wait3A_55 = arith.constant 0 : i32
        %dma_wait3A_56 = tpu.memref_slice %arg6[%dma_wait3A_55] : memref<6912xi32, #tpu.memory_space<vmem>> -> memref<80xi32, #tpu.memory_space<vmem>>
        %dma_wait3A_57 = arith.constant 0 : i32
        %dma_wait3A_58 = arith.constant 0 : i32
        %dma_wait3A_59 = tpu.memref_slice %arg2[%dma_wait3A_57, %dma_wait3A_58] : memref<100000x128xf32, #tpu.memory_space<hbm>> -> memref<100000x128xf32, #tpu.memory_space<hbm>>
        tpu.wait_indirect_dma semaphore(%arg11 : memref<!tpu.dma_semaphore, #tpu.memory_space<semaphore_mem>>) src(%dma_wait3A_59 : memref<100000x128xf32, #tpu.memory_space<hbm>>) dst(%dma_wait3A_54 : memref<80x128xf32, #tpu.memory_space<vmem>>)
        %dma_wait3A_60 = arith.constant 0 : i32
        %dma_wait3A_61 = arith.constant 0 : i32
        %dma_wait3A_62 = arith.constant 0 : i32
        %dma_wait3A_63 = tpu.memref_slice %arg9[%dma_wait3A_60, %dma_wait3A_61, %dma_wait3A_62] : memref<2x128x128xf32, #tpu.memory_space<vmem>> -> memref<1x80x128xf32, #tpu.memory_space<vmem>>
        %dma_wait3A_64 = tpu.memref_squeeze %dma_wait3A_63 : memref<1x80x128xf32, #tpu.memory_space<vmem>> -> memref<80x128xf32, #tpu.memory_space<vmem>>
        %dma_wait3A_65 = arith.constant 0 : i32
        %dma_wait3A_66 = tpu.memref_slice %arg7[%dma_wait3A_65] : memref<6912xi32, #tpu.memory_space<vmem>> -> memref<80xi32, #tpu.memory_space<vmem>>
        %dma_wait3A_67 = arith.constant 0 : i32
        %dma_wait3A_68 = arith.constant 0 : i32
        %dma_wait3A_69 = tpu.memref_slice %arg2[%dma_wait3A_67, %dma_wait3A_68] : memref<100000x128xf32, #tpu.memory_space<hbm>> -> memref<100000x128xf32, #tpu.memory_space<hbm>>
        tpu.wait_indirect_dma semaphore(%arg11 : memref<!tpu.dma_semaphore, #tpu.memory_space<semaphore_mem>>) src(%dma_wait3A_69 : memref<100000x128xf32, #tpu.memory_space<hbm>>) dst(%dma_wait3A_64 : memref<80x128xf32, #tpu.memory_space<vmem>>)
        %scan3A = arith.constant 0 : i32
        %scan3A_70 = arith.constant 0 : i32
        %scan3A_71 = arith.constant 80 : i32
        %scan3A_72 = arith.addi %scan3A_70, %scan3A_71 : i32
        %scan3A_73 = arith.constant 1 : i32
        scf.for %scan3A_77 = %scan3A_70 to %scan3A_72 step %scan3A_73  : i32 {
          %get3A = arith.constant 0 : i32
          %get3A_78 = arith.index_cast %get3A : i32 to index
          %get3A_79 = arith.index_cast %scan3A_77 : i32 to index
          %get3A_80 = arith.constant 0 : index
          %get3A_81 = tpu.vector_load %arg8[%get3A_78, %get3A_79, %get3A_80] {strides = array<i32>} : memref<2x128x128xf32, #tpu.memory_space<vmem>>, vector<1x1x16xf32>,
          %get3A_82 = vector.shape_cast %get3A_81 : vector<1x1x16xf32> to vector<16xf32>
          %get3A_83 = arith.constant 0 : i32
          %get3A_84 = arith.index_cast %get3A_83 : i32 to index
          %get3A_85 = arith.index_cast %scan3A_77 : i32 to index
          %get3A_86 = arith.constant 0 : index
          %get3A_87 = tpu.vector_load %arg9[%get3A_84, %get3A_85, %get3A_86] {strides = array<i32>} : memref<2x128x128xf32, #tpu.memory_space<vmem>>, vector<1x1x16xf32>,
          %get3A_88 = vector.shape_cast %get3A_87 : vector<1x1x16xf32> to vector<16xf32>
          %add3A_89 = arith.addf %get3A_82, %get3A_88 : vector<16xf32>
          %mul3A_90 = arith.constant 5.000000e-01 : f32
          %mul3A_91 = vector.broadcast %mul3A_90 : f32 to vector<16xf32>
          %mul3A_92 = arith.mulf %add3A_89, %mul3A_91 : vector<16xf32>
          %swap3A = arith.constant 0 : i32
          %swap3A_93 = arith.index_cast %swap3A : i32 to index
          %swap3A_94 = arith.index_cast %scan3A_77 : i32 to index
          %swap3A_95 = arith.constant 0 : index
          %swap3A_96 = tpu.vector_load %arg8[%swap3A_93, %swap3A_94, %swap3A_95] {strides = array<i32>} : memref<2x128x128xf32, #tpu.memory_space<vmem>>, vector<1x1x16xf32>,
          %swap3A_97 = vector.shape_cast %swap3A_96 : vector<1x1x16xf32> to vector<16xf32>
          %swap3A_98 = vector.shape_cast %mul3A_92 : vector<16xf32> to vector<1x1x16xf32>
          tpu.vector_store %arg8[%swap3A_93, %swap3A_94, %swap3A_95], %swap3A_98 {strides = array<i32>} : memref<2x128x128xf32, #tpu.memory_space<vmem>>, vector<1x1x16xf32>,
          %get3A_99 = arith.constant 0 : i32
          %get3A_100 = arith.index_cast %get3A_99 : i32 to index
          %get3A_101 = arith.index_cast %scan3A_77 : i32 to index
          %get3A_102 = arith.constant 16 : index
          %get3A_103 = tpu.vector_load %arg8[%get3A_100, %get3A_101, %get3A_102] {strides = array<i32>} : memref<2x128x128xf32, #tpu.memory_space<vmem>>, vector<1x1x16xf32>,
          %get3A_104 = vector.shape_cast %get3A_103 : vector<1x1x16xf32> to vector<16xf32>
          %get3A_105 = arith.constant 0 : i32
          %get3A_106 = arith.index_cast %get3A_105 : i32 to index
          %get3A_107 = arith.index_cast %scan3A_77 : i32 to index
          %get3A_108 = arith.constant 16 : index
          %get3A_109 = tpu.vector_load %arg9[%get3A_106, %get3A_107, %get3A_108] {strides = array<i32>} : memref<2x128x128xf32, #tpu.memory_space<vmem>>, vector<1x1x16xf32>,
          %get3A_110 = vector.shape_cast %get3A_109 : vector<1x1x16xf32> to vector<16xf32>
          %add3A_111 = arith.addf %get3A_104, %get3A_110 : vector<16xf32>
          %mul3A_112 = arith.constant 5.000000e-01 : f32
          %mul3A_113 = vector.broadcast %mul3A_112 : f32 to vector<16xf32>
          %mul3A_114 = arith.mulf %add3A_111, %mul3A_113 : vector<16xf32>
          %swap3A_115 = arith.constant 0 : i32
          %swap3A_116 = arith.index_cast %swap3A_115 : i32 to index
          %swap3A_117 = arith.index_cast %scan3A_77 : i32 to index
          %swap3A_118 = arith.constant 16 : index
          %swap3A_119 = tpu.vector_load %arg8[%swap3A_116, %swap3A_117, %swap3A_118] {strides = array<i32>} : memref<2x128x128xf32, #tpu.memory_space<vmem>>, vector<1x1x16xf32>,
          %swap3A_120 = vector.shape_cast %swap3A_119 : vector<1x1x16xf32> to vector<16xf32>
          %swap3A_121 = vector.shape_cast %mul3A_114 : vector<16xf32> to vector<1x1x16xf32>
          tpu.vector_store %arg8[%swap3A_116, %swap3A_117, %swap3A_118], %swap3A_121 {strides = array<i32>} : memref<2x128x128xf32, #tpu.memory_space<vmem>>, vector<1x1x16xf32>,
          %get3A_122 = arith.constant 0 : i32
          %get3A_123 = arith.index_cast %get3A_122 : i32 to index
          %get3A_124 = arith.index_cast %scan3A_77 : i32 to index
          %get3A_125 = arith.constant 32 : index
          %get3A_126 = tpu.vector_load %arg8[%get3A_123, %get3A_124, %get3A_125] {strides = array<i32>} : memref<2x128x128xf32, #tpu.memory_space<vmem>>, vector<1x1x16xf32>,
          %get3A_127 = vector.shape_cast %get3A_126 : vector<1x1x16xf32> to vector<16xf32>
          %get3A_128 = arith.constant 0 : i32
          %get3A_129 = arith.index_cast %get3A_128 : i32 to index
          %get3A_130 = arith.index_cast %scan3A_77 : i32 to index
          %get3A_131 = arith.constant 32 : index
          %get3A_132 = tpu.vector_load %arg9[%get3A_129, %get3A_130, %get3A_131] {strides = array<i32>} : memref<2x128x128xf32, #tpu.memory_space<vmem>>, vector<1x1x16xf32>,
          %get3A_133 = vector.shape_cast %get3A_132 : vector<1x1x16xf32> to vector<16xf32>
          %add3A_134 = arith.addf %get3A_127, %get3A_133 : vector<16xf32>
          %mul3A_135 = arith.constant 5.000000e-01 : f32
          %mul3A_136 = vector.broadcast %mul3A_135 : f32 to vector<16xf32>
          %mul3A_137 = arith.mulf %add3A_134, %mul3A_136 : vector<16xf32>
          %swap3A_138 = arith.constant 0 : i32
          %swap3A_139 = arith.index_cast %swap3A_138 : i32 to index
          %swap3A_140 = arith.index_cast %scan3A_77 : i32 to index
          %swap3A_141 = arith.constant 32 : index
          %swap3A_142 = tpu.vector_load %arg8[%swap3A_139, %swap3A_140, %swap3A_141] {strides = array<i32>} : memref<2x128x128xf32, #tpu.memory_space<vmem>>, vector<1x1x16xf32>,
          %swap3A_143 = vector.shape_cast %swap3A_142 : vector<1x1x16xf32> to vector<16xf32>
          %swap3A_144 = vector.shape_cast %mul3A_137 : vector<16xf32> to vector<1x1x16xf32>
          tpu.vector_store %arg8[%swap3A_139, %swap3A_140, %swap3A_141], %swap3A_144 {strides = array<i32>} : memref<2x128x128xf32, #tpu.memory_space<vmem>>, vector<1x1x16xf32>,
          %get3A_145 = arith.constant 0 : i32
          %get3A_146 = arith.index_cast %get3A_145 : i32 to index
          %get3A_147 = arith.index_cast %scan3A_77 : i32 to index
          %get3A_148 = arith.constant 48 : index
          %get3A_149 = tpu.vector_load %arg8[%get3A_146, %get3A_147, %get3A_148] {strides = array<i32>} : memref<2x128x128xf32, #tpu.memory_space<vmem>>, vector<1x1x16xf32>,
          %get3A_150 = vector.shape_cast %get3A_149 : vector<1x1x16xf32> to vector<16xf32>
          %get3A_151 = arith.constant 0 : i32
          %get3A_152 = arith.index_cast %get3A_151 : i32 to index
          %get3A_153 = arith.index_cast %scan3A_77 : i32 to index
          %get3A_154 = arith.constant 48 : index
          %get3A_155 = tpu.vector_load %arg9[%get3A_152, %get3A_153, %get3A_154] {strides = array<i32>} : memref<2x128x128xf32, #tpu.memory_space<vmem>>, vector<1x1x16xf32>,
          %get3A_156 = vector.shape_cast %get3A_155 : vector<1x1x16xf32> to vector<16xf32>
          %add3A_157 = arith.addf %get3A_150, %get3A_156 : vector<16xf32>
          %mul3A_158 = arith.constant 5.000000e-01 : f32
          %mul3A_159 = vector.broadcast %mul3A_158 : f32 to vector<16xf32>
          %mul3A_160 = arith.mulf %add3A_157, %mul3A_159 : vector<16xf32>
          %swap3A_161 = arith.constant 0 : i32
          %swap3A_162 = arith.index_cast %swap3A_161 : i32 to index
          %swap3A_163 = arith.index_cast %scan3A_77 : i32 to index
          %swap3A_164 = arith.constant 48 : index
          %swap3A_165 = tpu.vector_load %arg8[%swap3A_162, %swap3A_163, %swap3A_164] {strides = array<i32>} : memref<2x128x128xf32, #tpu.memory_space<vmem>>, vector<1x1x16xf32>,
          %swap3A_166 = vector.shape_cast %swap3A_165 : vector<1x1x16xf32> to vector<16xf32>
          %swap3A_167 = vector.shape_cast %mul3A_160 : vector<16xf32> to vector<1x1x16xf32>
          tpu.vector_store %arg8[%swap3A_162, %swap3A_163, %swap3A_164], %swap3A_167 {strides = array<i32>} : memref<2x128x128xf32, #tpu.memory_space<vmem>>, vector<1x1x16xf32>,
          %get3A_168 = arith.constant 0 : i32
          %get3A_169 = arith.index_cast %get3A_168 : i32 to index
          %get3A_170 = arith.index_cast %scan3A_77 : i32 to index
          %get3A_171 = arith.constant 64 : index
          %get3A_172 = tpu.vector_load %arg8[%get3A_169, %get3A_170, %get3A_171] {strides = array<i32>} : memref<2x128x128xf32, #tpu.memory_space<vmem>>, vector<1x1x16xf32>,
          %get3A_173 = vector.shape_cast %get3A_172 : vector<1x1x16xf32> to vector<16xf32>
          %get3A_174 = arith.constant 0 : i32
          %get3A_175 = arith.index_cast %get3A_174 : i32 to index
          %get3A_176 = arith.index_cast %scan3A_77 : i32 to index
          %get3A_177 = arith.constant 64 : index
          %get3A_178 = tpu.vector_load %arg9[%get3A_175, %get3A_176, %get3A_177] {strides = array<i32>} : memref<2x128x128xf32, #tpu.memory_space<vmem>>, vector<1x1x16xf32>,
          %get3A_179 = vector.shape_cast %get3A_178 : vector<1x1x16xf32> to vector<16xf32>
          %add3A_180 = arith.addf %get3A_173, %get3A_179 : vector<16xf32>
          %mul3A_181 = arith.constant 5.000000e-01 : f32
          %mul3A_182 = vector.broadcast %mul3A_181 : f32 to vector<16xf32>
          %mul3A_183 = arith.mulf %add3A_180, %mul3A_182 : vector<16xf32>
          %swap3A_184 = arith.constant 0 : i32
          %swap3A_185 = arith.index_cast %swap3A_184 : i32 to index
          %swap3A_186 = arith.index_cast %scan3A_77 : i32 to index
          %swap3A_187 = arith.constant 64 : index
          %swap3A_188 = tpu.vector_load %arg8[%swap3A_185, %swap3A_186, %swap3A_187] {strides = array<i32>} : memref<2x128x128xf32, #tpu.memory_space<vmem>>, vector<1x1x16xf32>,
          %swap3A_189 = vector.shape_cast %swap3A_188 : vector<1x1x16xf32> to vector<16xf32>
          %swap3A_190 = vector.shape_cast %mul3A_183 : vector<16xf32> to vector<1x1x16xf32>
          tpu.vector_store %arg8[%swap3A_185, %swap3A_186, %swap3A_187], %swap3A_190 {strides = array<i32>} : memref<2x128x128xf32, #tpu.memory_space<vmem>>, vector<1x1x16xf32>,
          %get3A_191 = arith.constant 0 : i32
          %get3A_192 = arith.index_cast %get3A_191 : i32 to index
          %get3A_193 = arith.index_cast %scan3A_77 : i32 to index
          %get3A_194 = arith.constant 80 : index
          %get3A_195 = tpu.vector_load %arg8[%get3A_192, %get3A_193, %get3A_194] {strides = array<i32>} : memref<2x128x128xf32, #tpu.memory_space<vmem>>, vector<1x1x16xf32>,
          %get3A_196 = vector.shape_cast %get3A_195 : vector<1x1x16xf32> to vector<16xf32>
          %get3A_197 = arith.constant 0 : i32
          %get3A_198 = arith.index_cast %get3A_197 : i32 to index
          %get3A_199 = arith.index_cast %scan3A_77 : i32 to index
          %get3A_200 = arith.constant 80 : index
          %get3A_201 = tpu.vector_load %arg9[%get3A_198, %get3A_199, %get3A_200] {strides = array<i32>} : memref<2x128x128xf32, #tpu.memory_space<vmem>>, vector<1x1x16xf32>,
          %get3A_202 = vector.shape_cast %get3A_201 : vector<1x1x16xf32> to vector<16xf32>
          %add3A_203 = arith.addf %get3A_196, %get3A_202 : vector<16xf32>
          %mul3A_204 = arith.constant 5.000000e-01 : f32
          %mul3A_205 = vector.broadcast %mul3A_204 : f32 to vector<16xf32>
          %mul3A_206 = arith.mulf %add3A_203, %mul3A_205 : vector<16xf32>
          %swap3A_207 = arith.constant 0 : i32
          %swap3A_208 = arith.index_cast %swap3A_207 : i32 to index
          %swap3A_209 = arith.index_cast %scan3A_77 : i32 to index
          %swap3A_210 = arith.constant 80 : index
          %swap3A_211 = tpu.vector_load %arg8[%swap3A_208, %swap3A_209, %swap3A_210] {strides = array<i32>} : memref<2x128x128xf32, #tpu.memory_space<vmem>>, vector<1x1x16xf32>,
          %swap3A_212 = vector.shape_cast %swap3A_211 : vector<1x1x16xf32> to vector<16xf32>
          %swap3A_213 = vector.shape_cast %mul3A_206 : vector<16xf32> to vector<1x1x16xf32>
          tpu.vector_store %arg8[%swap3A_208, %swap3A_209, %swap3A_210], %swap3A_213 {strides = array<i32>} : memref<2x128x128xf32, #tpu.memory_space<vmem>>, vector<1x1x16xf32>,
          %get3A_214 = arith.constant 0 : i32
          %get3A_215 = arith.index_cast %get3A_214 : i32 to index
          %get3A_216 = arith.index_cast %scan3A_77 : i32 to index
          %get3A_217 = arith.constant 96 : index
          %get3A_218 = tpu.vector_load %arg8[%get3A_215, %get3A_216, %get3A_217] {strides = array<i32>} : memref<2x128x128xf32, #tpu.memory_space<vmem>>, vector<1x1x16xf32>,
          %get3A_219 = vector.shape_cast %get3A_218 : vector<1x1x16xf32> to vector<16xf32>
          %get3A_220 = arith.constant 0 : i32
          %get3A_221 = arith.index_cast %get3A_220 : i32 to index
          %get3A_222 = arith.index_cast %scan3A_77 : i32 to index
          %get3A_223 = arith.constant 96 : index
          %get3A_224 = tpu.vector_load %arg9[%get3A_221, %get3A_222, %get3A_223] {strides = array<i32>} : memref<2x128x128xf32, #tpu.memory_space<vmem>>, vector<1x1x16xf32>,
          %get3A_225 = vector.shape_cast %get3A_224 : vector<1x1x16xf32> to vector<16xf32>
          %add3A_226 = arith.addf %get3A_219, %get3A_225 : vector<16xf32>
          %mul3A_227 = arith.constant 5.000000e-01 : f32
          %mul3A_228 = vector.broadcast %mul3A_227 : f32 to vector<16xf32>
          %mul3A_229 = arith.mulf %add3A_226, %mul3A_228 : vector<16xf32>
          %swap3A_230 = arith.constant 0 : i32
          %swap3A_231 = arith.index_cast %swap3A_230 : i32 to index
          %swap3A_232 = arith.index_cast %scan3A_77 : i32 to index
          %swap3A_233 = arith.constant 96 : index
          %swap3A_234 = tpu.vector_load %arg8[%swap3A_231, %swap3A_232, %swap3A_233] {strides = array<i32>} : memref<2x128x128xf32, #tpu.memory_space<vmem>>, vector<1x1x16xf32>,
          %swap3A_235 = vector.shape_cast %swap3A_234 : vector<1x1x16xf32> to vector<16xf32>
          %swap3A_236 = vector.shape_cast %mul3A_229 : vector<16xf32> to vector<1x1x16xf32>
          tpu.vector_store %arg8[%swap3A_231, %swap3A_232, %swap3A_233], %swap3A_236 {strides = array<i32>} : memref<2x128x128xf32, #tpu.memory_space<vmem>>, vector<1x1x16xf32>,
          %get3A_237 = arith.constant 0 : i32
          %get3A_238 = arith.index_cast %get3A_237 : i32 to index
          %get3A_239 = arith.index_cast %scan3A_77 : i32 to index
          %get3A_240 = arith.constant 112 : index
          %get3A_241 = tpu.vector_load %arg8[%get3A_238, %get3A_239, %get3A_240] {strides = array<i32>} : memref<2x128x128xf32, #tpu.memory_space<vmem>>, vector<1x1x16xf32>,
          %get3A_242 = vector.shape_cast %get3A_241 : vector<1x1x16xf32> to vector<16xf32>
          %get3A_243 = arith.constant 0 : i32
          %get3A_244 = arith.index_cast %get3A_243 : i32 to index
          %get3A_245 = arith.index_cast %scan3A_77 : i32 to index
          %get3A_246 = arith.constant 112 : index
          %get3A_247 = tpu.vector_load %arg9[%get3A_244, %get3A_245, %get3A_246] {strides = array<i32>} : memref<2x128x128xf32, #tpu.memory_space<vmem>>, vector<1x1x16xf32>,
          %get3A_248 = vector.shape_cast %get3A_247 : vector<1x1x16xf32> to vector<16xf32>
          %add3A_249 = arith.addf %get3A_242, %get3A_248 : vector<16xf32>
          %mul3A_250 = arith.constant 5.000000e-01 : f32
          %mul3A_251 = vector.broadcast %mul3A_250 : f32 to vector<16xf32>
          %mul3A_252 = arith.mulf %add3A_249, %mul3A_251 : vector<16xf32>
          %swap3A_253 = arith.constant 0 : i32
          %swap3A_254 = arith.index_cast %swap3A_253 : i32 to index
          %swap3A_255 = arith.index_cast %scan3A_77 : i32 to index
          %swap3A_256 = arith.constant 112 : index
          %swap3A_257 = tpu.vector_load %arg8[%swap3A_254, %swap3A_255, %swap3A_256] {strides = array<i32>} : memref<2x128x128xf32, #tpu.memory_space<vmem>>, vector<1x1x16xf32>,
          %swap3A_258 = vector.shape_cast %swap3A_257 : vector<1x1x16xf32> to vector<16xf32>
          %swap3A_259 = vector.shape_cast %mul3A_252 : vector<16xf32> to vector<1x1x16xf32>
          tpu.vector_store %arg8[%swap3A_254, %swap3A_255, %swap3A_256], %swap3A_259 {strides = array<i32>} : memref<2x128x128xf32, #tpu.memory_space<vmem>>, vector<1x1x16xf32>,
        }
        %scan3A_74 = arith.constant 80 : i32
        %add3A_75 = arith.constant 100000 : i32
        %add3A_76 = arith.addi %add3A_75, %add3A_31 : i32
        %run_scoped3A = arith.constant 0 : i32
        "tpu.region"() ({
          %run_scoped3A_77 = tpu.sem_alloc : memref<!tpu.dma_semaphore, #tpu.memory_space<semaphore_mem>>
          %dma_start3A_78 = arith.constant 0 : i32
          %dma_start3A_79 = arith.constant 0 : i32
          %dma_start3A_80 = tpu.memref_slice %arg8[%run_scoped3A, %dma_start3A_78, %dma_start3A_79] : memref<2x128x128xf32, #tpu.memory_space<vmem>> -> memref<1x80x128xf32, #tpu.memory_space<vmem>>
          %dma_start3A_81 = tpu.memref_squeeze %dma_start3A_80 : memref<1x80x128xf32, #tpu.memory_space<vmem>> -> memref<80x128xf32, #tpu.memory_space<vmem>>
          %dma_start3A_82 = arith.constant 0 : i32
          %dma_start3A_83 = tpu.memref_slice %arg5[%add3A_76, %dma_start3A_82] : memref<300000x128xf32, #tpu.memory_space<hbm>> -> memref<80x128xf32, #tpu.memory_space<hbm>>
          %dma_start3A_84 = arith.constant 0 : i32
          %dma_start3A_85 = tpu.memref_slice %arg5[%add3A_76, %dma_start3A_84] : memref<300000x128xf32, #tpu.memory_space<hbm>> -> memref<80x128xf32, #tpu.memory_space<hbm>>
          %dma_start3A_86 = arith.constant 0 : i32
          %dma_start3A_87 = arith.constant 0 : i32
          %dma_start3A_88 = tpu.memref_slice %arg8[%run_scoped3A, %dma_start3A_86, %dma_start3A_87] : memref<2x128x128xf32, #tpu.memory_space<vmem>> -> memref<1x80x128xf32, #tpu.memory_space<vmem>>
          %dma_start3A_89 = tpu.memref_squeeze %dma_start3A_88 : memref<1x80x128xf32, #tpu.memory_space<vmem>> -> memref<80x128xf32, #tpu.memory_space<vmem>>
          tpu.enqueue_dma source(%dma_start3A_89 : memref<80x128xf32, #tpu.memory_space<vmem>>) target(%dma_start3A_85 : memref<80x128xf32, #tpu.memory_space<hbm>>) target_semaphore(%run_scoped3A_77 : memref<!tpu.dma_semaphore, #tpu.memory_space<semaphore_mem>>)
          %dma_wait3A_90 = arith.constant 0 : i32
          %dma_wait3A_91 = arith.constant 0 : i32
          %dma_wait3A_92 = tpu.memref_slice %arg8[%run_scoped3A, %dma_wait3A_90, %dma_wait3A_91] : memref<2x128x128xf32, #tpu.memory_space<vmem>> -> memref<1x80x128xf32, #tpu.memory_space<vmem>>
          %dma_wait3A_93 = tpu.memref_squeeze %dma_wait3A_92 : memref<1x80x128xf32, #tpu.memory_space<vmem>> -> memref<80x128xf32, #tpu.memory_space<vmem>>
          %dma_wait3A_94 = arith.constant 0 : i32
          %dma_wait3A_95 = tpu.memref_slice %arg5[%add3A_76, %dma_wait3A_94] : memref<300000x128xf32, #tpu.memory_space<hbm>> -> memref<80x128xf32, #tpu.memory_space<hbm>>
          %dma_wait3A_96 = arith.constant 0 : i32
          %dma_wait3A_97 = tpu.memref_slice %arg5[%add3A_76, %dma_wait3A_96] : memref<300000x128xf32, #tpu.memory_space<hbm>> -> memref<80x128xf32, #tpu.memory_space<hbm>>
          %dma_wait3A_98 = arith.constant 0 : i32
          %dma_wait3A_99 = arith.constant 0 : i32
          %dma_wait3A_100 = tpu.memref_slice %arg8[%run_scoped3A, %dma_wait3A_98, %dma_wait3A_99] : memref<2x128x128xf32, #tpu.memory_space<vmem>> -> memref<1x80x128xf32, #tpu.memory_space<vmem>>
          %dma_wait3A_101 = tpu.memref_squeeze %dma_wait3A_100 : memref<1x80x128xf32, #tpu.memory_space<vmem>> -> memref<80x128xf32, #tpu.memory_space<vmem>>
          tpu.wait_dma2 semaphore(%run_scoped3A_77 : memref<!tpu.dma_semaphore, #tpu.memory_space<semaphore_mem>>) src(%dma_wait3A_101 : memref<80x128xf32, #tpu.memory_space<vmem>>) dst(%dma_wait3A_97 : memref<80x128xf32, #tpu.memory_space<hbm>>)
          tpu.yield
        }) : () -> ()
      } else {
      }
    } else {
    }
    return
  }
}

</mosaic_0001>

<sc_bundles>
// kernel: kernel.3.cloned.1.call-start
scs
__scs_entry_jumppad:
0x0: {  	(pc) =	sbr.rel $0x88, $3  }
0x1: {  	(tag) =	ssettag $0x0;
	lr =	simm.s32 $0x1  }
0x2: {  	[smem:$0x3F9F] =	sst lr;
	_ =	strace $0xD0000000  }
0x3: {  	_ = 	snop  }
0x4: {  	_ = 	snop  }
0x5: {  	_ = 	snop  }
0x6: {  	_ = 	snop  }
0x7: {  	_ = 	snop  }
__scs_overlays_trampoline_lowered:
0x8: {  	[smem:$0x3FAE] =	sst s0  }
0x9: {  	[smem:$0x3FAF] =	sst s1  }
0xa: {  	[smem:$0x3FB0] =	sst s2  }
0xb: {  	[smem:$0x3FB1] =	sst s3  }
0xc: {  	[smem:$0x3FB2] =	sst s4  }
0xd: {  	[smem:$0x3FB3] =	sst s5  }
0xe: {  	[smem:$0x3FB4] =	sst s6  }
0xf: {  	[smem:$0x3FB5] =	sst s7  }
0x10: {  	[smem:$0x3FB6] =	sst s8  }
0x11: {  	[smem:$0x3FB7] =	sst s9;
	s0 =	simm.s32 @!p0 $0x0  }
0x12: {  	s1 =	sld [smem:$0x3F9D];
	s0 =	simm.s32 @p0 $0x1  }
0x13: {  	[smem:$0x3FB8] =	sst s0;
	s0 =	simm.s32 @!p1 $0x0  }
0x14: {  	s2 =	sld [smem:$0x3F9C];
	s0 =	simm.s32 @p1 $0x1  }
0x15: {  	[smem:$0x3FB9] =	sst s0;
	s0 =	simm.s32 @!p2 $0x0  }
0x16: {  	s3 =	sld [smem:$0x3FDB];
	s0 =	simm.s32 @p2 $0x1  }
0x17: {  	s4 =	simm.s32 $0x1BF5;
	[smem:$0x3FBB] =	sst s0  }
0x18: {  	s0 =	sld [smem:$0x3F9E];
	_ =	swait.ge [sflag:s4], $0x0  }
0x19: {  	s7 =	sld [smem:$0x3F9F]  }
0x1a: {  	s8 =	sadd.s32 $0xFFFFE003, lr  }
0x1b: {  	s9 =	sadd.s32 $0xFFFFFEF7, lr;
	s5 =	simm.s32 $0xFFFFFFFF;
	p2 =	slt.u32 s8, $0xFFFFF086  }
0x1c: {  	p1 =	slt.u32 s9, $0xF7A;
	s5 =	simm.s32 @!p2 $0x0  }
0x1d: {  	s5 =	simm.s32 @p1 $0x1;
	p0 =	seq.s32 s7, s2  }
0x1e: {  	s7 =	smul.u32 @!p0 $0xF7A, s2;
	p2 =	seq.s32 @!p0 s5, $0x0  }
0x1f: {  	s9 =	smul.u32 $0xF7A, s1;
	s8 =	simm.s32 @!p0 $0x1BF5;
	p2 =	por !p2, p0  }
0x20: {  	[sflag:s8] =	ssyncset.s32 @!p0 $0xFFFFF086;
	s6 =	sadd.s32 @!p0 s3, s7;
	s7 =	simm.s32 @!p0 $0x108  }
0x21: {  	s3 =	sadd.s32 s3, s9;
	s6 =	sadd.s32 @!p0 $0x88, s6;
	s7 =	simm.s32 @p2 $0x1082  }
0x22: {  	[simem:s7], [sflag:s8] =	dma.local @!p0 [hbm:s6], $0xF7A  }
0x23: {  	s9 =	sor.u32 $0xD0000000, s2;
	s6 =	simm.s32 $0x108;
	_ =	swait.ge @!p0 [sflag:s8], $0x0  }
0x24: {  	s3 =	sadd.s32 $0x88, s3;
	s6 =	simm.s32 @!p1 $0x1082;
	[sflag:s4] =	ssyncset.s32 $0xFFFFF086  }
0x25: {  	[simem:s6], [sflag:s4] =	dma.local [hbm:s3], $0xF7A  }
0x26: {  	[smem:$0x3F9F] =	sst s1;
	(tag) =	ssettag s2;
	_ =	strace s9  }
0x27: {  	s1 =	sld [smem:$0x3FAF]  }
0x28: {  	s2 =	sld [smem:$0x3FB0]  }
0x29: {  	s4 =	sld [smem:$0x3FB2]  }
0x2a: {  	p0 =	seq.s32 s5, $0x0;
	s5 =	sld [smem:$0x3FB3]  }
0x2b: {  	s6 =	sld [smem:$0x3FB4]  }
0x2c: {  	s7 =	sld [smem:$0x3FB5]  }
0x2d: {  	s3 =	simm.s32 $0x108;
	s8 =	sld [smem:$0x3FB6]  }
0x2e: {  	s3 =	simm.s32 @!p0 $0x1082;
	s9 =	sld [smem:$0x3FB7]  }
0x2f: {  	lr =	sadd.s32 s0, s3;
	s0 =	sld [smem:$0x3FAE]  }
0x30: {  	s3 =	sld [smem:$0x3FB1]  }
0x31: {  	[smem:$0x3FBA] =	sst s10  }
0x32: {  	s10 =	sld [smem:$0x3FB8];
	_ =	sdelay $0x3  }
0x33: {  	p0 =	seq.s32 s10, $0x1;
	s10 =	sld [smem:$0x3FBA];
	_ =	sdelay $0x3  }
0x34: {  	[smem:$0x3FBA] =	sst s10  }
0x35: {  	s10 =	sld [smem:$0x3FB9];
	_ =	sdelay $0x3  }
0x36: {  	p1 =	seq.s32 s10, $0x1;
	s10 =	sld [smem:$0x3FBA];
	_ =	sdelay $0x3  }
0x37: {  	[smem:$0x3FBA] =	sst s10  }
0x38: {  	s10 =	sld [smem:$0x3FBB]  }
0x39: {  	_ = 	snop;
	(pc) =	sbr.ind lr, $3  }
0x3a: {  	_ = 	snop  }
0x3b: {  	_ = 	snop  }
0x3c: {  	p2 =	seq.s32 s10, $0x1;
	s10 =	sld [smem:$0x3FBA]  }
0x3d: {  	_ =	shalt  }
0x3e: {  	_ =	shalt  }
0x3f: {  	_ =	shalt  }
0x40: {  	_ =	shalt  }
0x41: {  	_ =	shalt  }
0x42: {  	_ =	shalt  }
0x43: {  	_ =	shalt  }
0x44: {  	_ =	shalt  }
0x45: {  	_ =	shalt  }
0x46: {  	_ =	shalt  }
0x47: {  	_ =	shalt  }
0x48: {  	_ =	shalt  }
0x49: {  	_ =	shalt  }
0x4a: {  	_ =	shalt  }
0x4b: {  	_ =	shalt  }
0x4c: {  	_ =	shalt  }
0x4d: {  	_ =	shalt  }
0x4e: {  	_ =	shalt  }
0x4f: {  	_ =	shalt  }
0x50: {  	_ =	shalt  }
0x51: {  	_ =	shalt  }
0x52: {  	_ =	shalt  }
0x53: {  	_ =	shalt  }
0x54: {  	_ =	shalt  }
0x55: {  	_ =	shalt  }
0x56: {  	_ =	shalt  }
0x57: {  	_ =	shalt  }
0x58: {  	_ =	shalt  }
0x59: {  	_ =	shalt  }
0x5a: {  	_ =	shalt  }
0x5b: {  	_ =	shalt  }
0x5c: {  	_ =	shalt  }
0x5d: {  	_ =	shalt  }
0x5e: {  	_ =	shalt  }
0x5f: {  	_ =	shalt  }
0x60: {  	_ =	shalt  }
0x61: {  	_ =	shalt  }
0x62: {  	_ =	shalt  }
0x63: {  	_ =	shalt  }
0x64: {  	_ =	shalt  }
0x65: {  	_ =	shalt  }
0x66: {  	_ =	shalt  }
0x67: {  	_ =	shalt  }
0x68: {  	_ =	shalt  }
0x69: {  	_ =	shalt  }
0x6a: {  	_ =	shalt  }
0x6b: {  	_ =	shalt  }
0x6c: {  	_ =	shalt  }
0x6d: {  	_ =	shalt  }
0x6e: {  	_ =	shalt  }
0x6f: {  	_ =	shalt  }
0x70: {  	_ =	shalt  }
0x71: {  	_ =	shalt  }
0x72: {  	_ =	shalt  }
0x73: {  	_ =	shalt  }
0x74: {  	_ =	shalt  }
0x75: {  	_ =	shalt  }
0x76: {  	_ =	shalt  }
0x77: {  	_ =	shalt  }
0x78: {  	_ =	shalt  }
0x79: {  	_ =	shalt  }
0x7a: {  	_ =	shalt  }
0x7b: {  	_ =	shalt  }
0x7c: {  	_ =	shalt  }
0x7d: {  	_ =	shalt  }
0x7e: {  	_ =	shalt  }
0x7f: {  	_ =	shalt  }
0x80: {  	_ =	shalt  }
0x81: {  	_ =	shalt  }
0x82: {  	_ =	shalt  }
0x83: {  	_ =	shalt  }
0x84: {  	_ =	shalt  }
0x85: {  	_ =	shalt  }
0x86: {  	_ =	shalt  }
0x87: {  	_ =	shalt  }
.Lfunc_end0:
.L_simem_size_0:
called_computation_lowered:
.L_overlay_start_0:
0x88: {  	s2 =	sld [smem:$0x3FD9]  }
0x89: {  	s3 =	sld [smem:$0x3FFE];
	_ =	sdelay $0x1  }
0x8a: {  	s1 =	srdreg.scid  }
0x8b: {  	s0 =	sand.u32 $0x1, s1  }
0x8c: {  	s17 =	sshll.u32 s0, $0xA;
	s2 =	sadd.s32 s3, s2  }
0x8d: {  	s2 =	sadd.s32 s2, s17  }
0x8e: {  	[smem:$0x3FC6] =	sst s2  }
0x8f: {  	_ = 	snop  }
0x90: {  	s2 =	sld [smem:$0x3FC9]  }
0x91: {  	s18 =	sld [smem:$0x3FD0];
	(tm) =	ssettm $0x1  }
0x92: {  	s4 =	sld [smem:$0x3FFB];
	_ =	sdelay $0x3  }
0x93: {  	_ =	strace s4  }
0x94: {  	s4 =	sld [smem:$0x3FFC];
	_ =	sdelay $0x3  }
0x95: {  	_ =	strace s4  }
0x96: {  	s4 =	sld [smem:$0x3FFD];
	_ =	sdelay $0x3  }
0x97: {  	_ =	strace s4  }
0x98: {  	_ =	strace $0x8FFFFFFF  }
0x99: {  	s19 =	sld [smem:$0x3FDB];
	_ =	sdelay $0x1  }
0x9a: {  	s5 =	simm.s32 $_scs_section_size  }
0x9b: {  	s6 =	simm.s32 $_size__tile_overlayer_lowered;
	s7 =	simm.s32 $_tile_overlayer_lowered  }
0x9c: {  	s22 =	simm.s32 $0x1BFF;
	s21 =	sshll.u32 s7, $0x1;
	s4 =	sadd.s32 s5, s19  }
0x9d: {  	s8 =	simm.s32 $0x0;
	s20 =	sshll.u32 s6, $0x1;
	s6 =	sadd.s32 s21, s4  }
0x9e: {  	[timem:s8], [sflag:s22] =	dma.local [hbm:s6], s20  }
0x9f: {  	_ =	swait.ge [sflag:s22], s20  }
0xa0: {  	s5 =	ssub.s32 $0x0, s20;
	[sflag:s22] =	ssyncset.done $0x0  }
0xa1: {  	[sflag:s22] =	ssyncadd.s32 s5;
	_ =	sdelay $0x1  }
0xa2: {  	s23 =	simm.s32 $0x1B8B  }
0xa3: {  	_ =	swait.ge [sflag:s23], $0x1  }
0xa4: {  	[sflag:s23] =	ssyncset.done $0x0  }
0xa5: {  	s25 =	simm.s32 $0x1B8E;
	s24 =	sld [smem:$0x3FFE];
	[sflag:s23] =	ssyncadd.s32 $0xFFFFFFFF  }
0xa6: {  	s26 =	simm.s32 $execute0_lowered;
	[smem:$0x3FD2] =	sst s25  }
0xa7: {  	s6 =	sshll.u32 s26, $0x1;
	_ =	strace $0x80000046;
	[dreg:$0x1] =	wrdreg $0xFFFFFFFF  }
0xa8: {  	s28 =	simm.s32 $_size_execute0_lowered;
	s4 =	sadd.s32 s4, s6;
	[dreg:$0x0] =	wrdreg $0x0  }
0xa9: {  	s6 =	sshll.u32 s28, $0x1;
	[dreg:$0x2] =	wrdreg s4  }
0xaa: {  	[dreg:$0x3] =	wrdreg s6  }
0xab: {  	[dreg:$0x4] =	wrdreg $0xC0  }
0xac: {  	_ =	task [dreg:s8], $0x5FFFF  }
0xad: {  	[dreg:$0x1] =	wrdreg $0xFFFFFFFF  }
0xae: {  	[dreg:$0x0] =	wrdreg $0x60  }
0xaf: {  	[dreg:$0x2] =	wrdreg s2  }
0xb0: {  	[dreg:$0x3] =	wrdreg s24  }
0xb1: {  	[dreg:$0x4] =	wrdreg s18  }
0xb2: {  	[dreg:$0x5] =	wrdreg $0x136000  }
0xb3: {  	[dreg:$0x6] =	wrdreg $0x9  }
0xb4: {  	_ =	task.clear_ibuf [dreg:s8], $0x7FFFF;
	_ =	strace $0x90000046  }
0xb5: {  	s29 =	simm.s32 $0x9;
	_ =	strace $0x80000048  }
0xb6: {  	_ =	swait.ge [sflag:s29], $0x1  }
0xb7: {  	[sflag:s29] =	ssyncadd.s32 $0xFFFFFFFF  }
0xb8: {  	_ =	strace $0x90000048  }
0xb9: {  	_ =	sfence  }
0xba: {  	s30 =	sld [smem:$0x0];
	_ =	sdelay $0x2  }
0xbb: {  	s31 =	sshll.u32 s1, $0xD;
	s1 =	sshrl.u32 s1, $0x2  }
0xbc: {  	s3 =	sand.u32 $0x4000, s31;
	s1 =	sadd.s32 s1, s30  }
0xbd: {  	s0 =	sor.u32 s3, s0;
	s1 =	sshll.u32 s1, $0x11  }
0xbe: {  	s0 =	sor.u32 s1, s0  }
0xbf: {  	s0 =	sadd.s32 $0x8F2B, s0  }
0xc0: {  	[sflag:s0] =	ssyncadd.remote.s32 $0x1  }
0xc1: {  	_ =	sfence.sel $0xFFFF  }
0xc2: {  	[dreg:$0x0] =	wrdreg $0xFFFFFFFF;
	(pc) =	sbr.abs _section_cstart, $3  }
0xc3: {  	[dreg:$0x1] =	wrdreg $0xFFFFFFFF  }
0xc4: {  	_ =	task.clear_ibuf [dreg:s8], $0x2FFFF;
	_ =	strace $0x9FFFFFFF  }
0xc5: {  	(tm) =	ssettm $0x7FFFFFFF  }
tec
execute0_lowered:
.L_overlay_start_1:
0x0: {  	(tag) =	ssettag $0x1  }
0x1: {  	s0 =	rddreg [dreg:$0x0]  }
0x2: {  	s2 =	rddreg [dreg:$0x1]  }
0x3: {  	s3 =	srdreg.scid;
	s19 =	stileid.u32  }
0x4: {  	s1 =	rddreg [dreg:$0x2];
	s3 =	sand.u32 $0x1, s3;
	s16 =	smul.u32 $0x64000, s19  }
0x5: {  	s5 =	rddreg [dreg:$0x3];
	s6 =	sshll.u32 s19, $0x1;
	s20 =	smul.u32 $0xC800, s3  }
0x6: {  	s6 =	sor.u32 s3, s6;
	s8 =	ssub.s32 $0x2, s3;
	s3 =	smul.u32 $0x30700, s3  }
0x7: {  	s4 =	simm.s32 $0x0;
	s31 =	simm.s32 $0x1B00;
	s7 =	smul.u32 $0x1B00, s6  }
0x8: {  	[smem:$0x7FF] =	sst s4;
	s12 =	sadd.s32 $0x6200, s2;
	s11 =	smul.u32 $0xD8000, s6  }
0x9: {  	p2 =	sgt.u32 s19, $0x3;
	p1 =	sne.s32 s19, $0x0;
	s18 =	smul.u32 $0x183800, s6  }
0xa: {  	_ =	strace $0x80000047;
	s9 =	sshrl.u32 s8, $0x1;
	s22 =	smul.u32 $0x50, s6  }
0xb: {  	s8 =	ssub.s32 s8, s9;
	s23 =	sshrl.u32 s20, $0x3;
	s10 =	sadd.s32 $0xFFFFAC00, s7  }
0xc: {  	s14 =	sshrl.u32 s11, $0x3;
	s7 =	sadd.s32 $0x132A0, s7;
	s13 =	sshrl.u32 s10, $0x3  }
0xd: {  	s11 =	sshrl.u32 s16, $0x2;
	s16 =	smul.u32 $0x84000, s6;
	s10 =	sadd.s32 s12, s13  }
0xe: {  	s15 =	sadd.s32 s1, s14;
	s9 =	sadd.s32 s2, s13;
	[dreg:$0x5] =	wrdreg s10  }
0xf: {  	s17 =	sshll.u32 s7, $0x4;
	s13 =	sadd.s32 $0x14CA00, s15;
	[dreg:$0x6] =	wrdreg s9  }
0x10: {  	s14 =	smul.u32 $0x1080, s6;
	s25 =	sadd.s32 s11, s5;
	[dreg:$0x7] =	wrdreg s13  }
0x11: {  	s9 =	sadd.s32 s1, s17;
	s10 =	sadd.s32 $0x14D200, s15;
	s15 =	smul.u32 $0x30700, s6  }
0x12: {  	s13 =	sshrl.u32 s18, $0x3;
	s24 =	sshrl.u32 s14, $0x3;
	s17 =	smul.u32 $0x60E00, s19  }
0x13: {  	s6 =	smul.u32 $0x2800, s6;
	[dreg:$0x8] =	wrdreg s10;
	s21 =	sadd.s32 s1, s13  }
0x14: {  	s13 =	sshrl.u32 s22, $0x3;
	s26 =	sadd.s32 s12, s24;
	s10 =	sadd.s32 s2, s24  }
0x15: {  	s5 =	sadd.s32 $0x2EE00, s21;
	[dreg:$0xa] =	wrdreg s26;
	s13 =	sadd.s32 $0x6158, s13  }
0x16: {  	[dreg:$0xb] =	wrdreg s10;
	s29 =	sadd.s32 s17, s0;
	s30 =	sadd.s32 s17, s1  }
0x17: {  	s21 =	sadd.s32 $0x186A0, s14;
	s26 =	smax.u32 s8, $0x1;
	s20 =	sadd.s32 s0, s15  }
0x18: {  	s24 =	sadd.s32 s1, s15;
	s8 =	simm.s32 $0x4;
	[dreg:$0x9] =	wrdreg s5  }
0x19: {  	s28 =	sadd.s32 s12, s13;
	s2 =	sadd.s32 s2, s13;
	s17 =	sadd.s32 s3, s29  }
0x1a: {  	s18 =	sadd.s32 s3, s30;
	s3 =	sand.u32 $0xE, s19;
	s5 =	sadd.s32 $0x183800, s23  }
0x1b: {  	s12 =	sshrl.u32 s16, $0x3;
	s13 =	sshrl.u32 s6, $0x3;
	s14 =	sshll.u32 s21, $0x4  }
0x1c: {  	s23 =	sadd.s32 $0x1900, s15;
	[dreg:$0x13] =	wrdreg s24;
	s29 =	sadd.s32 $0xC800, s25  }
0x1d: {  	[dreg:$0x12] =	wrdreg s20;
	s30 =	sadd.s32 $0x3200, s20;
	s6 =	simm.s32 $0x2  }
0x1e: {  	s15 =	simm.s32 $0x7600;
	s19 =	simm.s32 $0x5;
	[dreg:$0xc] =	wrdreg s28  }
0x1f: {  	s20 =	simm.s32 $0x0;
	[dreg:$0xd] =	wrdreg s2;
	p0 =	sne.s32 s3, $0x2  }
0x20: {  	s10 =	sadd.s32 s0, s5;
	s11 =	sadd.s32 s1, s5;
	[dreg:$0x16] =	wrdreg s29  }
0x21: {  	s22 =	sadd.s32 s1, s14;
	s2 =	sadd.s32 s1, s12;
	[dreg:$0x17] =	wrdreg s30  }
0x22: {  	s3 =	sadd.s32 s1, s13;
	s28 =	sadd.s32 s0, s23;
	[dreg:$0xe] =	wrdreg s10  }
.Ltmp0:
0x23: {  	s5 =	simm.s32 $0x3;
	[dreg:$0xf] =	wrdreg s11;
	(pc) =	sbr.rel .LBB2_1-.Ltmp0, $4  }
0x24: {  	s12 =	simm.s32 $0x80;
	s2 =	sadd.s32 $0x196A00, s2;
	[dreg:$0x14] =	wrdreg s28  }
0x25: {  	s13 =	simm.s32 $0x3600;
	s16 =	sadd.s32 $0x491600, s3;
	[dreg:$0x10] =	wrdreg s2  }
0x26: {  	s14 =	simm.s32 $0xB600;
	[dreg:$0x11] =	wrdreg s16;
	s2 =	sadd.s32 s1, s23  }
0x27: {  	s3 =	simm.s32 $0x1;
	s16 =	simm.s32 $0xF600;
	[dreg:$0x15] =	wrdreg s2  }
.LBB2_28:
0x28: {  	s20 =	sadd.s32 $0x1, s20  }
0x29: {  	p3 =	sne.s32 s20, s26  }
.Ltmp1:
0x2a: {  	_ = 	snop;
	(pc) =	sbr.rel @!p3 .LBB2_29-.Ltmp1, $1  }
0x2b: {  	_ =	sdelay $0x3  }
.LBB2_1:
.Ltmp2:
0x2c: {  	(pc) =	sbr.rel @p2 .LBB2_13-.Ltmp2, $1  }
0x2d: {  	_ =	sdelay $0x3  }
0x2e: {  	s2 =	stileid.u32  }
0x2f: {  	s2 =	sshll.u32 s2, $0x6  }
0x30: {  	s23 =	sshrl.u32 s25, $0x3;
	s11 =	rddreg [dreg:$0x12];
	s24 =	sor.u32 $0x1C01, s2  }
0x31: {  	[spmem:s23], [sflag:s24] =	dma.local [hbm:s11], $0x1900  }
0x32: {  	s19 =	smov.u32 s26;
	s11 =	rddreg [dreg:$0x16]  }
0x33: {  	s29 =	sor.u32 $0x1C02, s2;
	s26 =	rddreg [dreg:$0x14];
	s28 =	sshrl.u32 s11, $0x3  }
0x34: {  	[spmem:s28], [sflag:s29] =	dma.local [hbm:s26], $0x1900  }
0x35: {  	_ =	swait.ge [sflag:s3], $0x1900  }
0x36: {  	s10 =	smov.u32 s25;
	[sflag:s3] =	ssyncset.done $0x0  }
0x37: {  	s30 =	sor.u32 $0x1C03, s2;
	s25 =	rddreg [dreg:$0x13];
	[sflag:s3] =	ssyncadd.s32 $0xFFFFE700  }
0x38: {  	[hbm:s25], [sflag:s30] =	dma.local [spmem:s23], $0x1900  }
0x39: {  	_ =	swait.ge [sflag:s5], $0x1900  }
0x3a: {  	[sflag:s5] =	ssyncset.done $0x0  }
0x3b: {  	s26 =	rddreg [dreg:$0x17];
	[sflag:s5] =	ssyncadd.s32 $0xFFFFE700  }
0x3c: {  	[spmem:s23], [sflag:s24] =	dma.local [hbm:s26], $0x1900  }
0x3d: {  	_ =	swait.ge [sflag:s6], $0x1900  }
0x3e: {  	[sflag:s6] =	ssyncset.done $0x0  }
0x3f: {  	s31 =	sor.u32 $0x1C04, s2;
	s11 =	rddreg [dreg:$0x15];
	[sflag:s6] =	ssyncadd.s32 $0xFFFFE700  }
0x40: {  	[hbm:s11], [sflag:s31] =	dma.local [spmem:s28], $0x1900  }
0x41: {  	_ =	swait.ge [sflag:s8], $0x1900  }
0x42: {  	s2 =	sadd.s32 $0x0, s17;
	[sflag:s8] =	ssyncset.done $0x0  }
0x43: {  	s25 =	sadd.s32 $0x4B00, s2;
	[sflag:s8] =	ssyncadd.s32 $0xFFFFE700  }
0x44: {  	[spmem:s28], [sflag:s29] =	dma.local [hbm:s25], $0x1900  }
0x45: {  	_ =	swait.ge [sflag:s3], $0x1900  }
0x46: {  	s26 =	sadd.s32 $0x0, s18;
	[sflag:s3] =	ssyncset.done $0x0  }
0x47: {  	s11 =	sadd.s32 $0x3200, s26;
	[sflag:s3] =	ssyncadd.s32 $0xFFFFE700  }
0x48: {  	[hbm:s11], [sflag:s30] =	dma.local [spmem:s23], $0x1900  }
0x49: {  	_ =	swait.ge [sflag:s5], $0x1900  }
0x4a: {  	[sflag:s5] =	ssyncset.done $0x0  }
0x4b: {  	s2 =	sadd.s32 $0x6400, s2;
	[sflag:s5] =	ssyncadd.s32 $0xFFFFE700  }
0x4c: {  	[spmem:s23], [sflag:s24] =	dma.local [hbm:s2], $0x1900  }
0x4d: {  	_ =	swait.ge [sflag:s6], $0x1900  }
0x4e: {  	[sflag:s6] =	ssyncset.done $0x0  }
0x4f: {  	s26 =	sadd.s32 $0x4B00, s26;
	s2 =	simm.s32 $0x3200;
	[sflag:s6] =	ssyncadd.s32 $0xFFFFE700  }
.LBB2_3:
0x50: {  	[hbm:s26], [sflag:s31] =	dma.local [spmem:s28], $0x1900  }
0x51: {  	s25 =	smov.u32 s2  }
0x52: {  	p3 =	sne.s32 s2, $0x28A00;
	s2 =	sadd.s32 $0x3200, s2;
	_ =	swait.ge [sflag:s8], $0x1900  }
0x53: {  	s26 =	sadd.s32 s25, s17;
	[sflag:s8] =	ssyncset.done $0x0  }
0x54: {  	s11 =	sadd.s32 $0x4B00, s26;
	[sflag:s8] =	ssyncadd.s32 $0xFFFFE700  }
0x55: {  	[spmem:s28], [sflag:s29] =	dma.local [hbm:s11], $0x1900  }
0x56: {  	_ =	swait.ge [sflag:s3], $0x1900  }
0x57: {  	s11 =	sadd.s32 s25, s18;
	[sflag:s3] =	ssyncset.done $0x0  }
0x58: {  	s25 =	sadd.s32 $0x3200, s11;
	[sflag:s3] =	ssyncadd.s32 $0xFFFFE700  }
0x59: {  	[hbm:s25], [sflag:s30] =	dma.local [spmem:s23], $0x1900  }
0x5a: {  	_ =	swait.ge [sflag:s5], $0x1900  }
0x5b: {  	[sflag:s5] =	ssyncset.done $0x0  }
.Ltmp3:
0x5c: {  	s25 =	sadd.s32 $0x6400, s26;
	[sflag:s5] =	ssyncadd.s32 $0xFFFFE700;
	(pc) =	sbr.rel @p3 .LBB2_3-.Ltmp3, $4  }
0x5d: {  	[spmem:s23], [sflag:s24] =	dma.local [hbm:s25], $0x1900  }
0x5e: {  	_ =	swait.ge [sflag:s6], $0x1900  }
0x5f: {  	[sflag:s6] =	ssyncset.done $0x0  }
0x60: {  	s26 =	sadd.s32 $0x4B00, s11;
	[sflag:s6] =	ssyncadd.s32 $0xFFFFE700  }
0x61: {  	[hbm:s26], [sflag:s31] =	dma.local [spmem:s28], $0x1900  }
0x62: {  	_ =	swait.ge [sflag:s3], $0x1900  }
0x63: {  	[sflag:s3] =	ssyncset.done $0x0  }
0x64: {  	s2 =	rddreg [dreg:$0x9];
	[sflag:s3] =	ssyncadd.s32 $0xFFFFE700  }
0x65: {  	[hbm:s2], [sflag:s30] =	dma.local [spmem:s23], $0x1900  }
0x66: {  	_ =	swait.ge [sflag:s8], $0x1900  }
0x67: {  	[sflag:s8] =	ssyncset.done $0x0  }
0x68: {  	[sflag:s8] =	ssyncadd.s32 $0xFFFFE700  }
0x69: {  	s25 =	smov.u32 s10;
	_ =	swait.ge [sflag:s5], $0x1900  }
0x6a: {  	s11 =	simm.s32 @!p1 $0x1C05;
	s2 =	sshrl.u32 @!p1 s10, $0x3;
	[sflag:s5] =	ssyncset.done $0x0  }
0x6b: {  	s23 =	simm.s32 @!p1 $0x5;
	s10 =	rddreg [dreg:$0xe];
	[sflag:s5] =	ssyncadd.s32 $0xFFFFE700  }
0x6c: {  	[spmem:s2], [sflag:s11] =	dma.local @!p1 [hbm:s10], $0x1900  }
0x6d: {  	_ =	swait.ge @!p1 [sflag:s23], $0x1900  }
0x6e: {  	[sflag:s23] =	ssyncset.done @!p1 $0x0  }
0x6f: {  	s10 =	rddreg [dreg:$0xf];
	[sflag:s23] =	ssyncadd.s32 @!p1 $0xFFFFE700  }
0x70: {  	[hbm:s10], [sflag:s11] =	dma.local @!p1 [spmem:s2], $0x1900  }
0x71: {  	_ =	swait.ge @!p1 [sflag:s23], $0x1900  }
0x72: {  	[sflag:s23] =	ssyncset.done @!p1 $0x0  }
0x73: {  	s29 =	rddreg [dreg:$0xa];
	[sflag:s23] =	ssyncadd.s32 @!p1 $0xFFFFE700;
	s23 =	simm.s32 $0x0  }
0x74: {  	[tilespmem:s23], [sflag:$0x1] =	stream.linear.gather [hbm4b:s29+s23], $0x1080, $0x38;
	[tilespmem:$0x19A00] =	vst v63  }
0x75: {  	s31 =	simm.s32 $0x1B00;
	s30 =	rddreg [dreg:$0xb]  }
0x76: {  	[tilespmem:s31], [sflag:$0x2] =	stream.linear.gather [hbm4b:s30+s23], $0x1080, $0x38;
	[tilespmem:$0x19A00] =	vst v63  }
0x77: {  	_ =	swait.ge [sflag:s3], $0x1080  }
0x78: {  	[sflag:s3] =	ssyncset.done $0x0  }
0x79: {  	[sflag:s3] =	ssyncadd.s32 $0xFFFFEF80  }
0x7a: {  	_ =	swait.ge [sflag:s6], $0x1080  }
0x7b: {  	[sflag:s6] =	ssyncset.done $0x0  }
0x7c: {  	[sflag:s6] =	ssyncadd.s32 $0xFFFFEF80  }
0x7d: {  	[tilespmem:s13], [sflag:$0x1] =	stream.indirect.gather [hbm4b:s0+s12], $0x80, s23, s12, $0xb8;
	[tilespmem:$0x19A00] =	vst v63  }
0x7e: {  	s26 =	smov.u32 s19;
	s19 =	simm.s32 $0x5  }
0x7f: {  	[tilespmem:s14], [sflag:$0x1] =	stream.indirect.gather [hbm4b:s0+s12], $0x80, s31, s12, $0xb8;
	[tilespmem:$0x19A00] =	vst v63  }
.LBB2_5:
0x80: {  	p3 =	seq.s32 s23, $0x0  }
0x81: {  	s2 =	simm.s32 @!p3 $0x4  }
0x82: {  	_ =	swait.ge @!p3 [sflag:s2], $0x4000  }
0x83: {  	s28 =	sshll.u32 s23, $0x8;
	[sflag:s2] =	ssyncset.done @!p3 $0x0  }
0x84: {  	s24 =	sor.u32 $0x80, s28;
	[sflag:s2] =	ssyncadd.s32 @!p3 $0xFFFFC000  }
0x85: {  	[tilespmem:s15], [sflag:$0x2] =	stream.indirect.gather [hbm4b:s0+s12], $0x80, s24, s12, $0xb8;
	[tilespmem:$0x19A00] =	vst v63  }
0x86: {  	s11 =	sadd.s32 $0x1B80, s28  }
0x87: {  	[tilespmem:s16], [sflag:$0x2] =	stream.indirect.gather [hbm4b:s0+s12], $0x80, s11, s12, $0xb8;
	[tilespmem:$0x19A00] =	vst v63  }
0x88: {  	_ =	swait.ge [sflag:s3], $0x4000  }
0x89: {  	[sflag:s3] =	ssyncset.done $0x0  }
0x8a: {  	[sflag:s3] =	ssyncadd.s32 $0xFFFFC000  }
0x8b: {  	_ =	swait.ge [sflag:s3], $0x4000  }
0x8c: {  	[sflag:s3] =	ssyncset.done $0x0  }
0x8d: {  	s29 =	simm.s32 $0x0;
	[sflag:s3] =	ssyncadd.s32 $0xFFFFC000  }
0x8e: {  	v6 =	vld [tilespmem:s29+$0xB600]  }
0x8f: {  	v11 =	vld [tilespmem:s29+$0xB610]  }
0x90: {  	v5 =	vld [tilespmem:s29+$0xB620]  }
0x91: {  	v4 =	vld [tilespmem:s29+$0xB630]  }
0x92: {  	v3 =	vld [tilespmem:s29+$0xB640]  }
0x93: {  	v2 =	vld [tilespmem:s29+$0xB650]  }
0x94: {  	v1 =	vld [tilespmem:s29+$0xB660]  }
0x95: {  	v0 =	vld [tilespmem:s29+$0xB670]  }
0x96: {  	v12 =	vld [tilespmem:s29+$0x3600]  }
0x97: {  	v13 =	vld [tilespmem:s29+$0x3610]  }
0x98: {  	v10 =	vld [tilespmem:s29+$0x3620]  }
0x99: {  	v9 =	vld [tilespmem:s29+$0x3630]  }
0x9a: {  	v8 =	vld [tilespmem:s29+$0x3640]  }
0x9b: {  	v7 =	vld [tilespmem:s29+$0x3650];
	v12 =	vadd.f32 v6, v12  }
0x9c: {  	s30 =	simm.s32 $0x200;
	v11 =	vadd.f32 v11, v13;
	v6 =	vld [tilespmem:s29+$0x3660]  }
.LBB2_6:
0x9d: {  	s2 =	sshra.s32 s30, $0x2;
	p3 =	sne.s32 s30, $0xFE00;
	v12 =	vmul.f32 $5.000000000e-01, v12;
	v5 =	vadd.f32 v5, v10;
	v10 =	vld [tilespmem:s29+$0x3670]  }
0x9e: {  	v13 =	vld [tilespmem:s2+$0xB600];
	v11 =	vmul.f32 $5.000000000e-01, v11;
	v4 =	vadd.f32 v4, v9  }
0x9f: {  	v14 =	vld [tilespmem:s2+$0xB610];
	[tilespmem:s29+$0x3600] =	vst v12;
	v9 =	vmul.f32 $5.000000000e-01, v5;
	v3 =	vadd.f32 v3, v8  }
0xa0: {  	v5 =	vld [tilespmem:s2+$0xB620];
	[tilespmem:s29+$0x3610] =	vst v11;
	v8 =	vmul.f32 $5.000000000e-01, v4;
	v2 =	vadd.f32 v2, v7  }
0xa1: {  	v4 =	vld [tilespmem:s2+$0xB630];
	[tilespmem:s29+$0x3620] =	vst v9;
	v7 =	vmul.f32 $5.000000000e-01, v3;
	v1 =	vadd.f32 v1, v6  }
0xa2: {  	v3 =	vld [tilespmem:s2+$0xB640];
	[tilespmem:s29+$0x3630] =	vst v8;
	v6 =	vmul.f32 $5.000000000e-01, v2;
	v0 =	vadd.f32 v0, v10  }
0xa3: {  	v2 =	vld [tilespmem:s2+$0xB650];
	[tilespmem:s29+$0x3640] =	vst v7;
	v7 =	vmul.f32 $5.000000000e-01, v1  }
0xa4: {  	v1 =	vld [tilespmem:s2+$0xB660];
	[tilespmem:s29+$0x3650] =	vst v6;
	v6 =	vmul.f32 $5.000000000e-01, v0  }
0xa5: {  	v0 =	vld [tilespmem:s2+$0xB670];
	[tilespmem:s29+$0x3660] =	vst v7  }
0xa6: {  	v7 =	vld [tilespmem:s2+$0x3600];
	[tilespmem:s29+$0x3670] =	vst v6;
	s29 =	smov.u32 s2  }
0xa7: {  	v6 =	vld [tilespmem:s29+$0x3610]  }
.Ltmp4:
0xa8: {  	v10 =	vld [tilespmem:s29+$0x3620];
	(pc) =	sbr.rel @p3 .LBB2_6-.Ltmp4, $4  }
0xa9: {  	v9 =	vld [tilespmem:s29+$0x3630]  }
0xaa: {  	v8 =	vld [tilespmem:s29+$0x3640]  }
0xab: {  	v12 =	vadd.f32 v13, v7;
	v7 =	vld [tilespmem:s29+$0x3650]  }
0xac: {  	s30 =	sadd.s32 $0x200, s30;
	v11 =	vadd.f32 v14, v6;
	v6 =	vld [tilespmem:s29+$0x3660]  }
0xad: {  	v12 =	vmul.f32 $5.000000000e-01, v12;
	v5 =	vadd.f32 v5, v10;
	v10 =	vld [tilespmem:s29+$0x3670]  }
0xae: {  	v11 =	vmul.f32 $5.000000000e-01, v11;
	v4 =	vadd.f32 v4, v9  }
0xaf: {  	[tilespmem:s29+$0x3600] =	vst v12;
	v5 =	vmul.f32 $5.000000000e-01, v5;
	v3 =	vadd.f32 v3, v8  }
0xb0: {  	[tilespmem:s29+$0x3610] =	vst v11;
	v4 =	vmul.f32 $5.000000000e-01, v4;
	v2 =	vadd.f32 v2, v7  }
0xb1: {  	[tilespmem:s29+$0x3620] =	vst v5;
	v3 =	vmul.f32 $5.000000000e-01, v3;
	v1 =	vadd.f32 v1, v6  }
0xb2: {  	[tilespmem:s29+$0x3630] =	vst v4;
	v2 =	vmul.f32 $5.000000000e-01, v2;
	v0 =	vadd.f32 v0, v10  }
0xb3: {  	[tilespmem:s29+$0x3640] =	vst v3;
	v1 =	vmul.f32 $5.000000000e-01, v1  }
0xb4: {  	[tilespmem:s29+$0x3650] =	vst v2;
	v0 =	vmul.f32 $5.000000000e-01, v0  }
0xb5: {  	s2 =	sshll.u32 s23, $0xC;
	[tilespmem:s29+$0x3660] =	vst v1  }
0xb6: {  	s11 =	simm.s32 $0x0;
	s2 =	sadd.s32 s2, s22;
	[tilespmem:s29+$0x3670] =	vst v0  }
0xb7: {  	[hbm4b:s2+s11] =	stream.linear.scatter [tilespmem:s13], [sflag:$0x3], $0x4000, $0x38;
	[tilespmem:$0x19A00] =	vst v63  }
0xb8: {  	_ =	swait.ge [sflag:s5], $0x4000  }
0xb9: {  	[sflag:s5] =	ssyncset.done $0x0  }
0xba: {  	s11 =	sadd.s32 $0x100, s28;
	[sflag:s5] =	ssyncadd.s32 $0xFFFFC000  }
0xbb: {  	[tilespmem:s13], [sflag:$0x1] =	stream.indirect.gather [hbm4b:s0+s12], $0x80, s11, s12, $0xb8;
	[tilespmem:$0x19A00] =	vst v63  }
0xbc: {  	s30 =	sadd.s32 $0x1C00, s28  }
0xbd: {  	[tilespmem:s14], [sflag:$0x1] =	stream.indirect.gather [hbm4b:s0+s12], $0x80, s30, s12, $0xb8;
	[tilespmem:$0x19A00] =	vst v63  }
0xbe: {  	_ =	swait.ge [sflag:s6], $0x4000  }
0xbf: {  	[sflag:s6] =	ssyncset.done $0x0  }
0xc0: {  	[sflag:s6] =	ssyncadd.s32 $0xFFFFC000  }
0xc1: {  	_ =	swait.ge [sflag:s6], $0x4000  }
0xc2: {  	[sflag:s6] =	ssyncset.done $0x0  }
0xc3: {  	s28 =	simm.s32 $0x0;
	[sflag:s6] =	ssyncadd.s32 $0xFFFFC000  }
0xc4: {  	v6 =	vld [tilespmem:s28+$0xF600]  }
0xc5: {  	v11 =	vld [tilespmem:s28+$0xF610]  }
0xc6: {  	v5 =	vld [tilespmem:s28+$0xF620]  }
0xc7: {  	v4 =	vld [tilespmem:s28+$0xF630]  }
0xc8: {  	v3 =	vld [tilespmem:s28+$0xF640]  }
0xc9: {  	v2 =	vld [tilespmem:s28+$0xF650]  }
0xca: {  	v1 =	vld [tilespmem:s28+$0xF660]  }
0xcb: {  	v0 =	vld [tilespmem:s28+$0xF670]  }
0xcc: {  	v12 =	vld [tilespmem:s28+$0x7600]  }
0xcd: {  	v13 =	vld [tilespmem:s28+$0x7610]  }
0xce: {  	v10 =	vld [tilespmem:s28+$0x7620]  }
0xcf: {  	v9 =	vld [tilespmem:s28+$0x7630]  }
0xd0: {  	v8 =	vld [tilespmem:s28+$0x7640]  }
0xd1: {  	v7 =	vld [tilespmem:s28+$0x7650];
	v12 =	vadd.f32 v6, v12  }
0xd2: {  	s29 =	simm.s32 $0x200;
	v11 =	vadd.f32 v11, v13;
	v6 =	vld [tilespmem:s28+$0x7660]  }
.LBB2_8:
0xd3: {  	s2 =	sshra.s32 s29, $0x2;
	p3 =	sne.s32 s29, $0xFE00;
	v12 =	vmul.f32 $5.000000000e-01, v12;
	v5 =	vadd.f32 v5, v10;
	v10 =	vld [tilespmem:s28+$0x7670]  }
0xd4: {  	v13 =	vld [tilespmem:s2+$0xF600];
	v11 =	vmul.f32 $5.000000000e-01, v11;
	v4 =	vadd.f32 v4, v9  }
0xd5: {  	v14 =	vld [tilespmem:s2+$0xF610];
	[tilespmem:s28+$0x7600] =	vst v12;
	v9 =	vmul.f32 $5.000000000e-01, v5;
	v3 =	vadd.f32 v3, v8  }
0xd6: {  	v5 =	vld [tilespmem:s2+$0xF620];
	[tilespmem:s28+$0x7610] =	vst v11;
	v8 =	vmul.f32 $5.000000000e-01, v4;
	v2 =	vadd.f32 v2, v7  }
0xd7: {  	v4 =	vld [tilespmem:s2+$0xF630];
	[tilespmem:s28+$0x7620] =	vst v9;
	v7 =	vmul.f32 $5.000000000e-01, v3;
	v1 =	vadd.f32 v1, v6  }
0xd8: {  	v3 =	vld [tilespmem:s2+$0xF640];
	[tilespmem:s28+$0x7630] =	vst v8;
	v6 =	vmul.f32 $5.000000000e-01, v2;
	v0 =	vadd.f32 v0, v10  }
0xd9: {  	v2 =	vld [tilespmem:s2+$0xF650];
	[tilespmem:s28+$0x7640] =	vst v7;
	v7 =	vmul.f32 $5.000000000e-01, v1  }
0xda: {  	v1 =	vld [tilespmem:s2+$0xF660];
	[tilespmem:s28+$0x7650] =	vst v6;
	v6 =	vmul.f32 $5.000000000e-01, v0  }
0xdb: {  	v0 =	vld [tilespmem:s2+$0xF670];
	[tilespmem:s28+$0x7660] =	vst v7  }
0xdc: {  	v7 =	vld [tilespmem:s2+$0x7600];
	[tilespmem:s28+$0x7670] =	vst v6;
	s28 =	smov.u32 s2  }
0xdd: {  	v6 =	vld [tilespmem:s28+$0x7610]  }
.Ltmp5:
0xde: {  	v10 =	vld [tilespmem:s28+$0x7620];
	(pc) =	sbr.rel @p3 .LBB2_8-.Ltmp5, $4  }
0xdf: {  	v9 =	vld [tilespmem:s28+$0x7630]  }
0xe0: {  	v8 =	vld [tilespmem:s28+$0x7640]  }
0xe1: {  	v12 =	vadd.f32 v13, v7;
	v7 =	vld [tilespmem:s28+$0x7650]  }
0xe2: {  	s29 =	sadd.s32 $0x200, s29;
	v11 =	vadd.f32 v14, v6;
	v6 =	vld [tilespmem:s28+$0x7660]  }
0xe3: {  	v12 =	vmul.f32 $5.000000000e-01, v12;
	v5 =	vadd.f32 v5, v10;
	v63 =	vld [tilespmem:s28+$0x7670]  }
0xe4: {  	v11 =	vmul.f32 $5.000000000e-01, v11;
	v4 =	vadd.f32 v4, v9  }
0xe5: {  	[tilespmem:s28+$0x7600] =	vst v12;
	v5 =	vmul.f32 $5.000000000e-01, v5;
	v3 =	vadd.f32 v3, v8  }
0xe6: {  	[tilespmem:s28+$0x7610] =	vst v11;
	v4 =	vmul.f32 $5.000000000e-01, v4;
	v2 =	vadd.f32 v2, v7  }
0xe7: {  	s23 =	sadd.s32 $0x1, s23;
	[tilespmem:s28+$0x7620] =	vst v5;
	v3 =	vmul.f32 $5.000000000e-01, v3;
	v1 =	vadd.f32 v1, v6  }
0xe8: {  	p3 =	sne.s32 s23, $0x10;
	[tilespmem:s28+$0x7630] =	vst v4;
	v2 =	vmul.f32 $5.000000000e-01, v2;
	v0 =	vadd.f32 v0, v63  }
.Ltmp6:
0xe9: {  	[tilespmem:s28+$0x7640] =	vst v3;
	v1 =	vmul.f32 $5.000000000e-01, v1;
	(pc) =	sbr.rel @p3 .LBB2_5-.Ltmp6, $4  }
0xea: {  	s2 =	sadd.s32 s21, s24;
	[tilespmem:s28+$0x7650] =	vst v2;
	v0 =	vmul.f32 $5.000000000e-01, v0  }
0xeb: {  	s2 =	sshll.u32 s2, $0x4;
	[tilespmem:s28+$0x7660] =	vst v1  }
0xec: {  	s2 =	sadd.s32 s1, s2;
	[tilespmem:s28+$0x7670] =	vst v0  }
0xed: {  	[hbm4b:s2+s4] =	stream.linear.scatter [tilespmem:s15], [sflag:$0x4], $0x4000, $0x38;
	[tilespmem:$0x19A00] =	vst v63  }
0xee: {  	_ =	swait.ge [sflag:s3], $0x4000  }
0xef: {  	[sflag:s3] =	ssyncset.done $0x0  }
0xf0: {  	[sflag:s3] =	ssyncadd.s32 $0xFFFFC000  }
0xf1: {  	_ =	swait.ge [sflag:s3], $0x4000  }
0xf2: {  	[sflag:s3] =	ssyncset.done $0x0  }
0xf3: {  	s23 =	simm.s32 $0x0;
	[sflag:s3] =	ssyncadd.s32 $0xFFFFC000  }
0xf4: {  	v6 =	vld [tilespmem:s23+$0xB600]  }
0xf5: {  	v11 =	vld [tilespmem:s23+$0xB610]  }
0xf6: {  	v5 =	vld [tilespmem:s23+$0xB620]  }
0xf7: {  	v4 =	vld [tilespmem:s23+$0xB630]  }
0xf8: {  	v3 =	vld [tilespmem:s23+$0xB640]  }
0xf9: {  	v2 =	vld [tilespmem:s23+$0xB650]  }
0xfa: {  	v1 =	vld [tilespmem:s23+$0xB660]  }
0xfb: {  	v0 =	vld [tilespmem:s23+$0xB670]  }
0xfc: {  	v12 =	vld [tilespmem:s23+$0x3600]  }
0xfd: {  	v13 =	vld [tilespmem:s23+$0x3610]  }
0xfe: {  	v10 =	vld [tilespmem:s23+$0x3620]  }
0xff: {  	v9 =	vld [tilespmem:s23+$0x3630]  }
0x100: {  	v8 =	vld [tilespmem:s23+$0x3640]  }
0x101: {  	v7 =	vld [tilespmem:s23+$0x3650];
	v12 =	vadd.f32 v6, v12  }
0x102: {  	s24 =	simm.s32 $0x200;
	v11 =	vadd.f32 v11, v13;
	v6 =	vld [tilespmem:s23+$0x3660]  }
.LBB2_11:
0x103: {  	s2 =	sshra.s32 s24, $0x2;
	p3 =	sne.s32 s24, $0xFE00;
	v12 =	vmul.f32 $5.000000000e-01, v12;
	v5 =	vadd.f32 v5, v10;
	v10 =	vld [tilespmem:s23+$0x3670]  }
0x104: {  	v13 =	vld [tilespmem:s2+$0xB600];
	v11 =	vmul.f32 $5.000000000e-01, v11;
	v4 =	vadd.f32 v4, v9  }
0x105: {  	v14 =	vld [tilespmem:s2+$0xB610];
	[tilespmem:s23+$0x3600] =	vst v12;
	v9 =	vmul.f32 $5.000000000e-01, v5;
	v3 =	vadd.f32 v3, v8  }
0x106: {  	v5 =	vld [tilespmem:s2+$0xB620];
	[tilespmem:s23+$0x3610] =	vst v11;
	v8 =	vmul.f32 $5.000000000e-01, v4;
	v2 =	vadd.f32 v2, v7  }
0x107: {  	v4 =	vld [tilespmem:s2+$0xB630];
	[tilespmem:s23+$0x3620] =	vst v9;
	v7 =	vmul.f32 $5.000000000e-01, v3;
	v1 =	vadd.f32 v1, v6  }
0x108: {  	v3 =	vld [tilespmem:s2+$0xB640];
	[tilespmem:s23+$0x3630] =	vst v8;
	v6 =	vmul.f32 $5.000000000e-01, v2;
	v0 =	vadd.f32 v0, v10  }
0x109: {  	v2 =	vld [tilespmem:s2+$0xB650];
	[tilespmem:s23+$0x3640] =	vst v7;
	v7 =	vmul.f32 $5.000000000e-01, v1  }
0x10a: {  	v1 =	vld [tilespmem:s2+$0xB660];
	[tilespmem:s23+$0x3650] =	vst v6;
	v6 =	vmul.f32 $5.000000000e-01, v0  }
0x10b: {  	v0 =	vld [tilespmem:s2+$0xB670];
	[tilespmem:s23+$0x3660] =	vst v7  }
0x10c: {  	v7 =	vld [tilespmem:s2+$0x3600];
	[tilespmem:s23+$0x3670] =	vst v6;
	s23 =	smov.u32 s2  }
0x10d: {  	v6 =	vld [tilespmem:s23+$0x3610]  }
.Ltmp7:
0x10e: {  	v10 =	vld [tilespmem:s23+$0x3620];
	(pc) =	sbr.rel @p3 .LBB2_11-.Ltmp7, $4  }
0x10f: {  	v9 =	vld [tilespmem:s23+$0x3630]  }
0x110: {  	v8 =	vld [tilespmem:s23+$0x3640]  }
0x111: {  	v12 =	vadd.f32 v13, v7;
	v7 =	vld [tilespmem:s23+$0x3650]  }
0x112: {  	s24 =	sadd.s32 $0x200, s24;
	v11 =	vadd.f32 v14, v6;
	v6 =	vld [tilespmem:s23+$0x3660]  }
0x113: {  	v12 =	vmul.f32 $5.000000000e-01, v12;
	v5 =	vadd.f32 v5, v10;
	v63 =	vld [tilespmem:s23+$0x3670]  }
0x114: {  	v11 =	vmul.f32 $5.000000000e-01, v11;
	v4 =	vadd.f32 v4, v9  }
0x115: {  	[tilespmem:s23+$0x3600] =	vst v12;
	v5 =	vmul.f32 $5.000000000e-01, v5;
	v3 =	vadd.f32 v3, v8  }
0x116: {  	[tilespmem:s23+$0x3610] =	vst v11;
	v4 =	vmul.f32 $5.000000000e-01, v4;
	v2 =	vadd.f32 v2, v7  }
0x117: {  	[tilespmem:s23+$0x3620] =	vst v5;
	v3 =	vmul.f32 $5.000000000e-01, v3;
	v1 =	vadd.f32 v1, v6  }
0x118: {  	[tilespmem:s23+$0x3630] =	vst v4;
	v2 =	vmul.f32 $5.000000000e-01, v2;
	v0 =	vadd.f32 v0, v63  }
0x119: {  	[tilespmem:s23+$0x3640] =	vst v3;
	v1 =	vmul.f32 $5.000000000e-01, v1  }
.Ltmp8:
0x11a: {  	[tilespmem:s23+$0x3650] =	vst v2;
	v0 =	vmul.f32 $5.000000000e-01, v0;
	(pc) =	sbr.rel .LBB2_24-.Ltmp8, $4  }
0x11b: {  	[tilespmem:s23+$0x3660] =	vst v1  }
0x11c: {  	s2 =	rddreg [dreg:$0x10];
	[tilespmem:s23+$0x3670] =	vst v0  }
0x11d: {  	[hbm4b:s2+s4] =	stream.linear.scatter [tilespmem:s13], [sflag:$0x3], $0x4000, $0x38;
	[tilespmem:$0x19A00] =	vst v63  }
0x11e: {  	s23 =	simm.s32 $0x4;
	s2 =	simm.s32 $0x3  }
.LBB2_13:
0x11f: {  	s23 =	simm.s32 $0x0;
	s2 =	rddreg [dreg:$0x5]  }
0x120: {  	[tilespmem:s23], [sflag:$0x1] =	stream.linear.gather [hbm4b:s2+s23], $0x1B00, $0x38;
	[tilespmem:$0x19A00] =	vst v63  }
0x121: {  	s30 =	rddreg [dreg:$0x6]  }
0x122: {  	[tilespmem:s31], [sflag:$0x2] =	stream.linear.gather [hbm4b:s30+s23], $0x1B00, $0x38;
	[tilespmem:$0x19A00] =	vst v63  }
0x123: {  	_ =	swait.ge [sflag:s3], $0x1B00  }
0x124: {  	[sflag:s3] =	ssyncset.done $0x0  }
0x125: {  	[sflag:s3] =	ssyncadd.s32 $0xFFFFE500  }
0x126: {  	_ =	swait.ge [sflag:s6], $0x1B00  }
0x127: {  	[sflag:s6] =	ssyncset.done $0x0  }
0x128: {  	[sflag:s6] =	ssyncadd.s32 $0xFFFFE500  }
0x129: {  	[tilespmem:s13], [sflag:$0x1] =	stream.indirect.gather [hbm4b:s0+s12], $0x80, s23, s12, $0xb8;
	[tilespmem:$0x19A00] =	vst v63  }
0x12a: {  	_ = 	snop  }
0x12b: {  	[tilespmem:s14], [sflag:$0x1] =	stream.indirect.gather [hbm4b:s0+s12], $0x80, s31, s12, $0xb8;
	[tilespmem:$0x19A00] =	vst v63  }
.LBB2_14:
0x12c: {  	p3 =	seq.s32 s23, $0x0  }
0x12d: {  	s2 =	simm.s32 @!p3 $0x4  }
0x12e: {  	_ =	swait.ge @!p3 [sflag:s2], $0x4000  }
0x12f: {  	s28 =	sshll.u32 s23, $0x8;
	[sflag:s2] =	ssyncset.done @!p3 $0x0  }
0x130: {  	s24 =	sor.u32 $0x80, s28;
	[sflag:s2] =	ssyncadd.s32 @!p3 $0xFFFFC000  }
0x131: {  	[tilespmem:s15], [sflag:$0x2] =	stream.indirect.gather [hbm4b:s0+s12], $0x80, s24, s12, $0xb8;
	[tilespmem:$0x19A00] =	vst v63  }
0x132: {  	s11 =	sadd.s32 $0x1B80, s28  }
0x133: {  	[tilespmem:s16], [sflag:$0x2] =	stream.indirect.gather [hbm4b:s0+s12], $0x80, s11, s12, $0xb8;
	[tilespmem:$0x19A00] =	vst v63  }
0x134: {  	_ =	swait.ge [sflag:s3], $0x4000  }
0x135: {  	[sflag:s3] =	ssyncset.done $0x0  }
0x136: {  	[sflag:s3] =	ssyncadd.s32 $0xFFFFC000  }
0x137: {  	_ =	swait.ge [sflag:s3], $0x4000  }
0x138: {  	[sflag:s3] =	ssyncset.done $0x0  }
0x139: {  	s29 =	simm.s32 $0x0;
	[sflag:s3] =	ssyncadd.s32 $0xFFFFC000  }
0x13a: {  	v6 =	vld [tilespmem:s29+$0xB600]  }
0x13b: {  	v11 =	vld [tilespmem:s29+$0xB610]  }
0x13c: {  	v5 =	vld [tilespmem:s29+$0xB620]  }
0x13d: {  	v4 =	vld [tilespmem:s29+$0xB630]  }
0x13e: {  	v3 =	vld [tilespmem:s29+$0xB640]  }
0x13f: {  	v2 =	vld [tilespmem:s29+$0xB650]  }
0x140: {  	v1 =	vld [tilespmem:s29+$0xB660]  }
0x141: {  	v0 =	vld [tilespmem:s29+$0xB670]  }
0x142: {  	v12 =	vld [tilespmem:s29+$0x3600]  }
0x143: {  	v13 =	vld [tilespmem:s29+$0x3610]  }
0x144: {  	v10 =	vld [tilespmem:s29+$0x3620]  }
0x145: {  	v9 =	vld [tilespmem:s29+$0x3630]  }
0x146: {  	v8 =	vld [tilespmem:s29+$0x3640]  }
0x147: {  	v7 =	vld [tilespmem:s29+$0x3650];
	v12 =	vadd.f32 v6, v12  }
0x148: {  	s30 =	simm.s32 $0x200;
	v11 =	vadd.f32 v11, v13;
	v6 =	vld [tilespmem:s29+$0x3660]  }
.LBB2_15:
0x149: {  	s2 =	sshra.s32 s30, $0x2;
	p3 =	sne.s32 s30, $0xFE00;
	v12 =	vmul.f32 $5.000000000e-01, v12;
	v5 =	vadd.f32 v5, v10;
	v10 =	vld [tilespmem:s29+$0x3670]  }
0x14a: {  	v13 =	vld [tilespmem:s2+$0xB600];
	v11 =	vmul.f32 $5.000000000e-01, v11;
	v4 =	vadd.f32 v4, v9  }
0x14b: {  	v14 =	vld [tilespmem:s2+$0xB610];
	[tilespmem:s29+$0x3600] =	vst v12;
	v9 =	vmul.f32 $5.000000000e-01, v5;
	v3 =	vadd.f32 v3, v8  }
0x14c: {  	v5 =	vld [tilespmem:s2+$0xB620];
	[tilespmem:s29+$0x3610] =	vst v11;
	v8 =	vmul.f32 $5.000000000e-01, v4;
	v2 =	vadd.f32 v2, v7  }
0x14d: {  	v4 =	vld [tilespmem:s2+$0xB630];
	[tilespmem:s29+$0x3620] =	vst v9;
	v7 =	vmul.f32 $5.000000000e-01, v3;
	v1 =	vadd.f32 v1, v6  }
0x14e: {  	v3 =	vld [tilespmem:s2+$0xB640];
	[tilespmem:s29+$0x3630] =	vst v8;
	v6 =	vmul.f32 $5.000000000e-01, v2;
	v0 =	vadd.f32 v0, v10  }
0x14f: {  	v2 =	vld [tilespmem:s2+$0xB650];
	[tilespmem:s29+$0x3640] =	vst v7;
	v7 =	vmul.f32 $5.000000000e-01, v1  }
0x150: {  	v1 =	vld [tilespmem:s2+$0xB660];
	[tilespmem:s29+$0x3650] =	vst v6;
	v6 =	vmul.f32 $5.000000000e-01, v0  }
0x151: {  	v0 =	vld [tilespmem:s2+$0xB670];
	[tilespmem:s29+$0x3660] =	vst v7  }
0x152: {  	v7 =	vld [tilespmem:s2+$0x3600];
	[tilespmem:s29+$0x3670] =	vst v6;
	s29 =	smov.u32 s2  }
0x153: {  	v6 =	vld [tilespmem:s29+$0x3610]  }
.Ltmp9:
0x154: {  	v10 =	vld [tilespmem:s29+$0x3620];
	(pc) =	sbr.rel @p3 .LBB2_15-.Ltmp9, $4  }
0x155: {  	v9 =	vld [tilespmem:s29+$0x3630]  }
0x156: {  	v8 =	vld [tilespmem:s29+$0x3640]  }
0x157: {  	v12 =	vadd.f32 v13, v7;
	v7 =	vld [tilespmem:s29+$0x3650]  }
0x158: {  	s30 =	sadd.s32 $0x200, s30;
	v11 =	vadd.f32 v14, v6;
	v6 =	vld [tilespmem:s29+$0x3660]  }
0x159: {  	v12 =	vmul.f32 $5.000000000e-01, v12;
	v5 =	vadd.f32 v5, v10;
	v10 =	vld [tilespmem:s29+$0x3670]  }
0x15a: {  	v11 =	vmul.f32 $5.000000000e-01, v11;
	v4 =	vadd.f32 v4, v9  }
0x15b: {  	[tilespmem:s29+$0x3600] =	vst v12;
	v5 =	vmul.f32 $5.000000000e-01, v5;
	v3 =	vadd.f32 v3, v8  }
0x15c: {  	[tilespmem:s29+$0x3610] =	vst v11;
	v4 =	vmul.f32 $5.000000000e-01, v4;
	v2 =	vadd.f32 v2, v7  }
0x15d: {  	[tilespmem:s29+$0x3620] =	vst v5;
	v3 =	vmul.f32 $5.000000000e-01, v3;
	v1 =	vadd.f32 v1, v6  }
0x15e: {  	[tilespmem:s29+$0x3630] =	vst v4;
	v2 =	vmul.f32 $5.000000000e-01, v2;
	v0 =	vadd.f32 v0, v10  }
0x15f: {  	[tilespmem:s29+$0x3640] =	vst v3;
	v1 =	vmul.f32 $5.000000000e-01, v1  }
0x160: {  	[tilespmem:s29+$0x3650] =	vst v2;
	v0 =	vmul.f32 $5.000000000e-01, v0  }
0x161: {  	s2 =	sshll.u32 s23, $0xC;
	[tilespmem:s29+$0x3660] =	vst v1  }
0x162: {  	s11 =	simm.s32 $0x0;
	s2 =	sadd.s32 s2, s9;
	[tilespmem:s29+$0x3670] =	vst v0  }
0x163: {  	[hbm4b:s2+s11] =	stream.linear.scatter [tilespmem:s13], [sflag:$0x3], $0x4000, $0x38;
	[tilespmem:$0x19A00] =	vst v63  }
0x164: {  	_ =	swait.ge [sflag:s5], $0x4000  }
0x165: {  	[sflag:s5] =	ssyncset.done $0x0  }
0x166: {  	s11 =	sadd.s32 $0x100, s28;
	[sflag:s5] =	ssyncadd.s32 $0xFFFFC000  }
0x167: {  	[tilespmem:s13], [sflag:$0x1] =	stream.indirect.gather [hbm4b:s0+s12], $0x80, s11, s12, $0xb8;
	[tilespmem:$0x19A00] =	vst v63  }
0x168: {  	s30 =	sadd.s32 $0x1C00, s28  }
0x169: {  	[tilespmem:s14], [sflag:$0x1] =	stream.indirect.gather [hbm4b:s0+s12], $0x80, s30, s12, $0xb8;
	[tilespmem:$0x19A00] =	vst v63  }
0x16a: {  	_ =	swait.ge [sflag:s6], $0x4000  }
0x16b: {  	[sflag:s6] =	ssyncset.done $0x0  }
0x16c: {  	[sflag:s6] =	ssyncadd.s32 $0xFFFFC000  }
0x16d: {  	_ =	swait.ge [sflag:s6], $0x4000  }
0x16e: {  	[sflag:s6] =	ssyncset.done $0x0  }
0x16f: {  	s28 =	simm.s32 $0x0;
	[sflag:s6] =	ssyncadd.s32 $0xFFFFC000  }
0x170: {  	v6 =	vld [tilespmem:s28+$0xF600]  }
0x171: {  	v11 =	vld [tilespmem:s28+$0xF610]  }
0x172: {  	v5 =	vld [tilespmem:s28+$0xF620]  }
0x173: {  	v4 =	vld [tilespmem:s28+$0xF630]  }
0x174: {  	v3 =	vld [tilespmem:s28+$0xF640]  }
0x175: {  	v2 =	vld [tilespmem:s28+$0xF650]  }
0x176: {  	v1 =	vld [tilespmem:s28+$0xF660]  }
0x177: {  	v0 =	vld [tilespmem:s28+$0xF670]  }
0x178: {  	v12 =	vld [tilespmem:s28+$0x7600]  }
0x179: {  	v13 =	vld [tilespmem:s28+$0x7610]  }
0x17a: {  	v10 =	vld [tilespmem:s28+$0x7620]  }
0x17b: {  	v9 =	vld [tilespmem:s28+$0x7630]  }
0x17c: {  	v8 =	vld [tilespmem:s28+$0x7640]  }
0x17d: {  	v7 =	vld [tilespmem:s28+$0x7650];
	v12 =	vadd.f32 v6, v12  }
0x17e: {  	s29 =	simm.s32 $0x200;
	v11 =	vadd.f32 v11, v13;
	v6 =	vld [tilespmem:s28+$0x7660]  }
.LBB2_17:
0x17f: {  	s2 =	sshra.s32 s29, $0x2;
	p3 =	sne.s32 s29, $0xFE00;
	v12 =	vmul.f32 $5.000000000e-01, v12;
	v5 =	vadd.f32 v5, v10;
	v10 =	vld [tilespmem:s28+$0x7670]  }
0x180: {  	v13 =	vld [tilespmem:s2+$0xF600];
	v11 =	vmul.f32 $5.000000000e-01, v11;
	v4 =	vadd.f32 v4, v9  }
0x181: {  	v14 =	vld [tilespmem:s2+$0xF610];
	[tilespmem:s28+$0x7600] =	vst v12;
	v9 =	vmul.f32 $5.000000000e-01, v5;
	v3 =	vadd.f32 v3, v8  }
0x182: {  	v5 =	vld [tilespmem:s2+$0xF620];
	[tilespmem:s28+$0x7610] =	vst v11;
	v8 =	vmul.f32 $5.000000000e-01, v4;
	v2 =	vadd.f32 v2, v7  }
0x183: {  	v4 =	vld [tilespmem:s2+$0xF630];
	[tilespmem:s28+$0x7620] =	vst v9;
	v7 =	vmul.f32 $5.000000000e-01, v3;
	v1 =	vadd.f32 v1, v6  }
0x184: {  	v3 =	vld [tilespmem:s2+$0xF640];
	[tilespmem:s28+$0x7630] =	vst v8;
	v6 =	vmul.f32 $5.000000000e-01, v2;
	v0 =	vadd.f32 v0, v10  }
0x185: {  	v2 =	vld [tilespmem:s2+$0xF650];
	[tilespmem:s28+$0x7640] =	vst v7;
	v7 =	vmul.f32 $5.000000000e-01, v1  }
0x186: {  	v1 =	vld [tilespmem:s2+$0xF660];
	[tilespmem:s28+$0x7650] =	vst v6;
	v6 =	vmul.f32 $5.000000000e-01, v0  }
0x187: {  	v0 =	vld [tilespmem:s2+$0xF670];
	[tilespmem:s28+$0x7660] =	vst v7  }
0x188: {  	v7 =	vld [tilespmem:s2+$0x7600];
	[tilespmem:s28+$0x7670] =	vst v6;
	s28 =	smov.u32 s2  }
0x189: {  	v6 =	vld [tilespmem:s28+$0x7610]  }
.Ltmp10:
0x18a: {  	v10 =	vld [tilespmem:s28+$0x7620];
	(pc) =	sbr.rel @p3 .LBB2_17-.Ltmp10, $4  }
0x18b: {  	v9 =	vld [tilespmem:s28+$0x7630]  }
0x18c: {  	v8 =	vld [tilespmem:s28+$0x7640]  }
0x18d: {  	v12 =	vadd.f32 v13, v7;
	v7 =	vld [tilespmem:s28+$0x7650]  }
0x18e: {  	s29 =	sadd.s32 $0x200, s29;
	v11 =	vadd.f32 v14, v6;
	v6 =	vld [tilespmem:s28+$0x7660]  }
0x18f: {  	v12 =	vmul.f32 $5.000000000e-01, v12;
	v5 =	vadd.f32 v5, v10;
	v63 =	vld [tilespmem:s28+$0x7670]  }
0x190: {  	v11 =	vmul.f32 $5.000000000e-01, v11;
	v4 =	vadd.f32 v4, v9  }
0x191: {  	[tilespmem:s28+$0x7600] =	vst v12;
	v5 =	vmul.f32 $5.000000000e-01, v5;
	v3 =	vadd.f32 v3, v8  }
0x192: {  	[tilespmem:s28+$0x7610] =	vst v11;
	v4 =	vmul.f32 $5.000000000e-01, v4;
	v2 =	vadd.f32 v2, v7  }
0x193: {  	s23 =	sadd.s32 $0x1, s23;
	[tilespmem:s28+$0x7620] =	vst v5;
	v3 =	vmul.f32 $5.000000000e-01, v3;
	v1 =	vadd.f32 v1, v6  }
0x194: {  	p3 =	sne.s32 s23, $0x1A;
	[tilespmem:s28+$0x7630] =	vst v4;
	v2 =	vmul.f32 $5.000000000e-01, v2;
	v0 =	vadd.f32 v0, v63  }
.Ltmp11:
0x195: {  	[tilespmem:s28+$0x7640] =	vst v3;
	v1 =	vmul.f32 $5.000000000e-01, v1;
	(pc) =	sbr.rel @p3 .LBB2_14-.Ltmp11, $4  }
0x196: {  	s2 =	sadd.s32 s7, s24;
	[tilespmem:s28+$0x7650] =	vst v2;
	v0 =	vmul.f32 $5.000000000e-01, v0  }
0x197: {  	s2 =	sshll.u32 s2, $0x4;
	[tilespmem:s28+$0x7660] =	vst v1  }
0x198: {  	s2 =	sadd.s32 s1, s2;
	[tilespmem:s28+$0x7670] =	vst v0  }
0x199: {  	[hbm4b:s2+s4] =	stream.linear.scatter [tilespmem:s15], [sflag:$0x4], $0x4000, $0x38;
	[tilespmem:$0x19A00] =	vst v63  }
0x19a: {  	_ =	swait.ge [sflag:s8], $0x4000  }
0x19b: {  	[sflag:s8] =	ssyncset.done $0x0  }
0x19c: {  	s2 =	simm.s32 $0x1A80;
	[sflag:s8] =	ssyncadd.s32 $0xFFFFC000  }
0x19d: {  	[tilespmem:s15], [sflag:$0x2] =	stream.indirect.gather [hbm4b:s0+s12], $0x80, s2, s12, $0xb8;
	[tilespmem:$0x19A00] =	vst v63  }
0x19e: {  	s30 =	simm.s32 $0x3580  }
0x19f: {  	[tilespmem:s16], [sflag:$0x2] =	stream.indirect.gather [hbm4b:s0+s12], $0x80, s30, s12, $0xb8;
	[tilespmem:$0x19A00] =	vst v63  }
0x1a0: {  	_ =	swait.ge [sflag:s3], $0x4000  }
0x1a1: {  	[sflag:s3] =	ssyncset.done $0x0  }
0x1a2: {  	[sflag:s3] =	ssyncadd.s32 $0xFFFFC000  }
0x1a3: {  	_ =	swait.ge [sflag:s3], $0x4000  }
0x1a4: {  	[sflag:s3] =	ssyncset.done $0x0  }
0x1a5: {  	s23 =	simm.s32 $0x0;
	[sflag:s3] =	ssyncadd.s32 $0xFFFFC000  }
0x1a6: {  	v6 =	vld [tilespmem:s23+$0xB600]  }
0x1a7: {  	v11 =	vld [tilespmem:s23+$0xB610]  }
0x1a8: {  	v5 =	vld [tilespmem:s23+$0xB620]  }
0x1a9: {  	v4 =	vld [tilespmem:s23+$0xB630]  }
0x1aa: {  	v3 =	vld [tilespmem:s23+$0xB640]  }
0x1ab: {  	v2 =	vld [tilespmem:s23+$0xB650]  }
0x1ac: {  	v1 =	vld [tilespmem:s23+$0xB660]  }
0x1ad: {  	v0 =	vld [tilespmem:s23+$0xB670]  }
0x1ae: {  	v12 =	vld [tilespmem:s23+$0x3600]  }
0x1af: {  	v13 =	vld [tilespmem:s23+$0x3610]  }
0x1b0: {  	v10 =	vld [tilespmem:s23+$0x3620]  }
0x1b1: {  	v9 =	vld [tilespmem:s23+$0x3630]  }
0x1b2: {  	v8 =	vld [tilespmem:s23+$0x3640]  }
0x1b3: {  	v7 =	vld [tilespmem:s23+$0x3650];
	v12 =	vadd.f32 v6, v12  }
0x1b4: {  	s24 =	simm.s32 $0x200;
	v11 =	vadd.f32 v11, v13;
	v6 =	vld [tilespmem:s23+$0x3660]  }
.LBB2_20:
0x1b5: {  	s2 =	sshra.s32 s24, $0x2;
	p3 =	sne.s32 s24, $0xFE00;
	v12 =	vmul.f32 $5.000000000e-01, v12;
	v5 =	vadd.f32 v5, v10;
	v10 =	vld [tilespmem:s23+$0x3670]  }
0x1b6: {  	v13 =	vld [tilespmem:s2+$0xB600];
	v11 =	vmul.f32 $5.000000000e-01, v11;
	v4 =	vadd.f32 v4, v9  }
0x1b7: {  	v14 =	vld [tilespmem:s2+$0xB610];
	[tilespmem:s23+$0x3600] =	vst v12;
	v9 =	vmul.f32 $5.000000000e-01, v5;
	v3 =	vadd.f32 v3, v8  }
0x1b8: {  	v5 =	vld [tilespmem:s2+$0xB620];
	[tilespmem:s23+$0x3610] =	vst v11;
	v8 =	vmul.f32 $5.000000000e-01, v4;
	v2 =	vadd.f32 v2, v7  }
0x1b9: {  	v4 =	vld [tilespmem:s2+$0xB630];
	[tilespmem:s23+$0x3620] =	vst v9;
	v7 =	vmul.f32 $5.000000000e-01, v3;
	v1 =	vadd.f32 v1, v6  }
0x1ba: {  	v3 =	vld [tilespmem:s2+$0xB640];
	[tilespmem:s23+$0x3630] =	vst v8;
	v6 =	vmul.f32 $5.000000000e-01, v2;
	v0 =	vadd.f32 v0, v10  }
0x1bb: {  	v2 =	vld [tilespmem:s2+$0xB650];
	[tilespmem:s23+$0x3640] =	vst v7;
	v7 =	vmul.f32 $5.000000000e-01, v1  }
0x1bc: {  	v1 =	vld [tilespmem:s2+$0xB660];
	[tilespmem:s23+$0x3650] =	vst v6;
	v6 =	vmul.f32 $5.000000000e-01, v0  }
0x1bd: {  	v0 =	vld [tilespmem:s2+$0xB670];
	[tilespmem:s23+$0x3660] =	vst v7  }
0x1be: {  	v7 =	vld [tilespmem:s2+$0x3600];
	[tilespmem:s23+$0x3670] =	vst v6;
	s23 =	smov.u32 s2  }
0x1bf: {  	v6 =	vld [tilespmem:s23+$0x3610]  }
.Ltmp12:
0x1c0: {  	v10 =	vld [tilespmem:s23+$0x3620];
	(pc) =	sbr.rel @p3 .LBB2_20-.Ltmp12, $4  }
0x1c1: {  	v9 =	vld [tilespmem:s23+$0x3630]  }
0x1c2: {  	v8 =	vld [tilespmem:s23+$0x3640]  }
0x1c3: {  	v12 =	vadd.f32 v13, v7;
	v7 =	vld [tilespmem:s23+$0x3650]  }
0x1c4: {  	s24 =	sadd.s32 $0x200, s24;
	v11 =	vadd.f32 v14, v6;
	v6 =	vld [tilespmem:s23+$0x3660]  }
0x1c5: {  	v12 =	vmul.f32 $5.000000000e-01, v12;
	v5 =	vadd.f32 v5, v10;
	v10 =	vld [tilespmem:s23+$0x3670]  }
0x1c6: {  	v11 =	vmul.f32 $5.000000000e-01, v11;
	v4 =	vadd.f32 v4, v9  }
0x1c7: {  	[tilespmem:s23+$0x3600] =	vst v12;
	v5 =	vmul.f32 $5.000000000e-01, v5;
	v3 =	vadd.f32 v3, v8  }
0x1c8: {  	[tilespmem:s23+$0x3610] =	vst v11;
	v4 =	vmul.f32 $5.000000000e-01, v4;
	v2 =	vadd.f32 v2, v7  }
0x1c9: {  	[tilespmem:s23+$0x3620] =	vst v5;
	v3 =	vmul.f32 $5.000000000e-01, v3;
	v1 =	vadd.f32 v1, v6  }
0x1ca: {  	[tilespmem:s23+$0x3630] =	vst v4;
	v2 =	vmul.f32 $5.000000000e-01, v2;
	v0 =	vadd.f32 v0, v10  }
0x1cb: {  	[tilespmem:s23+$0x3640] =	vst v3;
	v1 =	vmul.f32 $5.000000000e-01, v1  }
0x1cc: {  	[tilespmem:s23+$0x3650] =	vst v2;
	v0 =	vmul.f32 $5.000000000e-01, v0  }
0x1cd: {  	[tilespmem:s23+$0x3660] =	vst v1  }
0x1ce: {  	s2 =	simm.s32 $0x0;
	s11 =	rddreg [dreg:$0x7];
	[tilespmem:s23+$0x3670] =	vst v0  }
0x1cf: {  	[hbm4b:s11+s2] =	stream.linear.scatter [tilespmem:s13], [sflag:$0x3], $0x4000, $0x38;
	[tilespmem:$0x19A00] =	vst v63  }
0x1d0: {  	_ =	swait.ge [sflag:s6], $0x4000  }
0x1d1: {  	[sflag:s6] =	ssyncset.done $0x0  }
0x1d2: {  	[sflag:s6] =	ssyncadd.s32 $0xFFFFC000  }
0x1d3: {  	_ =	swait.ge [sflag:s6], $0x4000  }
0x1d4: {  	[sflag:s6] =	ssyncset.done $0x0  }
0x1d5: {  	s23 =	simm.s32 $0x0;
	[sflag:s6] =	ssyncadd.s32 $0xFFFFC000  }
0x1d6: {  	v6 =	vld [tilespmem:s23+$0xF600]  }
0x1d7: {  	v11 =	vld [tilespmem:s23+$0xF610]  }
0x1d8: {  	v5 =	vld [tilespmem:s23+$0xF620]  }
0x1d9: {  	v4 =	vld [tilespmem:s23+$0xF630]  }
0x1da: {  	v3 =	vld [tilespmem:s23+$0xF640]  }
0x1db: {  	v2 =	vld [tilespmem:s23+$0xF650]  }
0x1dc: {  	v1 =	vld [tilespmem:s23+$0xF660]  }
0x1dd: {  	v0 =	vld [tilespmem:s23+$0xF670]  }
0x1de: {  	v12 =	vld [tilespmem:s23+$0x7600]  }
0x1df: {  	v13 =	vld [tilespmem:s23+$0x7610]  }
0x1e0: {  	v10 =	vld [tilespmem:s23+$0x7620]  }
0x1e1: {  	v9 =	vld [tilespmem:s23+$0x7630]  }
0x1e2: {  	v8 =	vld [tilespmem:s23+$0x7640]  }
0x1e3: {  	v7 =	vld [tilespmem:s23+$0x7650];
	v12 =	vadd.f32 v6, v12  }
0x1e4: {  	s24 =	simm.s32 $0x200;
	v11 =	vadd.f32 v11, v13;
	v6 =	vld [tilespmem:s23+$0x7660]  }
.LBB2_22:
0x1e5: {  	s2 =	sshra.s32 s24, $0x2;
	p3 =	sne.s32 s24, $0xFE00;
	v12 =	vmul.f32 $5.000000000e-01, v12;
	v5 =	vadd.f32 v5, v10;
	v10 =	vld [tilespmem:s23+$0x7670]  }
0x1e6: {  	v13 =	vld [tilespmem:s2+$0xF600];
	v11 =	vmul.f32 $5.000000000e-01, v11;
	v4 =	vadd.f32 v4, v9  }
0x1e7: {  	v14 =	vld [tilespmem:s2+$0xF610];
	[tilespmem:s23+$0x7600] =	vst v12;
	v9 =	vmul.f32 $5.000000000e-01, v5;
	v3 =	vadd.f32 v3, v8  }
0x1e8: {  	v5 =	vld [tilespmem:s2+$0xF620];
	[tilespmem:s23+$0x7610] =	vst v11;
	v8 =	vmul.f32 $5.000000000e-01, v4;
	v2 =	vadd.f32 v2, v7  }
0x1e9: {  	v4 =	vld [tilespmem:s2+$0xF630];
	[tilespmem:s23+$0x7620] =	vst v9;
	v7 =	vmul.f32 $5.000000000e-01, v3;
	v1 =	vadd.f32 v1, v6  }
0x1ea: {  	v3 =	vld [tilespmem:s2+$0xF640];
	[tilespmem:s23+$0x7630] =	vst v8;
	v6 =	vmul.f32 $5.000000000e-01, v2;
	v0 =	vadd.f32 v0, v10  }
0x1eb: {  	v2 =	vld [tilespmem:s2+$0xF650];
	[tilespmem:s23+$0x7640] =	vst v7;
	v7 =	vmul.f32 $5.000000000e-01, v1  }
0x1ec: {  	v1 =	vld [tilespmem:s2+$0xF660];
	[tilespmem:s23+$0x7650] =	vst v6;
	v6 =	vmul.f32 $5.000000000e-01, v0  }
0x1ed: {  	v0 =	vld [tilespmem:s2+$0xF670];
	[tilespmem:s23+$0x7660] =	vst v7  }
0x1ee: {  	v7 =	vld [tilespmem:s2+$0x7600];
	[tilespmem:s23+$0x7670] =	vst v6;
	s23 =	smov.u32 s2  }
0x1ef: {  	v6 =	vld [tilespmem:s23+$0x7610]  }
.Ltmp13:
0x1f0: {  	v10 =	vld [tilespmem:s23+$0x7620];
	(pc) =	sbr.rel @p3 .LBB2_22-.Ltmp13, $4  }
0x1f1: {  	v9 =	vld [tilespmem:s23+$0x7630]  }
0x1f2: {  	v8 =	vld [tilespmem:s23+$0x7640]  }
0x1f3: {  	v12 =	vadd.f32 v13, v7;
	v7 =	vld [tilespmem:s23+$0x7650]  }
0x1f4: {  	s24 =	sadd.s32 $0x200, s24;
	v11 =	vadd.f32 v14, v6;
	v6 =	vld [tilespmem:s23+$0x7660]  }
0x1f5: {  	v12 =	vmul.f32 $5.000000000e-01, v12;
	v5 =	vadd.f32 v5, v10;
	v63 =	vld [tilespmem:s23+$0x7670]  }
0x1f6: {  	v11 =	vmul.f32 $5.000000000e-01, v11;
	v4 =	vadd.f32 v4, v9  }
0x1f7: {  	[tilespmem:s23+$0x7600] =	vst v12;
	v5 =	vmul.f32 $5.000000000e-01, v5;
	v3 =	vadd.f32 v3, v8  }
0x1f8: {  	[tilespmem:s23+$0x7610] =	vst v11;
	v4 =	vmul.f32 $5.000000000e-01, v4;
	v2 =	vadd.f32 v2, v7  }
0x1f9: {  	[tilespmem:s23+$0x7620] =	vst v5;
	v3 =	vmul.f32 $5.000000000e-01, v3;
	v1 =	vadd.f32 v1, v6  }
0x1fa: {  	[tilespmem:s23+$0x7630] =	vst v4;
	v2 =	vmul.f32 $5.000000000e-01, v2;
	v0 =	vadd.f32 v0, v63  }
0x1fb: {  	[tilespmem:s23+$0x7640] =	vst v3;
	v1 =	vmul.f32 $5.000000000e-01, v1  }
0x1fc: {  	[tilespmem:s23+$0x7650] =	vst v2;
	v0 =	vmul.f32 $5.000000000e-01, v0  }
0x1fd: {  	[tilespmem:s23+$0x7660] =	vst v1  }
0x1fe: {  	s2 =	rddreg [dreg:$0x8];
	[tilespmem:s23+$0x7670] =	vst v0  }
0x1ff: {  	[hbm4b:s2+s4] =	stream.linear.scatter [tilespmem:s15], [sflag:$0x4], $0x4000, $0x38;
	[tilespmem:$0x19A00] =	vst v63  }
0x200: {  	s23 =	simm.s32 $0x3;
	s2 =	simm.s32 $0x4  }
.LBB2_24:
0x201: {  	_ =	swait.ge [sflag:s23], $0x4000  }
.Ltmp14:
0x202: {  	[sflag:s23] =	ssyncset.done $0x0;
	(pc) =	sbr.rel @p0 .LBB2_28-.Ltmp14, $4  }
0x203: {  	[sflag:s23] =	ssyncadd.s32 $0xFFFFC000  }
0x204: {  	_ =	swait.ge [sflag:s2], $0x4000  }
0x205: {  	[sflag:s2] =	ssyncset.done $0x0  }
0x206: {  	[sflag:s2] =	ssyncadd.s32 $0xFFFFC000  }
0x207: {  	s2 =	simm.s32 $0x0;
	s10 =	rddreg [dreg:$0xc]  }
0x208: {  	[tilespmem:s2], [sflag:$0x5] =	stream.linear.gather [hbm4b:s10+s2], $0x50, $0x38;
	[tilespmem:$0x19A00] =	vst v63  }
0x209: {  	_ =	swait.ge [sflag:s19], $0x50  }
0x20a: {  	[sflag:s19] =	ssyncset.done $0x0  }
0x20b: {  	s29 =	rddreg [dreg:$0xd];
	[sflag:s19] =	ssyncadd.s32 $0xFFFFFFB0  }
0x20c: {  	[tilespmem:s31], [sflag:$0x5] =	stream.linear.gather [hbm4b:s29+s2], $0x50, $0x38;
	[tilespmem:$0x19A00] =	vst v63  }
0x20d: {  	_ =	swait.ge [sflag:s19], $0x50  }
0x20e: {  	[sflag:s19] =	ssyncset.done $0x0  }
0x20f: {  	s30 =	simm.s32 $0x50;
	[sflag:s19] =	ssyncadd.s32 $0xFFFFFFB0  }
0x210: {  	[tilespmem:s13], [sflag:$0x1] =	stream.indirect.gather [hbm4b:s0+s30], $0x80, s2, s30, $0xb8;
	[tilespmem:$0x19A00] =	vst v63  }
0x211: {  	_ = 	snop  }
0x212: {  	[tilespmem:s14], [sflag:$0x1] =	stream.indirect.gather [hbm4b:s0+s30], $0x80, s31, s30, $0xb8;
	[tilespmem:$0x19A00] =	vst v63  }
0x213: {  	_ =	swait.ge [sflag:s3], $0x2800  }
0x214: {  	[sflag:s3] =	ssyncset.done $0x0  }
0x215: {  	[sflag:s3] =	ssyncadd.s32 $0xFFFFD800  }
0x216: {  	_ =	swait.ge [sflag:s3], $0x2800  }
0x217: {  	[sflag:s3] =	ssyncset.done $0x0  }
0x218: {  	s23 =	simm.s32 $0x0;
	[sflag:s3] =	ssyncadd.s32 $0xFFFFD800  }
0x219: {  	v6 =	vld [tilespmem:s23+$0xB600]  }
0x21a: {  	v11 =	vld [tilespmem:s23+$0xB610]  }
0x21b: {  	v5 =	vld [tilespmem:s23+$0xB620]  }
0x21c: {  	v4 =	vld [tilespmem:s23+$0xB630]  }
0x21d: {  	v3 =	vld [tilespmem:s23+$0xB640]  }
0x21e: {  	v2 =	vld [tilespmem:s23+$0xB650]  }
0x21f: {  	v1 =	vld [tilespmem:s23+$0xB660]  }
0x220: {  	v0 =	vld [tilespmem:s23+$0xB670]  }
0x221: {  	v12 =	vld [tilespmem:s23+$0x3600]  }
0x222: {  	v13 =	vld [tilespmem:s23+$0x3610]  }
0x223: {  	v10 =	vld [tilespmem:s23+$0x3620]  }
0x224: {  	v9 =	vld [tilespmem:s23+$0x3630]  }
0x225: {  	v8 =	vld [tilespmem:s23+$0x3640]  }
0x226: {  	v7 =	vld [tilespmem:s23+$0x3650];
	v12 =	vadd.f32 v6, v12  }
0x227: {  	s24 =	simm.s32 $0x200;
	v11 =	vadd.f32 v11, v13;
	v6 =	vld [tilespmem:s23+$0x3660]  }
.LBB2_26:
0x228: {  	s2 =	sshra.s32 s24, $0x2;
	p3 =	sne.s32 s24, $0x9E00;
	v12 =	vmul.f32 $5.000000000e-01, v12;
	v5 =	vadd.f32 v5, v10;
	v10 =	vld [tilespmem:s23+$0x3670]  }
0x229: {  	v13 =	vld [tilespmem:s2+$0xB600];
	v11 =	vmul.f32 $5.000000000e-01, v11;
	v4 =	vadd.f32 v4, v9  }
0x22a: {  	v14 =	vld [tilespmem:s2+$0xB610];
	[tilespmem:s23+$0x3600] =	vst v12;
	v9 =	vmul.f32 $5.000000000e-01, v5;
	v3 =	vadd.f32 v3, v8  }
0x22b: {  	v5 =	vld [tilespmem:s2+$0xB620];
	[tilespmem:s23+$0x3610] =	vst v11;
	v8 =	vmul.f32 $5.000000000e-01, v4;
	v2 =	vadd.f32 v2, v7  }
0x22c: {  	v4 =	vld [tilespmem:s2+$0xB630];
	[tilespmem:s23+$0x3620] =	vst v9;
	v7 =	vmul.f32 $5.000000000e-01, v3;
	v1 =	vadd.f32 v1, v6  }
0x22d: {  	v3 =	vld [tilespmem:s2+$0xB640];
	[tilespmem:s23+$0x3630] =	vst v8;
	v6 =	vmul.f32 $5.000000000e-01, v2;
	v0 =	vadd.f32 v0, v10  }
0x22e: {  	v2 =	vld [tilespmem:s2+$0xB650];
	[tilespmem:s23+$0x3640] =	vst v7;
	v7 =	vmul.f32 $5.000000000e-01, v1  }
0x22f: {  	v1 =	vld [tilespmem:s2+$0xB660];
	[tilespmem:s23+$0x3650] =	vst v6;
	v6 =	vmul.f32 $5.000000000e-01, v0  }
0x230: {  	v0 =	vld [tilespmem:s2+$0xB670];
	[tilespmem:s23+$0x3660] =	vst v7  }
0x231: {  	v7 =	vld [tilespmem:s2+$0x3600];
	[tilespmem:s23+$0x3670] =	vst v6;
	s23 =	smov.u32 s2  }
0x232: {  	v6 =	vld [tilespmem:s23+$0x3610]  }
.Ltmp15:
0x233: {  	v10 =	vld [tilespmem:s23+$0x3620];
	(pc) =	sbr.rel @p3 .LBB2_26-.Ltmp15, $4  }
0x234: {  	v9 =	vld [tilespmem:s23+$0x3630]  }
0x235: {  	v8 =	vld [tilespmem:s23+$0x3640]  }
0x236: {  	v12 =	vadd.f32 v13, v7;
	v7 =	vld [tilespmem:s23+$0x3650]  }
0x237: {  	s24 =	sadd.s32 $0x200, s24;
	v11 =	vadd.f32 v14, v6;
	v6 =	vld [tilespmem:s23+$0x3660]  }
0x238: {  	v12 =	vmul.f32 $5.000000000e-01, v12;
	v5 =	vadd.f32 v5, v10;
	v63 =	vld [tilespmem:s23+$0x3670]  }
0x239: {  	v11 =	vmul.f32 $5.000000000e-01, v11;
	v4 =	vadd.f32 v4, v9  }
0x23a: {  	[tilespmem:s23+$0x3600] =	vst v12;
	v5 =	vmul.f32 $5.000000000e-01, v5;
	v3 =	vadd.f32 v3, v8  }
0x23b: {  	[tilespmem:s23+$0x3610] =	vst v11;
	v4 =	vmul.f32 $5.000000000e-01, v4;
	v2 =	vadd.f32 v2, v7  }
0x23c: {  	[tilespmem:s23+$0x3620] =	vst v5;
	v3 =	vmul.f32 $5.000000000e-01, v3;
	v1 =	vadd.f32 v1, v6  }
0x23d: {  	[tilespmem:s23+$0x3630] =	vst v4;
	v2 =	vmul.f32 $5.000000000e-01, v2;
	v0 =	vadd.f32 v0, v63  }
0x23e: {  	[tilespmem:s23+$0x3640] =	vst v3;
	v1 =	vmul.f32 $5.000000000e-01, v1  }
0x23f: {  	[tilespmem:s23+$0x3650] =	vst v2;
	v0 =	vmul.f32 $5.000000000e-01, v0  }
0x240: {  	[tilespmem:s23+$0x3660] =	vst v1  }
.Ltmp16:
0x241: {  	s2 =	rddreg [dreg:$0x11];
	[tilespmem:s23+$0x3670] =	vst v0;
	(pc) =	sbr.rel .LBB2_28-.Ltmp16, $4  }
0x242: {  	[hbm4b:s2+s4] =	stream.linear.scatter [tilespmem:s13], [sflag:$0x5], $0x2800, $0x38;
	[tilespmem:$0x19A00] =	vst v63  }
0x243: {  	_ =	swait.ge [sflag:s19], $0x2800  }
0x244: {  	[sflag:s19] =	ssyncset.done $0x0  }
0x245: {  	[sflag:s19] =	ssyncadd.s32 $0xFFFFD800  }
.LBB2_29:
0x246: {  	_ =	sfence.sel $0x180000  }
0x247: {  	[bflag:$0x0] =	sbarrier.arrive $0xFFFF  }
0x248: {  	_ =	strace $0x90000047  }
0x249: {  	[bflag:$0x2] =	sbarrier.arrive $0xFFFF  }
0x24a: {  	s0 =	rddreg [dreg:$0x4]  }
0x24b: {  	s0 =	sadd.s32 @!p1 $0x100000, s0  }
0x24c: {  	[sflag:s0] =	ssyncadd.tile.s32 @!p1 $0x1;
	_ =	shalt  }
.Lfunc_end2:
_tile_overlayer_lowered:
.L_overlay_start_2:
0x24d: {  	(tag) =	ssettag $0x2  }
0x24e: {  	s0 =	rddreg [dreg:$0x0];
	s2 =	stileid.u32  }
0x24f: {  	s1 =	rddreg [dreg:$0x1];
	p0 =	sne.s32 s2, $0x0  }
0x250: {  	s3 =	rddreg [dreg:$0x2];
	[bflag:$0x3] =	sbarrier.arrive $0xFFFF;
	s2 =	simm.s32 @!p0 $0x1C05  }
0x251: {  	[timem:s3], [sflag:s2] =	dma.local @!p0 [hbm:s0], s1  }
0x252: {  	s0 =	simm.s32 @!p0 $0x5  }
0x253: {  	_ =	swait.ge @!p0 [sflag:s0], s1  }
0x254: {  	s1 =	ssub.s32 @!p0 $0x0, s1;
	[sflag:s0] =	ssyncset.done @!p0 $0x0  }
0x255: {  	[sflag:s0] =	ssyncadd.s32 @!p0 s1  }
0x256: {  	[bflag:$0x3] =	sbarrier.arrive $0xFFFF  }
0x257: {  	_ =	shalt  }

</sc_bundles>
